<compile_context>
chip_gen: v7x
topology: tpu7x:2x2x1
jax: 0.10.2.dev20260603
libtpu: 0.0.44.dev20260713+nightly
codegen_flags: <defaults>
</compile_context>

<pallas_src>
import functools

import jax
import jax.numpy as jnp
from jax import lax
from jax.experimental import pallas as pl
from jax.experimental.pallas import tpu as pltpu
from jax.experimental.pallas import tpu_sc as plsc

P0, P1, P2 = 73856093, 19349663, 83492791
TABLE = 1 << 20
N = 500000
D = 16

NW = 32
BPW = TABLE // NW
QB = 2048
VPB = QB // 16
CPT = 15632
HMASK = TABLE - 1

_mesh = plsc.VectorSubcoreMesh(core_axis_name="c", subcore_axis_name="s")
_params = pltpu.CompilerParams(
    needs_layout_passes=False, use_tc_tiling_on_sc=False
)


_I = jnp.int32


def _wid():
    return lax.axis_index("s") * _I(2) + lax.axis_index("c")


def _tile_range(wid):
    i0 = wid * _I(CPT)
    cnt = jnp.minimum(_I(CPT), _I(N) - i0)
    return i0, cnt


SEG_CAP = 1024
SEGW = NW * SEG_CAP
SLACK = 2048
SENT = 0x7FFFFFFF


@functools.partial(
    pl.kernel,
    out_type=[
        jax.ShapeDtypeStruct((N,), jnp.int32),
        jax.ShapeDtypeStruct((NW * SEGW,), jnp.int32),
        jax.ShapeDtypeStruct((NW * SEGW,), jnp.int32),
    ],
    mesh=_mesh,
    compiler_params=_params,
    scratch_types=[
        pltpu.VMEM((QB,), jnp.int32),
        pltpu.VMEM((QB,), jnp.int32),
        pltpu.VMEM((QB,), jnp.int32),
        pltpu.VMEM((QB,), jnp.int32),
        pltpu.VMEM((SEGW + SLACK,), jnp.int32),
        pltpu.VMEM((SEGW + SLACK,), jnp.int32),
        pltpu.VMEM((32,), jnp.int32),
        pltpu.SemaphoreType.DMA,
    ],
)
def _route_k(xyz_hbm, h_hbm, segh_hbm, segj_hbm,
             xv, yv, zv, hv, segh_v, segj_v, cnt_v, sem):
    wid = _wid()
    i0, cnt = _tile_range(wid)
    trips = (cnt + _I(QB - 1)) // _I(QB)
    lanes = lax.iota(jnp.int32, 16)

    sent = jnp.full((16,), SENT, jnp.int32)

    def sinit(k, carry):
        segh_v[pl.ds(k * _I(16), 16)] = sent
        return carry

    lax.fori_loop(_I(0), _I((SEGW + SLACK) // 16), sinit, _I(0))
    cnt_v[pl.ds(_I(0), 16)] = jnp.zeros((16,), jnp.int32)
    cnt_v[pl.ds(_I(16), 16)] = jnp.zeros((16,), jnp.int32)

    p0 = jnp.full((16,), P0, jnp.int32)
    p1 = jnp.full((16,), P1, jnp.int32)
    p2 = jnp.full((16,), P2, jnp.int32)
    hm = jnp.full((16,), HMASK, jnp.int32)
    prev_i = jnp.maximum(lanes - _I(1), _I(0))
    next_i = jnp.minimum(lanes + _I(1), _I(15))

    def block(k, carry):
        off = i0 + jnp.minimum(k * _I(QB), cnt - _I(QB))

        pltpu.sync_copy(xyz_hbm.at[pl.ds(off, QB)], xv)
        pltpu.sync_copy(xyz_hbm.at[pl.ds(off + _I(N), QB)], yv)
        pltpu.sync_copy(xyz_hbm.at[pl.ds(off + _I(2 * N), QB)], zv)

        def vec(v, c2):
            s = v * _I(16)
            h = (
                xv[pl.ds(s, 16)] * p0
                + yv[pl.ds(s, 16)] * p1
                + zv[pl.ds(s, 16)] * p2
            ) & hm
            hv[pl.ds(s, 16)] = h
            sk = jnp.sort((h << _I(4)) | lanes)
            ow = sk >> _I(19)
            prev = sk.at[prev_i].get(mode="promise_in_bounds") >> _I(19)
            nxt = sk.at[next_i].get(mode="promise_in_bounds") >> _I(19)
            chg = (ow != prev) | (lanes == _I(0))
            re = (ow != nxt) | (lanes == _I(15))
            runstart = plsc.cummax(jnp.where(chg, lanes, _I(0)))
            rank = lanes - runstart
            cntow = plsc.load_gather(cnt_v, [ow])
            addr = ow * _I(SEG_CAP) + cntow + rank
            plsc.store_scatter(segh_v, [addr], sk >> _I(4))
            plsc.store_scatter(segj_v, [addr], off + s + (sk & _I(15)))
            plsc.addupdate_scatter(cnt_v, [ow], rank + _I(1), mask=re)
            return c2

        lax.fori_loop(_I(0), _I(VPB), vec, _I(0))
        pltpu.sync_copy(hv, h_hbm.at[pl.ds(off, QB)])
        return carry

    lax.fori_loop(_I(0), trips, block, _I(0))

    cps = []
    for o in range(NW):
        dst = _I(o * SEGW) + wid * _I(SEG_CAP)
        cps.append(pltpu.async_copy(
            segh_v.at[pl.ds(_I(o * SEG_CAP), SEG_CAP)],
            segh_hbm.at[pl.ds(dst, SEG_CAP)], sem))
        cps.append(pltpu.async_copy(
            segj_v.at[pl.ds(_I(o * SEG_CAP), SEG_CAP)],
            segj_hbm.at[pl.ds(dst, SEG_CAP)], sem))
    for c in cps:
        c.wait()


UNROLL = 8


@functools.partial(
    pl.kernel,
    out_type=jax.ShapeDtypeStruct((TABLE,), jnp.int32),
    mesh=_mesh,
    compiler_params=_params,
    scratch_types=[
        pltpu.VMEM((SEGW,), jnp.int32),
        pltpu.VMEM((SEGW,), jnp.int32),
        pltpu.VMEM((BPW,), jnp.int32),
        pltpu.SemaphoreType.DMA,
    ],
)
def _build_k(segh_hbm, segj_hbm, win_hbm, sgh_v, sgj_v, win_v, sem):
    wid = _wid()
    base = wid * _I(BPW)
    zeros = jnp.zeros((16,), jnp.int32)

    def zinit(k, carry):
        win_v[pl.ds(k * _I(16), 16)] = zeros
        return carry

    lax.fori_loop(_I(0), _I(BPW // 16), zinit, _I(0))

    slab = wid * _I(SEGW)
    c0 = pltpu.async_copy(segh_hbm.at[pl.ds(slab, SEGW)], sgh_v, sem)
    c1 = pltpu.async_copy(segj_hbm.at[pl.ds(slab, SEGW)], sgj_v, sem)
    c0.wait()
    c1.wait()

    ubpw = jnp.full((16,), BPW, jnp.uint32)

    def vec(v, carry):
        s = v * _I(16 * UNROLL)
        for u in range(UNROLL):
            sl = pl.ds(s + u * 16, 16)
            idx = sgh_v[sl] - base
            m = plsc.bitcast(idx, jnp.uint32) < ubpw
            idxc = jnp.where(m, idx, _I(0))
            plsc.store_scatter(win_v, [idxc], sgj_v[sl], mask=m)
        return carry

    lax.fori_loop(_I(0), _I(SEGW // (16 * UNROLL)), vec, _I(0))
    pltpu.sync_copy(win_v, win_hbm.at[pl.ds(base, BPW)])


@functools.partial(
    pl.kernel,
    out_type=jax.ShapeDtypeStruct((N, D), jnp.float32),
    mesh=_mesh,
    compiler_params=_params,
    scratch_types=[
        pltpu.VMEM((QB,), jnp.int32),
        pltpu.VMEM((QB,), jnp.int32),
        pltpu.VMEM((QB, D), jnp.float32),
        pltpu.SemaphoreType.DMA,
    ],
)
def _query_k(h_hbm, win_hbm, feat_hbm, out_hbm, hv, gv, rows_v, sem):
    wid = _wid()
    i0, cnt = _tile_range(wid)
    trips = (cnt + _I(QB - 1)) // _I(QB)

    def block(k, carry):
        off = i0 + jnp.minimum(k * _I(QB), cnt - _I(QB))
        pltpu.sync_copy(h_hbm.at[pl.ds(off, QB)], hv)
        pltpu.async_copy(win_hbm.at[hv], gv, sem).wait()
        pltpu.async_copy(feat_hbm.at[gv], rows_v, sem).wait()
        pltpu.sync_copy(rows_v, out_hbm.at[pl.ds(off, QB)])
        return carry

    lax.fori_loop(_I(0), trips, block, _I(0))


def kernel(coords, features):
    xyz = coords.T.astype(jnp.int32).reshape(3 * N)
    h, segh, segj = _route_k(xyz)
    win = _build_k(segh, segj)
    return _query_k(h, win, features)

# --- scband reference (transcript-rebuilt; emitter-appended) ---
"""Pipeline reference for scband-hash-table-32083405701408 (READ-ONLY COPY).

The authoritative reference and input builder live on the scoring server;
editing this copy changes nothing except your own understanding.
"""

import jax
jax.config.update("jax_enable_x64", True)
import jax.numpy as jnp
import numpy as np

PRIMES = (73856093, 19349663, 83492791)
TABLE_SIZE = 1048576
N = 500000
D = 16


def _hash(coords, table_size):
    # Faithful to HashTable._hash: h = x*p0 + y*p1 + z*p2, then h % table_size.
    h = coords[:, 0] * PRIMES[0] + coords[:, 1] * PRIMES[1] + coords[:, 2] * PRIMES[2]
    return jnp.mod(h, table_size)


def setup_inputs(seed: int = 0) -> dict:
    key = jax.random.key(seed)
    k1, k2 = jax.random.split(key)
    coords = jax.random.randint(k1, (N, 3), 0, 1024, dtype=jnp.int64)
    features = jax.random.normal(k2, (N, D), dtype=jnp.float32)
    return {"coords": coords, "features": features}


def reference(coords, features):
    # insert(coords, features): dict comprehension over zip(h, features) ->
    # for duplicate hash keys the LAST feature wins (scatter-overwrite).
    h = _hash(coords, TABLE_SIZE)
    table = jnp.zeros((TABLE_SIZE, features.shape[1]), dtype=features.dtype)
    table = table.at[h].set(features)
    # query(coords): lookup by the same hash keys (missing -> zeros here; all
    # queried keys are present since we query the inserted coords).
    out = jnp.take(table, h, axis=0)
    return out

if __name__ == "__main__":
    import jax
    _d = setup_inputs()
    print(jax.jit(kernel)(*tuple(_d.values())))

</pallas_src>

<mosaic_0001>
#map = affine_map<(d0, d1) -> (0)>
module attributes {stable_mosaic.version = 14 : i64} {
  func.func @_route_k(%arg0: i32, %arg1: i32, %arg2: memref<1500000xi32, #tpu.memory_space<hbm>>, %arg3: memref<500000xi32, #tpu.memory_space<hbm>>, %arg4: memref<1048576xi32, #tpu.memory_space<hbm>>, %arg5: memref<1048576xi32, #tpu.memory_space<hbm>>, %arg6: memref<2048xi32, #tpu.memory_space<vmem>>, %arg7: memref<2048xi32, #tpu.memory_space<vmem>>, %arg8: memref<2048xi32, #tpu.memory_space<vmem>>, %arg9: memref<2048xi32, #tpu.memory_space<vmem>>, %arg10: memref<34816xi32, #tpu.memory_space<vmem>>, %arg11: memref<34816xi32, #tpu.memory_space<vmem>>, %arg12: memref<32xi32, #tpu.memory_space<vmem>>, %arg13: memref<!tpu.dma_semaphore, #tpu.memory_space<semaphore_mem>>) attributes {dimension_semantics = [#tpu.dimension_semantics<core_parallel>, #tpu.dimension_semantics<subcore_parallel>], iteration_bounds = array<i64: 2, 16>, scalar_prefetch = 0 : i64, scratch_operands = 8 : i64, tpu.core_type = #tpu.core_type<sc_vector_subcore>, window_params = [{transform_indices = #map}, {transform_indices = #map}, {transform_indices = #map}, {transform_indices = #map}]} {
    %mul3A = arith.constant 2 : i32
    %mul3A_0 = arith.muli %arg1, %mul3A : i32
    %add3A = arith.addi %mul3A_0, %arg0 : i32
    %mul3A_1 = arith.constant 15632 : i32
    %mul3A_2 = arith.muli %add3A, %mul3A_1 : i32
    %sub3A = arith.constant 500000 : i32
    %sub3A_3 = arith.subi %sub3A, %mul3A_2 : i32
    %min3A = arith.constant 15632 : i32
    %min3A_4 = arith.minsi %min3A, %sub3A_3 : i32
    %add3A_5 = arith.constant 2047 : i32
    %add3A_6 = arith.addi %min3A_4, %add3A_5 : i32
    %jit3A = arith.constant 2048 : i32
    %div3A = arith.divsi %add3A_6, %jit3A : i32
    %sign3A = arith.constant 0 : i32
    %sign3A_7 = arith.cmpi sgt, %add3A_6, %sign3A : i32
    %sign3A_8 = arith.extui %sign3A_7 : i1 to i32
    %sign3A_9 = arith.constant 0 : i32
    %sign3A_10 = arith.cmpi slt, %add3A_6, %sign3A_9 : i32
    %sign3A_11 = arith.extui %sign3A_10 : i1 to i32
    %sign3A_12 = arith.subi %sign3A_8, %sign3A_11 : i32
    %sign3A_13 = arith.constant 0 : i32
    %sign3A_14 = arith.cmpi sgt, %jit3A, %sign3A_13 : i32
    %sign3A_15 = arith.extui %sign3A_14 : i1 to i32
    %sign3A_16 = arith.constant 0 : i32
    %sign3A_17 = arith.cmpi slt, %jit3A, %sign3A_16 : i32
    %sign3A_18 = arith.extui %sign3A_17 : i1 to i32
    %sign3A_19 = arith.subi %sign3A_15, %sign3A_18 : i32
    %ne3A = arith.cmpi ne, %sign3A_12, %sign3A_19 : i32
    %rem3A = arith.remsi %add3A_6, %jit3A : i32
    %ne3A_20 = arith.constant 0 : i32
    %ne3A_21 = arith.cmpi ne, %rem3A, %ne3A_20 : i32
    %and3A = arith.andi %ne3A, %ne3A_21 : i1
    %sub3A_22 = arith.constant 1 : i32
    %sub3A_23 = arith.subi %div3A, %sub3A_22 : i32
    %select_n3A = arith.select %and3A, %sub3A_23, %div3A : i32
    %iota3A = tpu.iota {dimensions = array<i32: 0>} : vector<16xi32>
    %broadcast_in_dim3A = arith.constant 2147483647 : i32
    %broadcast_in_dim3A_24 = vector.broadcast %broadcast_in_dim3A : i32 to vector<16xi32>
    %while3A = arith.constant 0 : i32
    %while3A_25 = arith.constant 0 : i32
    %while3A_26 = arith.constant 2176 : i32
    %while3A_27 = arith.subi %while3A_26, %while3A_25 : i32
    %while3A_28 = arith.addi %while3A_25, %while3A_27 : i32
    %while3A_29 = arith.constant 1 : i32
    %while3A_30 = arith.divsi %while3A_27, %while3A_29 : i32
    %while3A_31 = arith.muli %while3A_30, %while3A_29 : i32
    %while3A_32 = arith.addi %while3A_25, %while3A_31 : i32
    %while3A_33 = arith.constant 1 : i32
    scf.for %while3A_839 = %while3A_25 to %while3A_32 step %while3A_33  : i32 {
      %mul3A_840 = arith.constant 16 : i32
      %mul3A_841 = arith.muli %while3A_839, %mul3A_840 : i32
      %swap3A_842 = arith.index_cast %mul3A_841 : i32 to index
      %swap3A_843 = tpu.vector_load %arg10[%swap3A_842] {strides = array<i32>} : memref<34816xi32, #tpu.memory_space<vmem>>, vector<16xi32>,
      tpu.vector_store %arg10[%swap3A_842], %broadcast_in_dim3A_24 {strides = array<i32>} : memref<34816xi32, #tpu.memory_space<vmem>>, vector<16xi32>,
    }
    %while3A_34 = arith.constant 1 : i32
    scf.for %while3A_839 = %while3A_32 to %while3A_28 step %while3A_34  : i32 {
      %mul3A_840 = arith.constant 16 : i32
      %mul3A_841 = arith.muli %while3A_839, %mul3A_840 : i32
      %swap3A_842 = arith.index_cast %mul3A_841 : i32 to index
      %swap3A_843 = tpu.vector_load %arg10[%swap3A_842] {strides = array<i32>} : memref<34816xi32, #tpu.memory_space<vmem>>, vector<16xi32>,
      tpu.vector_store %arg10[%swap3A_842], %broadcast_in_dim3A_24 {strides = array<i32>} : memref<34816xi32, #tpu.memory_space<vmem>>, vector<16xi32>,
    }
    %broadcast_in_dim3A_35 = arith.constant 0 : i32
    %broadcast_in_dim3A_36 = vector.broadcast %broadcast_in_dim3A_35 : i32 to vector<16xi32>
    %swap3A = arith.constant 0 : i32
    %swap3A_37 = arith.index_cast %swap3A : i32 to index
    %swap3A_38 = tpu.vector_load %arg12[%swap3A_37] {strides = array<i32>} : memref<32xi32, #tpu.memory_space<vmem>>, vector<16xi32>,
    tpu.vector_store %arg12[%swap3A_37], %broadcast_in_dim3A_36 {strides = array<i32>} : memref<32xi32, #tpu.memory_space<vmem>>, vector<16xi32>,
    %broadcast_in_dim3A_39 = arith.constant 0 : i32
    %broadcast_in_dim3A_40 = vector.broadcast %broadcast_in_dim3A_39 : i32 to vector<16xi32>
    %swap3A_41 = arith.constant 16 : i32
    %swap3A_42 = arith.index_cast %swap3A_41 : i32 to index
    %swap3A_43 = tpu.vector_load %arg12[%swap3A_42] {strides = array<i32>} : memref<32xi32, #tpu.memory_space<vmem>>, vector<16xi32>,
    tpu.vector_store %arg12[%swap3A_42], %broadcast_in_dim3A_40 {strides = array<i32>} : memref<32xi32, #tpu.memory_space<vmem>>, vector<16xi32>,
    %broadcast_in_dim3A_44 = arith.constant 73856093 : i32
    %broadcast_in_dim3A_45 = vector.broadcast %broadcast_in_dim3A_44 : i32 to vector<16xi32>
    %broadcast_in_dim3A_46 = arith.constant 19349663 : i32
    %broadcast_in_dim3A_47 = vector.broadcast %broadcast_in_dim3A_46 : i32 to vector<16xi32>
    %broadcast_in_dim3A_48 = arith.constant 83492791 : i32
    %broadcast_in_dim3A_49 = vector.broadcast %broadcast_in_dim3A_48 : i32 to vector<16xi32>
    %broadcast_in_dim3A_50 = arith.constant 1048575 : i32
    %broadcast_in_dim3A_51 = vector.broadcast %broadcast_in_dim3A_50 : i32 to vector<16xi32>
    %sub3A_52 = arith.constant 1 : i32
    %sub3A_53 = vector.broadcast %sub3A_52 : i32 to vector<16xi32>
    %sub3A_54 = arith.subi %iota3A, %sub3A_53 : vector<16xi32>
    %max3A = arith.constant 0 : i32
    %max3A_55 = vector.broadcast %max3A : i32 to vector<16xi32>
    %max3A_56 = arith.maxsi %sub3A_54, %max3A_55 : vector<16xi32>
    %add3A_57 = arith.constant 1 : i32
    %add3A_58 = vector.broadcast %add3A_57 : i32 to vector<16xi32>
    %add3A_59 = arith.addi %iota3A, %add3A_58 : vector<16xi32>
    %min3A_60 = arith.constant 15 : i32
    %min3A_61 = vector.broadcast %min3A_60 : i32 to vector<16xi32>
    %min3A_62 = arith.minsi %add3A_59, %min3A_61 : vector<16xi32>
    %while3A_63 = arith.constant 0 : i32
    %while3A_64 = arith.constant 0 : i32
    %while3A_65 = arith.subi %select_n3A, %while3A_64 : i32
    %while3A_66 = arith.addi %while3A_64, %while3A_65 : i32
    %while3A_67 = arith.constant 1 : i32
    %while3A_68 = arith.divsi %while3A_65, %while3A_67 : i32
    %while3A_69 = arith.muli %while3A_68, %while3A_67 : i32
    %while3A_70 = arith.addi %while3A_64, %while3A_69 : i32
    %while3A_71 = arith.constant 1 : i32
    scf.for %while3A_839 = %while3A_64 to %while3A_70 step %while3A_71  : i32 {
      %mul3A_840 = arith.constant 2048 : i32
      %mul3A_841 = arith.muli %while3A_839, %mul3A_840 : i32
      %sub3A_842 = arith.constant 2048 : i32
      %sub3A_843 = arith.subi %min3A_4, %sub3A_842 : i32
      %min3A_844 = arith.minsi %mul3A_841, %sub3A_843 : i32
      %add3A_845 = arith.addi %mul3A_2, %min3A_844 : i32
      "tpu.region"() ({
        %run_scoped3A = tpu.sem_alloc : memref<!tpu.dma_semaphore, #tpu.memory_space<semaphore_mem>>
        %dma_start3A_861 = tpu.memref_slice %arg2[%add3A_845] : memref<1500000xi32, #tpu.memory_space<hbm>> -> memref<2048xi32, #tpu.memory_space<hbm>>
        %dma_start3A_862 = tpu.memref_slice %arg2[%add3A_845] : memref<1500000xi32, #tpu.memory_space<hbm>> -> memref<2048xi32, #tpu.memory_space<hbm>>
        tpu.enqueue_dma source(%dma_start3A_862 : memref<2048xi32, #tpu.memory_space<hbm>>) target(%arg6 : memref<2048xi32, #tpu.memory_space<vmem>>) target_semaphore(%run_scoped3A : memref<!tpu.dma_semaphore, #tpu.memory_space<semaphore_mem>>)
        %dma_wait3A_863 = tpu.memref_slice %arg2[%add3A_845] : memref<1500000xi32, #tpu.memory_space<hbm>> -> memref<2048xi32, #tpu.memory_space<hbm>>
        %dma_wait3A_864 = tpu.memref_slice %arg2[%add3A_845] : memref<1500000xi32, #tpu.memory_space<hbm>> -> memref<2048xi32, #tpu.memory_space<hbm>>
        tpu.wait_dma2 semaphore(%run_scoped3A : memref<!tpu.dma_semaphore, #tpu.memory_space<semaphore_mem>>) src(%dma_wait3A_864 : memref<2048xi32, #tpu.memory_space<hbm>>) dst(%arg6 : memref<2048xi32, #tpu.memory_space<vmem>>)
        tpu.yield
      }) : () -> ()
      %add3A_846 = arith.constant 500000 : i32
      %add3A_847 = arith.addi %add3A_845, %add3A_846 : i32
      "tpu.region"() ({
        %run_scoped3A = tpu.sem_alloc : memref<!tpu.dma_semaphore, #tpu.memory_space<semaphore_mem>>
        %dma_start3A_861 = tpu.memref_slice %arg2[%add3A_847] : memref<1500000xi32, #tpu.memory_space<hbm>> -> memref<2048xi32, #tpu.memory_space<hbm>>
        %dma_start3A_862 = tpu.memref_slice %arg2[%add3A_847] : memref<1500000xi32, #tpu.memory_space<hbm>> -> memref<2048xi32, #tpu.memory_space<hbm>>
        tpu.enqueue_dma source(%dma_start3A_862 : memref<2048xi32, #tpu.memory_space<hbm>>) target(%arg7 : memref<2048xi32, #tpu.memory_space<vmem>>) target_semaphore(%run_scoped3A : memref<!tpu.dma_semaphore, #tpu.memory_space<semaphore_mem>>)
        %dma_wait3A_863 = tpu.memref_slice %arg2[%add3A_847] : memref<1500000xi32, #tpu.memory_space<hbm>> -> memref<2048xi32, #tpu.memory_space<hbm>>
        %dma_wait3A_864 = tpu.memref_slice %arg2[%add3A_847] : memref<1500000xi32, #tpu.memory_space<hbm>> -> memref<2048xi32, #tpu.memory_space<hbm>>
        tpu.wait_dma2 semaphore(%run_scoped3A : memref<!tpu.dma_semaphore, #tpu.memory_space<semaphore_mem>>) src(%dma_wait3A_864 : memref<2048xi32, #tpu.memory_space<hbm>>) dst(%arg7 : memref<2048xi32, #tpu.memory_space<vmem>>)
        tpu.yield
      }) : () -> ()
      %add3A_848 = arith.constant 1000000 : i32
      %add3A_849 = arith.addi %add3A_845, %add3A_848 : i32
      "tpu.region"() ({
        %run_scoped3A = tpu.sem_alloc : memref<!tpu.dma_semaphore, #tpu.memory_space<semaphore_mem>>
        %dma_start3A_861 = tpu.memref_slice %arg2[%add3A_849] : memref<1500000xi32, #tpu.memory_space<hbm>> -> memref<2048xi32, #tpu.memory_space<hbm>>
        %dma_start3A_862 = tpu.memref_slice %arg2[%add3A_849] : memref<1500000xi32, #tpu.memory_space<hbm>> -> memref<2048xi32, #tpu.memory_space<hbm>>
        tpu.enqueue_dma source(%dma_start3A_862 : memref<2048xi32, #tpu.memory_space<hbm>>) target(%arg8 : memref<2048xi32, #tpu.memory_space<vmem>>) target_semaphore(%run_scoped3A : memref<!tpu.dma_semaphore, #tpu.memory_space<semaphore_mem>>)
        %dma_wait3A_863 = tpu.memref_slice %arg2[%add3A_849] : memref<1500000xi32, #tpu.memory_space<hbm>> -> memref<2048xi32, #tpu.memory_space<hbm>>
        %dma_wait3A_864 = tpu.memref_slice %arg2[%add3A_849] : memref<1500000xi32, #tpu.memory_space<hbm>> -> memref<2048xi32, #tpu.memory_space<hbm>>
        tpu.wait_dma2 semaphore(%run_scoped3A : memref<!tpu.dma_semaphore, #tpu.memory_space<semaphore_mem>>) src(%dma_wait3A_864 : memref<2048xi32, #tpu.memory_space<hbm>>) dst(%arg8 : memref<2048xi32, #tpu.memory_space<vmem>>)
        tpu.yield
      }) : () -> ()
      %while3A_850 = arith.constant 0 : i32
      %while3A_851 = arith.constant 0 : i32
      %while3A_852 = arith.constant 128 : i32
      %while3A_853 = arith.subi %while3A_852, %while3A_851 : i32
      %while3A_854 = arith.addi %while3A_851, %while3A_853 : i32
      %while3A_855 = arith.constant 1 : i32
      %while3A_856 = arith.divsi %while3A_853, %while3A_855 : i32
      %while3A_857 = arith.muli %while3A_856, %while3A_855 : i32
      %while3A_858 = arith.addi %while3A_851, %while3A_857 : i32
      %while3A_859 = arith.constant 1 : i32
      scf.for %while3A_861 = %while3A_851 to %while3A_858 step %while3A_859  : i32 {
        %mul3A_862 = arith.constant 16 : i32
        %mul3A_863 = arith.muli %while3A_861, %mul3A_862 : i32
        %get3A = arith.index_cast %mul3A_863 : i32 to index
        %get3A_864 = tpu.vector_load %arg6[%get3A] {strides = array<i32>} : memref<2048xi32, #tpu.memory_space<vmem>>, vector<16xi32>,
        %mul3A_865 = arith.muli %get3A_864, %broadcast_in_dim3A_45 : vector<16xi32>
        %get3A_866 = arith.index_cast %mul3A_863 : i32 to index
        %get3A_867 = tpu.vector_load %arg7[%get3A_866] {strides = array<i32>} : memref<2048xi32, #tpu.memory_space<vmem>>, vector<16xi32>,
        %mul3A_868 = arith.muli %get3A_867, %broadcast_in_dim3A_47 : vector<16xi32>
        %add3A_869 = arith.addi %mul3A_865, %mul3A_868 : vector<16xi32>
        %get3A_870 = arith.index_cast %mul3A_863 : i32 to index
        %get3A_871 = tpu.vector_load %arg8[%get3A_870] {strides = array<i32>} : memref<2048xi32, #tpu.memory_space<vmem>>, vector<16xi32>,
        %mul3A_872 = arith.muli %get3A_871, %broadcast_in_dim3A_49 : vector<16xi32>
        %add3A_873 = arith.addi %add3A_869, %mul3A_872 : vector<16xi32>
        %and3A_874 = arith.andi %add3A_873, %broadcast_in_dim3A_51 : vector<16xi32>
        %swap3A_875 = arith.index_cast %mul3A_863 : i32 to index
        %swap3A_876 = tpu.vector_load %arg9[%swap3A_875] {strides = array<i32>} : memref<2048xi32, #tpu.memory_space<vmem>>, vector<16xi32>,
        tpu.vector_store %arg9[%swap3A_875], %and3A_874 {strides = array<i32>} : memref<2048xi32, #tpu.memory_space<vmem>>, vector<16xi32>,
        %shift_left3A = arith.constant 4 : i32
        %shift_left3A_877 = vector.broadcast %shift_left3A : i32 to vector<16xi32>
        %shift_left3A_878 = arith.shli %and3A_874, %shift_left3A_877 : vector<16xi32>
        %or3A = arith.ori %shift_left3A_878, %iota3A : vector<16xi32>
        %sort3A = arith.constant dense<true> : vector<16xi1>
        %sort3A_879, %sort3A_880, %sort3A_881 = tpu.sort %or3A, %or3A masked %sort3A : (vector<16xi32>, vector<16xi32>, vector<16xi1>) -> (vector<16xi1>, vector<16xi32>, vector<16xi32>)
        %shift_right_arithmetic3A = arith.constant 19 : i32
        %shift_right_arithmetic3A_882 = vector.broadcast %shift_right_arithmetic3A : i32 to vector<16xi32>
        %shift_right_arithmetic3A_883 = arith.shrsi %sort3A_880, %shift_right_arithmetic3A_882 : vector<16xi32>
        %lt3A = arith.constant 0 : i32
        %lt3A_884 = vector.broadcast %lt3A : i32 to vector<16xi32>
        %lt3A_885 = arith.cmpi slt, %max3A_56, %lt3A_884 : vector<16xi32>
        %add3A_886 = arith.constant 16 : i32
        %add3A_887 = vector.broadcast %add3A_886 : i32 to vector<16xi32>
        %add3A_888 = arith.addi %max3A_56, %add3A_887 : vector<16xi32>
        %select_n3A_889 = arith.select %lt3A_885, %add3A_888, %max3A_56 : vector<16xi1>, vector<16xi32>
        %broadcast_in_dim3A_890 = vector.shape_cast %select_n3A_889 : vector<16xi32> to vector<16x1xi32>
        %gather3A = vector.shape_cast %broadcast_in_dim3A_890 : vector<16x1xi32> to vector<16xi32>
        %gather3A_891 = tpu.dynamic_gather %sort3A_880[%gather3A] in [0] : vector<16xi32>, vector<16xi32> -> vector<16xi32>
        %shift_right_arithmetic3A_892 = arith.constant 19 : i32
        %shift_right_arithmetic3A_893 = vector.broadcast %shift_right_arithmetic3A_892 : i32 to vector<16xi32>
        %shift_right_arithmetic3A_894 = arith.shrsi %gather3A_891, %shift_right_arithmetic3A_893 : vector<16xi32>
        %lt3A_895 = arith.constant 0 : i32
        %lt3A_896 = vector.broadcast %lt3A_895 : i32 to vector<16xi32>
        %lt3A_897 = arith.cmpi slt, %min3A_62, %lt3A_896 : vector<16xi32>
        %add3A_898 = arith.constant 16 : i32
        %add3A_899 = vector.broadcast %add3A_898 : i32 to vector<16xi32>
        %add3A_900 = arith.addi %min3A_62, %add3A_899 : vector<16xi32>
        %select_n3A_901 = arith.select %lt3A_897, %add3A_900, %min3A_62 : vector<16xi1>, vector<16xi32>
        %broadcast_in_dim3A_902 = vector.shape_cast %select_n3A_901 : vector<16xi32> to vector<16x1xi32>
        %gather3A_903 = vector.shape_cast %broadcast_in_dim3A_902 : vector<16x1xi32> to vector<16xi32>
        %gather3A_904 = tpu.dynamic_gather %sort3A_880[%gather3A_903] in [0] : vector<16xi32>, vector<16xi32> -> vector<16xi32>
        %shift_right_arithmetic3A_905 = arith.constant 19 : i32
        %shift_right_arithmetic3A_906 = vector.broadcast %shift_right_arithmetic3A_905 : i32 to vector<16xi32>
        %shift_right_arithmetic3A_907 = arith.shrsi %gather3A_904, %shift_right_arithmetic3A_906 : vector<16xi32>
        %ne3A_908 = arith.cmpi ne, %shift_right_arithmetic3A_883, %shift_right_arithmetic3A_894 : vector<16xi32>
        %eq3A = arith.constant 0 : i32
        %eq3A_909 = vector.broadcast %eq3A : i32 to vector<16xi32>
        %eq3A_910 = arith.cmpi eq, %iota3A, %eq3A_909 : vector<16xi32>
        %or3A_911 = arith.ori %ne3A_908, %eq3A_910 : vector<16xi1>
        %ne3A_912 = arith.cmpi ne, %shift_right_arithmetic3A_883, %shift_right_arithmetic3A_907 : vector<16xi32>
        %eq3A_913 = arith.constant 15 : i32
        %eq3A_914 = vector.broadcast %eq3A_913 : i32 to vector<16xi32>
        %eq3A_915 = arith.cmpi eq, %iota3A, %eq3A_914 : vector<16xi32>
        %or3A_916 = arith.ori %ne3A_912, %eq3A_915 : vector<16xi1>
        %jit3A_917 = arith.constant 0 : i32
        %broadcast_in_dim3A_918 = vector.broadcast %jit3A_917 : i32 to vector<16xi32>
        %select_n3A_919 = arith.select %or3A_911, %iota3A, %broadcast_in_dim3A_918 : vector<16xi1>, vector<16xi32>
        %broadcast_in_dim3A_920 = arith.constant true
        %broadcast_in_dim3A_921 = vector.broadcast %broadcast_in_dim3A_920 : i1 to vector<16xi1>
        %masked_cummax3A = arith.constant -2147483648 : i32
        %masked_cummax3A_922 = vector.broadcast %masked_cummax3A : i32 to vector<16xi32>
        %masked_cummax3A_923 = arith.xori %select_n3A_919, %masked_cummax3A_922 : vector<16xi32>
        %masked_cummax3A_924 = tpu.scan <max>, %masked_cummax3A_923 masked %broadcast_in_dim3A_921 : vector<16xi32>, vector<16xi1> -> vector<16xi32>
        %masked_cummax3A_925 = arith.xori %masked_cummax3A_924, %masked_cummax3A_922 : vector<16xi32>
        %sub3A_926 = arith.subi %iota3A, %masked_cummax3A_925 : vector<16xi32>
        %gather3A_927 = tpu.vector_load_idx %arg12[%shift_right_arithmetic3A_883] : memref<32xi32, #tpu.memory_space<vmem>>[vector<16xi32>], vector<16xi32>,
        %mul3A_928 = arith.constant 1024 : i32
        %mul3A_929 = vector.broadcast %mul3A_928 : i32 to vector<16xi32>
        %mul3A_930 = arith.muli %shift_right_arithmetic3A_883, %mul3A_929 : vector<16xi32>
        %add3A_931 = arith.addi %mul3A_930, %gather3A_927 : vector<16xi32>
        %add3A_932 = arith.addi %add3A_931, %sub3A_926 : vector<16xi32>
        %shift_right_arithmetic3A_933 = arith.constant 4 : i32
        %shift_right_arithmetic3A_934 = vector.broadcast %shift_right_arithmetic3A_933 : i32 to vector<16xi32>
        %shift_right_arithmetic3A_935 = arith.shrsi %sort3A_880, %shift_right_arithmetic3A_934 : vector<16xi32>
        tpu.vector_store_idx %arg10[%add3A_932], %shift_right_arithmetic3A_935 : memref<34816xi32, #tpu.memory_space<vmem>>[vector<16xi32>], vector<16xi32>,
        %add3A_936 = arith.addi %add3A_845, %mul3A_863 : i32
        %and3A_937 = arith.constant 15 : i32
        %and3A_938 = vector.broadcast %and3A_937 : i32 to vector<16xi32>
        %and3A_939 = arith.andi %sort3A_880, %and3A_938 : vector<16xi32>
        %add3A_940 = vector.broadcast %add3A_936 : i32 to vector<16xi32>
        %add3A_941 = arith.addi %add3A_940, %and3A_939 : vector<16xi32>
        tpu.vector_store_idx %arg11[%add3A_932], %add3A_941 : memref<34816xi32, #tpu.memory_space<vmem>>[vector<16xi32>], vector<16xi32>,
        %add3A_942 = arith.constant 1 : i32
        %add3A_943 = vector.broadcast %add3A_942 : i32 to vector<16xi32>
        %add3A_944 = arith.addi %sub3A_926, %add3A_943 : vector<16xi32>
        tpu.vector_store_idx %arg12[%shift_right_arithmetic3A_883], %add3A_944 masked %or3A_916 {add = true} : memref<32xi32, #tpu.memory_space<vmem>>[vector<16xi32>], vector<16xi32>, vector<16xi1>
      }
      %while3A_860 = arith.constant 1 : i32
      scf.for %while3A_861 = %while3A_858 to %while3A_854 step %while3A_860  : i32 {
        %mul3A_862 = arith.constant 16 : i32
        %mul3A_863 = arith.muli %while3A_861, %mul3A_862 : i32
        %get3A = arith.index_cast %mul3A_863 : i32 to index
        %get3A_864 = tpu.vector_load %arg6[%get3A] {strides = array<i32>} : memref<2048xi32, #tpu.memory_space<vmem>>, vector<16xi32>,
        %mul3A_865 = arith.muli %get3A_864, %broadcast_in_dim3A_45 : vector<16xi32>
        %get3A_866 = arith.index_cast %mul3A_863 : i32 to index
        %get3A_867 = tpu.vector_load %arg7[%get3A_866] {strides = array<i32>} : memref<2048xi32, #tpu.memory_space<vmem>>, vector<16xi32>,
        %mul3A_868 = arith.muli %get3A_867, %broadcast_in_dim3A_47 : vector<16xi32>
        %add3A_869 = arith.addi %mul3A_865, %mul3A_868 : vector<16xi32>
        %get3A_870 = arith.index_cast %mul3A_863 : i32 to index
        %get3A_871 = tpu.vector_load %arg8[%get3A_870] {strides = array<i32>} : memref<2048xi32, #tpu.memory_space<vmem>>, vector<16xi32>,
        %mul3A_872 = arith.muli %get3A_871, %broadcast_in_dim3A_49 : vector<16xi32>
        %add3A_873 = arith.addi %add3A_869, %mul3A_872 : vector<16xi32>
        %and3A_874 = arith.andi %add3A_873, %broadcast_in_dim3A_51 : vector<16xi32>
        %swap3A_875 = arith.index_cast %mul3A_863 : i32 to index
        %swap3A_876 = tpu.vector_load %arg9[%swap3A_875] {strides = array<i32>} : memref<2048xi32, #tpu.memory_space<vmem>>, vector<16xi32>,
        tpu.vector_store %arg9[%swap3A_875], %and3A_874 {strides = array<i32>} : memref<2048xi32, #tpu.memory_space<vmem>>, vector<16xi32>,
        %shift_left3A = arith.constant 4 : i32
        %shift_left3A_877 = vector.broadcast %shift_left3A : i32 to vector<16xi32>
        %shift_left3A_878 = arith.shli %and3A_874, %shift_left3A_877 : vector<16xi32>
        %or3A = arith.ori %shift_left3A_878, %iota3A : vector<16xi32>
        %sort3A = arith.constant dense<true> : vector<16xi1>
        %sort3A_879, %sort3A_880, %sort3A_881 = tpu.sort %or3A, %or3A masked %sort3A : (vector<16xi32>, vector<16xi32>, vector<16xi1>) -> (vector<16xi1>, vector<16xi32>, vector<16xi32>)
        %shift_right_arithmetic3A = arith.constant 19 : i32
        %shift_right_arithmetic3A_882 = vector.broadcast %shift_right_arithmetic3A : i32 to vector<16xi32>
        %shift_right_arithmetic3A_883 = arith.shrsi %sort3A_880, %shift_right_arithmetic3A_882 : vector<16xi32>
        %lt3A = arith.constant 0 : i32
        %lt3A_884 = vector.broadcast %lt3A : i32 to vector<16xi32>
        %lt3A_885 = arith.cmpi slt, %max3A_56, %lt3A_884 : vector<16xi32>
        %add3A_886 = arith.constant 16 : i32
        %add3A_887 = vector.broadcast %add3A_886 : i32 to vector<16xi32>
        %add3A_888 = arith.addi %max3A_56, %add3A_887 : vector<16xi32>
        %select_n3A_889 = arith.select %lt3A_885, %add3A_888, %max3A_56 : vector<16xi1>, vector<16xi32>
        %broadcast_in_dim3A_890 = vector.shape_cast %select_n3A_889 : vector<16xi32> to vector<16x1xi32>
        %gather3A = vector.shape_cast %broadcast_in_dim3A_890 : vector<16x1xi32> to vector<16xi32>
        %gather3A_891 = tpu.dynamic_gather %sort3A_880[%gather3A] in [0] : vector<16xi32>, vector<16xi32> -> vector<16xi32>
        %shift_right_arithmetic3A_892 = arith.constant 19 : i32
        %shift_right_arithmetic3A_893 = vector.broadcast %shift_right_arithmetic3A_892 : i32 to vector<16xi32>
        %shift_right_arithmetic3A_894 = arith.shrsi %gather3A_891, %shift_right_arithmetic3A_893 : vector<16xi32>
        %lt3A_895 = arith.constant 0 : i32
        %lt3A_896 = vector.broadcast %lt3A_895 : i32 to vector<16xi32>
        %lt3A_897 = arith.cmpi slt, %min3A_62, %lt3A_896 : vector<16xi32>
        %add3A_898 = arith.constant 16 : i32
        %add3A_899 = vector.broadcast %add3A_898 : i32 to vector<16xi32>
        %add3A_900 = arith.addi %min3A_62, %add3A_899 : vector<16xi32>
        %select_n3A_901 = arith.select %lt3A_897, %add3A_900, %min3A_62 : vector<16xi1>, vector<16xi32>
        %broadcast_in_dim3A_902 = vector.shape_cast %select_n3A_901 : vector<16xi32> to vector<16x1xi32>
        %gather3A_903 = vector.shape_cast %broadcast_in_dim3A_902 : vector<16x1xi32> to vector<16xi32>
        %gather3A_904 = tpu.dynamic_gather %sort3A_880[%gather3A_903] in [0] : vector<16xi32>, vector<16xi32> -> vector<16xi32>
        %shift_right_arithmetic3A_905 = arith.constant 19 : i32
        %shift_right_arithmetic3A_906 = vector.broadcast %shift_right_arithmetic3A_905 : i32 to vector<16xi32>
        %shift_right_arithmetic3A_907 = arith.shrsi %gather3A_904, %shift_right_arithmetic3A_906 : vector<16xi32>
        %ne3A_908 = arith.cmpi ne, %shift_right_arithmetic3A_883, %shift_right_arithmetic3A_894 : vector<16xi32>
        %eq3A = arith.constant 0 : i32
        %eq3A_909 = vector.broadcast %eq3A : i32 to vector<16xi32>
        %eq3A_910 = arith.cmpi eq, %iota3A, %eq3A_909 : vector<16xi32>
        %or3A_911 = arith.ori %ne3A_908, %eq3A_910 : vector<16xi1>
        %ne3A_912 = arith.cmpi ne, %shift_right_arithmetic3A_883, %shift_right_arithmetic3A_907 : vector<16xi32>
        %eq3A_913 = arith.constant 15 : i32
        %eq3A_914 = vector.broadcast %eq3A_913 : i32 to vector<16xi32>
        %eq3A_915 = arith.cmpi eq, %iota3A, %eq3A_914 : vector<16xi32>
        %or3A_916 = arith.ori %ne3A_912, %eq3A_915 : vector<16xi1>
        %jit3A_917 = arith.constant 0 : i32
        %broadcast_in_dim3A_918 = vector.broadcast %jit3A_917 : i32 to vector<16xi32>
        %select_n3A_919 = arith.select %or3A_911, %iota3A, %broadcast_in_dim3A_918 : vector<16xi1>, vector<16xi32>
        %broadcast_in_dim3A_920 = arith.constant true
        %broadcast_in_dim3A_921 = vector.broadcast %broadcast_in_dim3A_920 : i1 to vector<16xi1>
        %masked_cummax3A = arith.constant -2147483648 : i32
        %masked_cummax3A_922 = vector.broadcast %masked_cummax3A : i32 to vector<16xi32>
        %masked_cummax3A_923 = arith.xori %select_n3A_919, %masked_cummax3A_922 : vector<16xi32>
        %masked_cummax3A_924 = tpu.scan <max>, %masked_cummax3A_923 masked %broadcast_in_dim3A_921 : vector<16xi32>, vector<16xi1> -> vector<16xi32>
        %masked_cummax3A_925 = arith.xori %masked_cummax3A_924, %masked_cummax3A_922 : vector<16xi32>
        %sub3A_926 = arith.subi %iota3A, %masked_cummax3A_925 : vector<16xi32>
        %gather3A_927 = tpu.vector_load_idx %arg12[%shift_right_arithmetic3A_883] : memref<32xi32, #tpu.memory_space<vmem>>[vector<16xi32>], vector<16xi32>,
        %mul3A_928 = arith.constant 1024 : i32
        %mul3A_929 = vector.broadcast %mul3A_928 : i32 to vector<16xi32>
        %mul3A_930 = arith.muli %shift_right_arithmetic3A_883, %mul3A_929 : vector<16xi32>
        %add3A_931 = arith.addi %mul3A_930, %gather3A_927 : vector<16xi32>
        %add3A_932 = arith.addi %add3A_931, %sub3A_926 : vector<16xi32>
        %shift_right_arithmetic3A_933 = arith.constant 4 : i32
        %shift_right_arithmetic3A_934 = vector.broadcast %shift_right_arithmetic3A_933 : i32 to vector<16xi32>
        %shift_right_arithmetic3A_935 = arith.shrsi %sort3A_880, %shift_right_arithmetic3A_934 : vector<16xi32>
        tpu.vector_store_idx %arg10[%add3A_932], %shift_right_arithmetic3A_935 : memref<34816xi32, #tpu.memory_space<vmem>>[vector<16xi32>], vector<16xi32>,
        %add3A_936 = arith.addi %add3A_845, %mul3A_863 : i32
        %and3A_937 = arith.constant 15 : i32
        %and3A_938 = vector.broadcast %and3A_937 : i32 to vector<16xi32>
        %and3A_939 = arith.andi %sort3A_880, %and3A_938 : vector<16xi32>
        %add3A_940 = vector.broadcast %add3A_936 : i32 to vector<16xi32>
        %add3A_941 = arith.addi %add3A_940, %and3A_939 : vector<16xi32>
        tpu.vector_store_idx %arg11[%add3A_932], %add3A_941 : memref<34816xi32, #tpu.memory_space<vmem>>[vector<16xi32>], vector<16xi32>,
        %add3A_942 = arith.constant 1 : i32
        %add3A_943 = vector.broadcast %add3A_942 : i32 to vector<16xi32>
        %add3A_944 = arith.addi %sub3A_926, %add3A_943 : vector<16xi32>
        tpu.vector_store_idx %arg12[%shift_right_arithmetic3A_883], %add3A_944 masked %or3A_916 {add = true} : memref<32xi32, #tpu.memory_space<vmem>>[vector<16xi32>], vector<16xi32>, vector<16xi1>
      }
      "tpu.region"() ({
        %run_scoped3A = tpu.sem_alloc : memref<!tpu.dma_semaphore, #tpu.memory_space<semaphore_mem>>
        %dma_start3A_861 = tpu.memref_slice %arg3[%add3A_845] : memref<500000xi32, #tpu.memory_space<hbm>> -> memref<2048xi32, #tpu.memory_space<hbm>>
        %dma_start3A_862 = tpu.memref_slice %arg3[%add3A_845] : memref<500000xi32, #tpu.memory_space<hbm>> -> memref<2048xi32, #tpu.memory_space<hbm>>
        tpu.enqueue_dma source(%arg9 : memref<2048xi32, #tpu.memory_space<vmem>>) target(%dma_start3A_862 : memref<2048xi32, #tpu.memory_space<hbm>>) target_semaphore(%run_scoped3A : memref<!tpu.dma_semaphore, #tpu.memory_space<semaphore_mem>>)
        %dma_wait3A_863 = tpu.memref_slice %arg3[%add3A_845] : memref<500000xi32, #tpu.memory_space<hbm>> -> memref<2048xi32, #tpu.memory_space<hbm>>
        %dma_wait3A_864 = tpu.memref_slice %arg3[%add3A_845] : memref<500000xi32, #tpu.memory_space<hbm>> -> memref<2048xi32, #tpu.memory_space<hbm>>
        tpu.wait_dma2 semaphore(%run_scoped3A : memref<!tpu.dma_semaphore, #tpu.memory_space<semaphore_mem>>) src(%arg9 : memref<2048xi32, #tpu.memory_space<vmem>>) dst(%dma_wait3A_864 : memref<2048xi32, #tpu.memory_space<hbm>>)
        tpu.yield
      }) : () -> ()
    }
    %while3A_72 = arith.constant 1 : i32
    scf.for %while3A_839 = %while3A_70 to %while3A_66 step %while3A_72  : i32 {
      %mul3A_840 = arith.constant 2048 : i32
      %mul3A_841 = arith.muli %while3A_839, %mul3A_840 : i32
      %sub3A_842 = arith.constant 2048 : i32
      %sub3A_843 = arith.subi %min3A_4, %sub3A_842 : i32
      %min3A_844 = arith.minsi %mul3A_841, %sub3A_843 : i32
      %add3A_845 = arith.addi %mul3A_2, %min3A_844 : i32
      "tpu.region"() ({
        %run_scoped3A = tpu.sem_alloc : memref<!tpu.dma_semaphore, #tpu.memory_space<semaphore_mem>>
        %dma_start3A_861 = tpu.memref_slice %arg2[%add3A_845] : memref<1500000xi32, #tpu.memory_space<hbm>> -> memref<2048xi32, #tpu.memory_space<hbm>>
        %dma_start3A_862 = tpu.memref_slice %arg2[%add3A_845] : memref<1500000xi32, #tpu.memory_space<hbm>> -> memref<2048xi32, #tpu.memory_space<hbm>>
        tpu.enqueue_dma source(%dma_start3A_862 : memref<2048xi32, #tpu.memory_space<hbm>>) target(%arg6 : memref<2048xi32, #tpu.memory_space<vmem>>) target_semaphore(%run_scoped3A : memref<!tpu.dma_semaphore, #tpu.memory_space<semaphore_mem>>)
        %dma_wait3A_863 = tpu.memref_slice %arg2[%add3A_845] : memref<1500000xi32, #tpu.memory_space<hbm>> -> memref<2048xi32, #tpu.memory_space<hbm>>
        %dma_wait3A_864 = tpu.memref_slice %arg2[%add3A_845] : memref<1500000xi32, #tpu.memory_space<hbm>> -> memref<2048xi32, #tpu.memory_space<hbm>>
        tpu.wait_dma2 semaphore(%run_scoped3A : memref<!tpu.dma_semaphore, #tpu.memory_space<semaphore_mem>>) src(%dma_wait3A_864 : memref<2048xi32, #tpu.memory_space<hbm>>) dst(%arg6 : memref<2048xi32, #tpu.memory_space<vmem>>)
        tpu.yield
      }) : () -> ()
      %add3A_846 = arith.constant 500000 : i32
      %add3A_847 = arith.addi %add3A_845, %add3A_846 : i32
      "tpu.region"() ({
        %run_scoped3A = tpu.sem_alloc : memref<!tpu.dma_semaphore, #tpu.memory_space<semaphore_mem>>
        %dma_start3A_861 = tpu.memref_slice %arg2[%add3A_847] : memref<1500000xi32, #tpu.memory_space<hbm>> -> memref<2048xi32, #tpu.memory_space<hbm>>
        %dma_start3A_862 = tpu.memref_slice %arg2[%add3A_847] : memref<1500000xi32, #tpu.memory_space<hbm>> -> memref<2048xi32, #tpu.memory_space<hbm>>
        tpu.enqueue_dma source(%dma_start3A_862 : memref<2048xi32, #tpu.memory_space<hbm>>) target(%arg7 : memref<2048xi32, #tpu.memory_space<vmem>>) target_semaphore(%run_scoped3A : memref<!tpu.dma_semaphore, #tpu.memory_space<semaphore_mem>>)
        %dma_wait3A_863 = tpu.memref_slice %arg2[%add3A_847] : memref<1500000xi32, #tpu.memory_space<hbm>> -> memref<2048xi32, #tpu.memory_space<hbm>>
        %dma_wait3A_864 = tpu.memref_slice %arg2[%add3A_847] : memref<1500000xi32, #tpu.memory_space<hbm>> -> memref<2048xi32, #tpu.memory_space<hbm>>
        tpu.wait_dma2 semaphore(%run_scoped3A : memref<!tpu.dma_semaphore, #tpu.memory_space<semaphore_mem>>) src(%dma_wait3A_864 : memref<2048xi32, #tpu.memory_space<hbm>>) dst(%arg7 : memref<2048xi32, #tpu.memory_space<vmem>>)
        tpu.yield
      }) : () -> ()
      %add3A_848 = arith.constant 1000000 : i32
      %add3A_849 = arith.addi %add3A_845, %add3A_848 : i32
      "tpu.region"() ({
        %run_scoped3A = tpu.sem_alloc : memref<!tpu.dma_semaphore, #tpu.memory_space<semaphore_mem>>
        %dma_start3A_861 = tpu.memref_slice %arg2[%add3A_849] : memref<1500000xi32, #tpu.memory_space<hbm>> -> memref<2048xi32, #tpu.memory_space<hbm>>
        %dma_start3A_862 = tpu.memref_slice %arg2[%add3A_849] : memref<1500000xi32, #tpu.memory_space<hbm>> -> memref<2048xi32, #tpu.memory_space<hbm>>
        tpu.enqueue_dma source(%dma_start3A_862 : memref<2048xi32, #tpu.memory_space<hbm>>) target(%arg8 : memref<2048xi32, #tpu.memory_space<vmem>>) target_semaphore(%run_scoped3A : memref<!tpu.dma_semaphore, #tpu.memory_space<semaphore_mem>>)
        %dma_wait3A_863 = tpu.memref_slice %arg2[%add3A_849] : memref<1500000xi32, #tpu.memory_space<hbm>> -> memref<2048xi32, #tpu.memory_space<hbm>>
        %dma_wait3A_864 = tpu.memref_slice %arg2[%add3A_849] : memref<1500000xi32, #tpu.memory_space<hbm>> -> memref<2048xi32, #tpu.memory_space<hbm>>
        tpu.wait_dma2 semaphore(%run_scoped3A : memref<!tpu.dma_semaphore, #tpu.memory_space<semaphore_mem>>) src(%dma_wait3A_864 : memref<2048xi32, #tpu.memory_space<hbm>>) dst(%arg8 : memref<2048xi32, #tpu.memory_space<vmem>>)
        tpu.yield
      }) : () -> ()
      %while3A_850 = arith.constant 0 : i32
      %while3A_851 = arith.constant 0 : i32
      %while3A_852 = arith.constant 128 : i32
      %while3A_853 = arith.subi %while3A_852, %while3A_851 : i32
      %while3A_854 = arith.addi %while3A_851, %while3A_853 : i32
      %while3A_855 = arith.constant 1 : i32
      %while3A_856 = arith.divsi %while3A_853, %while3A_855 : i32
      %while3A_857 = arith.muli %while3A_856, %while3A_855 : i32
      %while3A_858 = arith.addi %while3A_851, %while3A_857 : i32
      %while3A_859 = arith.constant 1 : i32
      scf.for %while3A_861 = %while3A_851 to %while3A_858 step %while3A_859  : i32 {
        %mul3A_862 = arith.constant 16 : i32
        %mul3A_863 = arith.muli %while3A_861, %mul3A_862 : i32
        %get3A = arith.index_cast %mul3A_863 : i32 to index
        %get3A_864 = tpu.vector_load %arg6[%get3A] {strides = array<i32>} : memref<2048xi32, #tpu.memory_space<vmem>>, vector<16xi32>,
        %mul3A_865 = arith.muli %get3A_864, %broadcast_in_dim3A_45 : vector<16xi32>
        %get3A_866 = arith.index_cast %mul3A_863 : i32 to index
        %get3A_867 = tpu.vector_load %arg7[%get3A_866] {strides = array<i32>} : memref<2048xi32, #tpu.memory_space<vmem>>, vector<16xi32>,
        %mul3A_868 = arith.muli %get3A_867, %broadcast_in_dim3A_47 : vector<16xi32>
        %add3A_869 = arith.addi %mul3A_865, %mul3A_868 : vector<16xi32>
        %get3A_870 = arith.index_cast %mul3A_863 : i32 to index
        %get3A_871 = tpu.vector_load %arg8[%get3A_870] {strides = array<i32>} : memref<2048xi32, #tpu.memory_space<vmem>>, vector<16xi32>,
        %mul3A_872 = arith.muli %get3A_871, %broadcast_in_dim3A_49 : vector<16xi32>
        %add3A_873 = arith.addi %add3A_869, %mul3A_872 : vector<16xi32>
        %and3A_874 = arith.andi %add3A_873, %broadcast_in_dim3A_51 : vector<16xi32>
        %swap3A_875 = arith.index_cast %mul3A_863 : i32 to index
        %swap3A_876 = tpu.vector_load %arg9[%swap3A_875] {strides = array<i32>} : memref<2048xi32, #tpu.memory_space<vmem>>, vector<16xi32>,
        tpu.vector_store %arg9[%swap3A_875], %and3A_874 {strides = array<i32>} : memref<2048xi32, #tpu.memory_space<vmem>>, vector<16xi32>,
        %shift_left3A = arith.constant 4 : i32
        %shift_left3A_877 = vector.broadcast %shift_left3A : i32 to vector<16xi32>
        %shift_left3A_878 = arith.shli %and3A_874, %shift_left3A_877 : vector<16xi32>
        %or3A = arith.ori %shift_left3A_878, %iota3A : vector<16xi32>
        %sort3A = arith.constant dense<true> : vector<16xi1>
        %sort3A_879, %sort3A_880, %sort3A_881 = tpu.sort %or3A, %or3A masked %sort3A : (vector<16xi32>, vector<16xi32>, vector<16xi1>) -> (vector<16xi1>, vector<16xi32>, vector<16xi32>)
        %shift_right_arithmetic3A = arith.constant 19 : i32
        %shift_right_arithmetic3A_882 = vector.broadcast %shift_right_arithmetic3A : i32 to vector<16xi32>
        %shift_right_arithmetic3A_883 = arith.shrsi %sort3A_880, %shift_right_arithmetic3A_882 : vector<16xi32>
        %lt3A = arith.constant 0 : i32
        %lt3A_884 = vector.broadcast %lt3A : i32 to vector<16xi32>
        %lt3A_885 = arith.cmpi slt, %max3A_56, %lt3A_884 : vector<16xi32>
        %add3A_886 = arith.constant 16 : i32
        %add3A_887 = vector.broadcast %add3A_886 : i32 to vector<16xi32>
        %add3A_888 = arith.addi %max3A_56, %add3A_887 : vector<16xi32>
        %select_n3A_889 = arith.select %lt3A_885, %add3A_888, %max3A_56 : vector<16xi1>, vector<16xi32>
        %broadcast_in_dim3A_890 = vector.shape_cast %select_n3A_889 : vector<16xi32> to vector<16x1xi32>
        %gather3A = vector.shape_cast %broadcast_in_dim3A_890 : vector<16x1xi32> to vector<16xi32>
        %gather3A_891 = tpu.dynamic_gather %sort3A_880[%gather3A] in [0] : vector<16xi32>, vector<16xi32> -> vector<16xi32>
        %shift_right_arithmetic3A_892 = arith.constant 19 : i32
        %shift_right_arithmetic3A_893 = vector.broadcast %shift_right_arithmetic3A_892 : i32 to vector<16xi32>
        %shift_right_arithmetic3A_894 = arith.shrsi %gather3A_891, %shift_right_arithmetic3A_893 : vector<16xi32>
        %lt3A_895 = arith.constant 0 : i32
        %lt3A_896 = vector.broadcast %lt3A_895 : i32 to vector<16xi32>
        %lt3A_897 = arith.cmpi slt, %min3A_62, %lt3A_896 : vector<16xi32>
        %add3A_898 = arith.constant 16 : i32
        %add3A_899 = vector.broadcast %add3A_898 : i32 to vector<16xi32>
        %add3A_900 = arith.addi %min3A_62, %add3A_899 : vector<16xi32>
        %select_n3A_901 = arith.select %lt3A_897, %add3A_900, %min3A_62 : vector<16xi1>, vector<16xi32>
        %broadcast_in_dim3A_902 = vector.shape_cast %select_n3A_901 : vector<16xi32> to vector<16x1xi32>
        %gather3A_903 = vector.shape_cast %broadcast_in_dim3A_902 : vector<16x1xi32> to vector<16xi32>
        %gather3A_904 = tpu.dynamic_gather %sort3A_880[%gather3A_903] in [0] : vector<16xi32>, vector<16xi32> -> vector<16xi32>
        %shift_right_arithmetic3A_905 = arith.constant 19 : i32
        %shift_right_arithmetic3A_906 = vector.broadcast %shift_right_arithmetic3A_905 : i32 to vector<16xi32>
        %shift_right_arithmetic3A_907 = arith.shrsi %gather3A_904, %shift_right_arithmetic3A_906 : vector<16xi32>
        %ne3A_908 = arith.cmpi ne, %shift_right_arithmetic3A_883, %shift_right_arithmetic3A_894 : vector<16xi32>
        %eq3A = arith.constant 0 : i32
        %eq3A_909 = vector.broadcast %eq3A : i32 to vector<16xi32>
        %eq3A_910 = arith.cmpi eq, %iota3A, %eq3A_909 : vector<16xi32>
        %or3A_911 = arith.ori %ne3A_908, %eq3A_910 : vector<16xi1>
        %ne3A_912 = arith.cmpi ne, %shift_right_arithmetic3A_883, %shift_right_arithmetic3A_907 : vector<16xi32>
        %eq3A_913 = arith.constant 15 : i32
        %eq3A_914 = vector.broadcast %eq3A_913 : i32 to vector<16xi32>
        %eq3A_915 = arith.cmpi eq, %iota3A, %eq3A_914 : vector<16xi32>
        %or3A_916 = arith.ori %ne3A_912, %eq3A_915 : vector<16xi1>
        %jit3A_917 = arith.constant 0 : i32
        %broadcast_in_dim3A_918 = vector.broadcast %jit3A_917 : i32 to vector<16xi32>
        %select_n3A_919 = arith.select %or3A_911, %iota3A, %broadcast_in_dim3A_918 : vector<16xi1>, vector<16xi32>
        %broadcast_in_dim3A_920 = arith.constant true
        %broadcast_in_dim3A_921 = vector.broadcast %broadcast_in_dim3A_920 : i1 to vector<16xi1>
        %masked_cummax3A = arith.constant -2147483648 : i32
        %masked_cummax3A_922 = vector.broadcast %masked_cummax3A : i32 to vector<16xi32>
        %masked_cummax3A_923 = arith.xori %select_n3A_919, %masked_cummax3A_922 : vector<16xi32>
        %masked_cummax3A_924 = tpu.scan <max>, %masked_cummax3A_923 masked %broadcast_in_dim3A_921 : vector<16xi32>, vector<16xi1> -> vector<16xi32>
        %masked_cummax3A_925 = arith.xori %masked_cummax3A_924, %masked_cummax3A_922 : vector<16xi32>
        %sub3A_926 = arith.subi %iota3A, %masked_cummax3A_925 : vector<16xi32>
        %gather3A_927 = tpu.vector_load_idx %arg12[%shift_right_arithmetic3A_883] : memref<32xi32, #tpu.memory_space<vmem>>[vector<16xi32>], vector<16xi32>,
        %mul3A_928 = arith.constant 1024 : i32
        %mul3A_929 = vector.broadcast %mul3A_928 : i32 to vector<16xi32>
        %mul3A_930 = arith.muli %shift_right_arithmetic3A_883, %mul3A_929 : vector<16xi32>
        %add3A_931 = arith.addi %mul3A_930, %gather3A_927 : vector<16xi32>
        %add3A_932 = arith.addi %add3A_931, %sub3A_926 : vector<16xi32>
        %shift_right_arithmetic3A_933 = arith.constant 4 : i32
        %shift_right_arithmetic3A_934 = vector.broadcast %shift_right_arithmetic3A_933 : i32 to vector<16xi32>
        %shift_right_arithmetic3A_935 = arith.shrsi %sort3A_880, %shift_right_arithmetic3A_934 : vector<16xi32>
        tpu.vector_store_idx %arg10[%add3A_932], %shift_right_arithmetic3A_935 : memref<34816xi32, #tpu.memory_space<vmem>>[vector<16xi32>], vector<16xi32>,
        %add3A_936 = arith.addi %add3A_845, %mul3A_863 : i32
        %and3A_937 = arith.constant 15 : i32
        %and3A_938 = vector.broadcast %and3A_937 : i32 to vector<16xi32>
        %and3A_939 = arith.andi %sort3A_880, %and3A_938 : vector<16xi32>
        %add3A_940 = vector.broadcast %add3A_936 : i32 to vector<16xi32>
        %add3A_941 = arith.addi %add3A_940, %and3A_939 : vector<16xi32>
        tpu.vector_store_idx %arg11[%add3A_932], %add3A_941 : memref<34816xi32, #tpu.memory_space<vmem>>[vector<16xi32>], vector<16xi32>,
        %add3A_942 = arith.constant 1 : i32
        %add3A_943 = vector.broadcast %add3A_942 : i32 to vector<16xi32>
        %add3A_944 = arith.addi %sub3A_926, %add3A_943 : vector<16xi32>
        tpu.vector_store_idx %arg12[%shift_right_arithmetic3A_883], %add3A_944 masked %or3A_916 {add = true} : memref<32xi32, #tpu.memory_space<vmem>>[vector<16xi32>], vector<16xi32>, vector<16xi1>
      }
      %while3A_860 = arith.constant 1 : i32
      scf.for %while3A_861 = %while3A_858 to %while3A_854 step %while3A_860  : i32 {
        %mul3A_862 = arith.constant 16 : i32
        %mul3A_863 = arith.muli %while3A_861, %mul3A_862 : i32
        %get3A = arith.index_cast %mul3A_863 : i32 to index
        %get3A_864 = tpu.vector_load %arg6[%get3A] {strides = array<i32>} : memref<2048xi32, #tpu.memory_space<vmem>>, vector<16xi32>,
        %mul3A_865 = arith.muli %get3A_864, %broadcast_in_dim3A_45 : vector<16xi32>
        %get3A_866 = arith.index_cast %mul3A_863 : i32 to index
        %get3A_867 = tpu.vector_load %arg7[%get3A_866] {strides = array<i32>} : memref<2048xi32, #tpu.memory_space<vmem>>, vector<16xi32>,
        %mul3A_868 = arith.muli %get3A_867, %broadcast_in_dim3A_47 : vector<16xi32>
        %add3A_869 = arith.addi %mul3A_865, %mul3A_868 : vector<16xi32>
        %get3A_870 = arith.index_cast %mul3A_863 : i32 to index
        %get3A_871 = tpu.vector_load %arg8[%get3A_870] {strides = array<i32>} : memref<2048xi32, #tpu.memory_space<vmem>>, vector<16xi32>,
        %mul3A_872 = arith.muli %get3A_871, %broadcast_in_dim3A_49 : vector<16xi32>
        %add3A_873 = arith.addi %add3A_869, %mul3A_872 : vector<16xi32>
        %and3A_874 = arith.andi %add3A_873, %broadcast_in_dim3A_51 : vector<16xi32>
        %swap3A_875 = arith.index_cast %mul3A_863 : i32 to index
        %swap3A_876 = tpu.vector_load %arg9[%swap3A_875] {strides = array<i32>} : memref<2048xi32, #tpu.memory_space<vmem>>, vector<16xi32>,
        tpu.vector_store %arg9[%swap3A_875], %and3A_874 {strides = array<i32>} : memref<2048xi32, #tpu.memory_space<vmem>>, vector<16xi32>,
        %shift_left3A = arith.constant 4 : i32
        %shift_left3A_877 = vector.broadcast %shift_left3A : i32 to vector<16xi32>
        %shift_left3A_878 = arith.shli %and3A_874, %shift_left3A_877 : vector<16xi32>
        %or3A = arith.ori %shift_left3A_878, %iota3A : vector<16xi32>
        %sort3A = arith.constant dense<true> : vector<16xi1>
        %sort3A_879, %sort3A_880, %sort3A_881 = tpu.sort %or3A, %or3A masked %sort3A : (vector<16xi32>, vector<16xi32>, vector<16xi1>) -> (vector<16xi1>, vector<16xi32>, vector<16xi32>)
        %shift_right_arithmetic3A = arith.constant 19 : i32
        %shift_right_arithmetic3A_882 = vector.broadcast %shift_right_arithmetic3A : i32 to vector<16xi32>
        %shift_right_arithmetic3A_883 = arith.shrsi %sort3A_880, %shift_right_arithmetic3A_882 : vector<16xi32>
        %lt3A = arith.constant 0 : i32
        %lt3A_884 = vector.broadcast %lt3A : i32 to vector<16xi32>
        %lt3A_885 = arith.cmpi slt, %max3A_56, %lt3A_884 : vector<16xi32>
        %add3A_886 = arith.constant 16 : i32
        %add3A_887 = vector.broadcast %add3A_886 : i32 to vector<16xi32>
        %add3A_888 = arith.addi %max3A_56, %add3A_887 : vector<16xi32>
        %select_n3A_889 = arith.select %lt3A_885, %add3A_888, %max3A_56 : vector<16xi1>, vector<16xi32>
        %broadcast_in_dim3A_890 = vector.shape_cast %select_n3A_889 : vector<16xi32> to vector<16x1xi32>
        %gather3A = vector.shape_cast %broadcast_in_dim3A_890 : vector<16x1xi32> to vector<16xi32>
        %gather3A_891 = tpu.dynamic_gather %sort3A_880[%gather3A] in [0] : vector<16xi32>, vector<16xi32> -> vector<16xi32>
        %shift_right_arithmetic3A_892 = arith.constant 19 : i32
        %shift_right_arithmetic3A_893 = vector.broadcast %shift_right_arithmetic3A_892 : i32 to vector<16xi32>
        %shift_right_arithmetic3A_894 = arith.shrsi %gather3A_891, %shift_right_arithmetic3A_893 : vector<16xi32>
        %lt3A_895 = arith.constant 0 : i32
        %lt3A_896 = vector.broadcast %lt3A_895 : i32 to vector<16xi32>
        %lt3A_897 = arith.cmpi slt, %min3A_62, %lt3A_896 : vector<16xi32>
        %add3A_898 = arith.constant 16 : i32
        %add3A_899 = vector.broadcast %add3A_898 : i32 to vector<16xi32>
        %add3A_900 = arith.addi %min3A_62, %add3A_899 : vector<16xi32>
        %select_n3A_901 = arith.select %lt3A_897, %add3A_900, %min3A_62 : vector<16xi1>, vector<16xi32>
        %broadcast_in_dim3A_902 = vector.shape_cast %select_n3A_901 : vector<16xi32> to vector<16x1xi32>
        %gather3A_903 = vector.shape_cast %broadcast_in_dim3A_902 : vector<16x1xi32> to vector<16xi32>
        %gather3A_904 = tpu.dynamic_gather %sort3A_880[%gather3A_903] in [0] : vector<16xi32>, vector<16xi32> -> vector<16xi32>
        %shift_right_arithmetic3A_905 = arith.constant 19 : i32
        %shift_right_arithmetic3A_906 = vector.broadcast %shift_right_arithmetic3A_905 : i32 to vector<16xi32>
        %shift_right_arithmetic3A_907 = arith.shrsi %gather3A_904, %shift_right_arithmetic3A_906 : vector<16xi32>
        %ne3A_908 = arith.cmpi ne, %shift_right_arithmetic3A_883, %shift_right_arithmetic3A_894 : vector<16xi32>
        %eq3A = arith.constant 0 : i32
        %eq3A_909 = vector.broadcast %eq3A : i32 to vector<16xi32>
        %eq3A_910 = arith.cmpi eq, %iota3A, %eq3A_909 : vector<16xi32>
        %or3A_911 = arith.ori %ne3A_908, %eq3A_910 : vector<16xi1>
        %ne3A_912 = arith.cmpi ne, %shift_right_arithmetic3A_883, %shift_right_arithmetic3A_907 : vector<16xi32>
        %eq3A_913 = arith.constant 15 : i32
        %eq3A_914 = vector.broadcast %eq3A_913 : i32 to vector<16xi32>
        %eq3A_915 = arith.cmpi eq, %iota3A, %eq3A_914 : vector<16xi32>
        %or3A_916 = arith.ori %ne3A_912, %eq3A_915 : vector<16xi1>
        %jit3A_917 = arith.constant 0 : i32
        %broadcast_in_dim3A_918 = vector.broadcast %jit3A_917 : i32 to vector<16xi32>
        %select_n3A_919 = arith.select %or3A_911, %iota3A, %broadcast_in_dim3A_918 : vector<16xi1>, vector<16xi32>
        %broadcast_in_dim3A_920 = arith.constant true
        %broadcast_in_dim3A_921 = vector.broadcast %broadcast_in_dim3A_920 : i1 to vector<16xi1>
        %masked_cummax3A = arith.constant -2147483648 : i32
        %masked_cummax3A_922 = vector.broadcast %masked_cummax3A : i32 to vector<16xi32>
        %masked_cummax3A_923 = arith.xori %select_n3A_919, %masked_cummax3A_922 : vector<16xi32>
        %masked_cummax3A_924 = tpu.scan <max>, %masked_cummax3A_923 masked %broadcast_in_dim3A_921 : vector<16xi32>, vector<16xi1> -> vector<16xi32>
        %masked_cummax3A_925 = arith.xori %masked_cummax3A_924, %masked_cummax3A_922 : vector<16xi32>
        %sub3A_926 = arith.subi %iota3A, %masked_cummax3A_925 : vector<16xi32>
        %gather3A_927 = tpu.vector_load_idx %arg12[%shift_right_arithmetic3A_883] : memref<32xi32, #tpu.memory_space<vmem>>[vector<16xi32>], vector<16xi32>,
        %mul3A_928 = arith.constant 1024 : i32
        %mul3A_929 = vector.broadcast %mul3A_928 : i32 to vector<16xi32>
        %mul3A_930 = arith.muli %shift_right_arithmetic3A_883, %mul3A_929 : vector<16xi32>
        %add3A_931 = arith.addi %mul3A_930, %gather3A_927 : vector<16xi32>
        %add3A_932 = arith.addi %add3A_931, %sub3A_926 : vector<16xi32>
        %shift_right_arithmetic3A_933 = arith.constant 4 : i32
        %shift_right_arithmetic3A_934 = vector.broadcast %shift_right_arithmetic3A_933 : i32 to vector<16xi32>
        %shift_right_arithmetic3A_935 = arith.shrsi %sort3A_880, %shift_right_arithmetic3A_934 : vector<16xi32>
        tpu.vector_store_idx %arg10[%add3A_932], %shift_right_arithmetic3A_935 : memref<34816xi32, #tpu.memory_space<vmem>>[vector<16xi32>], vector<16xi32>,
        %add3A_936 = arith.addi %add3A_845, %mul3A_863 : i32
        %and3A_937 = arith.constant 15 : i32
        %and3A_938 = vector.broadcast %and3A_937 : i32 to vector<16xi32>
        %and3A_939 = arith.andi %sort3A_880, %and3A_938 : vector<16xi32>
        %add3A_940 = vector.broadcast %add3A_936 : i32 to vector<16xi32>
        %add3A_941 = arith.addi %add3A_940, %and3A_939 : vector<16xi32>
        tpu.vector_store_idx %arg11[%add3A_932], %add3A_941 : memref<34816xi32, #tpu.memory_space<vmem>>[vector<16xi32>], vector<16xi32>,
        %add3A_942 = arith.constant 1 : i32
        %add3A_943 = vector.broadcast %add3A_942 : i32 to vector<16xi32>
        %add3A_944 = arith.addi %sub3A_926, %add3A_943 : vector<16xi32>
        tpu.vector_store_idx %arg12[%shift_right_arithmetic3A_883], %add3A_944 masked %or3A_916 {add = true} : memref<32xi32, #tpu.memory_space<vmem>>[vector<16xi32>], vector<16xi32>, vector<16xi1>
      }
      "tpu.region"() ({
        %run_scoped3A = tpu.sem_alloc : memref<!tpu.dma_semaphore, #tpu.memory_space<semaphore_mem>>
        %dma_start3A_861 = tpu.memref_slice %arg3[%add3A_845] : memref<500000xi32, #tpu.memory_space<hbm>> -> memref<2048xi32, #tpu.memory_space<hbm>>
        %dma_start3A_862 = tpu.memref_slice %arg3[%add3A_845] : memref<500000xi32, #tpu.memory_space<hbm>> -> memref<2048xi32, #tpu.memory_space<hbm>>
        tpu.enqueue_dma source(%arg9 : memref<2048xi32, #tpu.memory_space<vmem>>) target(%dma_start3A_862 : memref<2048xi32, #tpu.memory_space<hbm>>) target_semaphore(%run_scoped3A : memref<!tpu.dma_semaphore, #tpu.memory_space<semaphore_mem>>)
        %dma_wait3A_863 = tpu.memref_slice %arg3[%add3A_845] : memref<500000xi32, #tpu.memory_space<hbm>> -> memref<2048xi32, #tpu.memory_space<hbm>>
        %dma_wait3A_864 = tpu.memref_slice %arg3[%add3A_845] : memref<500000xi32, #tpu.memory_space<hbm>> -> memref<2048xi32, #tpu.memory_space<hbm>>
        tpu.wait_dma2 semaphore(%run_scoped3A : memref<!tpu.dma_semaphore, #tpu.memory_space<semaphore_mem>>) src(%arg9 : memref<2048xi32, #tpu.memory_space<vmem>>) dst(%dma_wait3A_864 : memref<2048xi32, #tpu.memory_space<hbm>>)
        tpu.yield
      }) : () -> ()
    }
    %mul3A_73 = arith.constant 1024 : i32
    %mul3A_74 = arith.muli %add3A, %mul3A_73 : i32
    %add3A_75 = arith.constant 0 : i32
    %add3A_76 = arith.addi %add3A_75, %mul3A_74 : i32
    %dma_start3A = arith.constant 0 : i32
    %dma_start3A_77 = tpu.memref_slice %arg10[%dma_start3A] : memref<34816xi32, #tpu.memory_space<vmem>> -> memref<1024xi32, #tpu.memory_space<vmem>>
    %dma_start3A_78 = tpu.memref_slice %arg4[%add3A_76] : memref<1048576xi32, #tpu.memory_space<hbm>> -> memref<1024xi32, #tpu.memory_space<hbm>>
    %dma_start3A_79 = tpu.memref_slice %arg4[%add3A_76] : memref<1048576xi32, #tpu.memory_space<hbm>> -> memref<1024xi32, #tpu.memory_space<hbm>>
    %dma_start3A_80 = tpu.memref_slice %arg10[%dma_start3A] : memref<34816xi32, #tpu.memory_space<vmem>> -> memref<1024xi32, #tpu.memory_space<vmem>>
    tpu.enqueue_dma source(%dma_start3A_80 : memref<1024xi32, #tpu.memory_space<vmem>>) target(%dma_start3A_79 : memref<1024xi32, #tpu.memory_space<hbm>>) target_semaphore(%arg13 : memref<!tpu.dma_semaphore, #tpu.memory_space<semaphore_mem>>)
    %dma_start3A_81 = arith.constant 0 : i32
    %dma_start3A_82 = tpu.memref_slice %arg11[%dma_start3A_81] : memref<34816xi32, #tpu.memory_space<vmem>> -> memref<1024xi32, #tpu.memory_space<vmem>>
    %dma_start3A_83 = tpu.memref_slice %arg5[%add3A_76] : memref<1048576xi32, #tpu.memory_space<hbm>> -> memref<1024xi32, #tpu.memory_space<hbm>>
    %dma_start3A_84 = tpu.memref_slice %arg5[%add3A_76] : memref<1048576xi32, #tpu.memory_space<hbm>> -> memref<1024xi32, #tpu.memory_space<hbm>>
    %dma_start3A_85 = tpu.memref_slice %arg11[%dma_start3A_81] : memref<34816xi32, #tpu.memory_space<vmem>> -> memref<1024xi32, #tpu.memory_space<vmem>>
    tpu.enqueue_dma source(%dma_start3A_85 : memref<1024xi32, #tpu.memory_space<vmem>>) target(%dma_start3A_84 : memref<1024xi32, #tpu.memory_space<hbm>>) target_semaphore(%arg13 : memref<!tpu.dma_semaphore, #tpu.memory_space<semaphore_mem>>)
    %mul3A_86 = arith.constant 1024 : i32
    %mul3A_87 = arith.muli %add3A, %mul3A_86 : i32
    %add3A_88 = arith.constant 32768 : i32
    %add3A_89 = arith.addi %add3A_88, %mul3A_87 : i32
    %dma_start3A_90 = arith.constant 1024 : i32
    %dma_start3A_91 = tpu.memref_slice %arg10[%dma_start3A_90] : memref<34816xi32, #tpu.memory_space<vmem>> -> memref<1024xi32, #tpu.memory_space<vmem>>
    %dma_start3A_92 = tpu.memref_slice %arg4[%add3A_89] : memref<1048576xi32, #tpu.memory_space<hbm>> -> memref<1024xi32, #tpu.memory_space<hbm>>
    %dma_start3A_93 = tpu.memref_slice %arg4[%add3A_89] : memref<1048576xi32, #tpu.memory_space<hbm>> -> memref<1024xi32, #tpu.memory_space<hbm>>
    %dma_start3A_94 = tpu.memref_slice %arg10[%dma_start3A_90] : memref<34816xi32, #tpu.memory_space<vmem>> -> memref<1024xi32, #tpu.memory_space<vmem>>
    tpu.enqueue_dma source(%dma_start3A_94 : memref<1024xi32, #tpu.memory_space<vmem>>) target(%dma_start3A_93 : memref<1024xi32, #tpu.memory_space<hbm>>) target_semaphore(%arg13 : memref<!tpu.dma_semaphore, #tpu.memory_space<semaphore_mem>>)
    %dma_start3A_95 = arith.constant 1024 : i32
    %dma_start3A_96 = tpu.memref_slice %arg11[%dma_start3A_95] : memref<34816xi32, #tpu.memory_space<vmem>> -> memref<1024xi32, #tpu.memory_space<vmem>>
    %dma_start3A_97 = tpu.memref_slice %arg5[%add3A_89] : memref<1048576xi32, #tpu.memory_space<hbm>> -> memref<1024xi32, #tpu.memory_space<hbm>>
    %dma_start3A_98 = tpu.memref_slice %arg5[%add3A_89] : memref<1048576xi32, #tpu.memory_space<hbm>> -> memref<1024xi32, #tpu.memory_space<hbm>>
    %dma_start3A_99 = tpu.memref_slice %arg11[%dma_start3A_95] : memref<34816xi32, #tpu.memory_space<vmem>> -> memref<1024xi32, #tpu.memory_space<vmem>>
    tpu.enqueue_dma source(%dma_start3A_99 : memref<1024xi32, #tpu.memory_space<vmem>>) target(%dma_start3A_98 : memref<1024xi32, #tpu.memory_space<hbm>>) target_semaphore(%arg13 : memref<!tpu.dma_semaphore, #tpu.memory_space<semaphore_mem>>)
    %mul3A_100 = arith.constant 1024 : i32
    %mul3A_101 = arith.muli %add3A, %mul3A_100 : i32
    %add3A_102 = arith.constant 65536 : i32
    %add3A_103 = arith.addi %add3A_102, %mul3A_101 : i32
    %dma_start3A_104 = arith.constant 2048 : i32
    %dma_start3A_105 = tpu.memref_slice %arg10[%dma_start3A_104] : memref<34816xi32, #tpu.memory_space<vmem>> -> memref<1024xi32, #tpu.memory_space<vmem>>
    %dma_start3A_106 = tpu.memref_slice %arg4[%add3A_103] : memref<1048576xi32, #tpu.memory_space<hbm>> -> memref<1024xi32, #tpu.memory_space<hbm>>
    %dma_start3A_107 = tpu.memref_slice %arg4[%add3A_103] : memref<1048576xi32, #tpu.memory_space<hbm>> -> memref<1024xi32, #tpu.memory_space<hbm>>
    %dma_start3A_108 = tpu.memref_slice %arg10[%dma_start3A_104] : memref<34816xi32, #tpu.memory_space<vmem>> -> memref<1024xi32, #tpu.memory_space<vmem>>
    tpu.enqueue_dma source(%dma_start3A_108 : memref<1024xi32, #tpu.memory_space<vmem>>) target(%dma_start3A_107 : memref<1024xi32, #tpu.memory_space<hbm>>) target_semaphore(%arg13 : memref<!tpu.dma_semaphore, #tpu.memory_space<semaphore_mem>>)
    %dma_start3A_109 = arith.constant 2048 : i32
    %dma_start3A_110 = tpu.memref_slice %arg11[%dma_start3A_109] : memref<34816xi32, #tpu.memory_space<vmem>> -> memref<1024xi32, #tpu.memory_space<vmem>>
    %dma_start3A_111 = tpu.memref_slice %arg5[%add3A_103] : memref<1048576xi32, #tpu.memory_space<hbm>> -> memref<1024xi32, #tpu.memory_space<hbm>>
    %dma_start3A_112 = tpu.memref_slice %arg5[%add3A_103] : memref<1048576xi32, #tpu.memory_space<hbm>> -> memref<1024xi32, #tpu.memory_space<hbm>>
    %dma_start3A_113 = tpu.memref_slice %arg11[%dma_start3A_109] : memref<34816xi32, #tpu.memory_space<vmem>> -> memref<1024xi32, #tpu.memory_space<vmem>>
    tpu.enqueue_dma source(%dma_start3A_113 : memref<1024xi32, #tpu.memory_space<vmem>>) target(%dma_start3A_112 : memref<1024xi32, #tpu.memory_space<hbm>>) target_semaphore(%arg13 : memref<!tpu.dma_semaphore, #tpu.memory_space<semaphore_mem>>)
    %mul3A_114 = arith.constant 1024 : i32
    %mul3A_115 = arith.muli %add3A, %mul3A_114 : i32
    %add3A_116 = arith.constant 98304 : i32
    %add3A_117 = arith.addi %add3A_116, %mul3A_115 : i32
    %dma_start3A_118 = arith.constant 3072 : i32
    %dma_start3A_119 = tpu.memref_slice %arg10[%dma_start3A_118] : memref<34816xi32, #tpu.memory_space<vmem>> -> memref<1024xi32, #tpu.memory_space<vmem>>
    %dma_start3A_120 = tpu.memref_slice %arg4[%add3A_117] : memref<1048576xi32, #tpu.memory_space<hbm>> -> memref<1024xi32, #tpu.memory_space<hbm>>
    %dma_start3A_121 = tpu.memref_slice %arg4[%add3A_117] : memref<1048576xi32, #tpu.memory_space<hbm>> -> memref<1024xi32, #tpu.memory_space<hbm>>
    %dma_start3A_122 = tpu.memref_slice %arg10[%dma_start3A_118] : memref<34816xi32, #tpu.memory_space<vmem>> -> memref<1024xi32, #tpu.memory_space<vmem>>
    tpu.enqueue_dma source(%dma_start3A_122 : memref<1024xi32, #tpu.memory_space<vmem>>) target(%dma_start3A_121 : memref<1024xi32, #tpu.memory_space<hbm>>) target_semaphore(%arg13 : memref<!tpu.dma_semaphore, #tpu.memory_space<semaphore_mem>>)
    %dma_start3A_123 = arith.constant 3072 : i32
    %dma_start3A_124 = tpu.memref_slice %arg11[%dma_start3A_123] : memref<34816xi32, #tpu.memory_space<vmem>> -> memref<1024xi32, #tpu.memory_space<vmem>>
    %dma_start3A_125 = tpu.memref_slice %arg5[%add3A_117] : memref<1048576xi32, #tpu.memory_space<hbm>> -> memref<1024xi32, #tpu.memory_space<hbm>>
    %dma_start3A_126 = tpu.memref_slice %arg5[%add3A_117] : memref<1048576xi32, #tpu.memory_space<hbm>> -> memref<1024xi32, #tpu.memory_space<hbm>>
    %dma_start3A_127 = tpu.memref_slice %arg11[%dma_start3A_123] : memref<34816xi32, #tpu.memory_space<vmem>> -> memref<1024xi32, #tpu.memory_space<vmem>>
    tpu.enqueue_dma source(%dma_start3A_127 : memref<1024xi32, #tpu.memory_space<vmem>>) target(%dma_start3A_126 : memref<1024xi32, #tpu.memory_space<hbm>>) target_semaphore(%arg13 : memref<!tpu.dma_semaphore, #tpu.memory_space<semaphore_mem>>)
    %mul3A_128 = arith.constant 1024 : i32
    %mul3A_129 = arith.muli %add3A, %mul3A_128 : i32
    %add3A_130 = arith.constant 131072 : i32
    %add3A_131 = arith.addi %add3A_130, %mul3A_129 : i32
    %dma_start3A_132 = arith.constant 4096 : i32
    %dma_start3A_133 = tpu.memref_slice %arg10[%dma_start3A_132] : memref<34816xi32, #tpu.memory_space<vmem>> -> memref<1024xi32, #tpu.memory_space<vmem>>
    %dma_start3A_134 = tpu.memref_slice %arg4[%add3A_131] : memref<1048576xi32, #tpu.memory_space<hbm>> -> memref<1024xi32, #tpu.memory_space<hbm>>
    %dma_start3A_135 = tpu.memref_slice %arg4[%add3A_131] : memref<1048576xi32, #tpu.memory_space<hbm>> -> memref<1024xi32, #tpu.memory_space<hbm>>
    %dma_start3A_136 = tpu.memref_slice %arg10[%dma_start3A_132] : memref<34816xi32, #tpu.memory_space<vmem>> -> memref<1024xi32, #tpu.memory_space<vmem>>
    tpu.enqueue_dma source(%dma_start3A_136 : memref<1024xi32, #tpu.memory_space<vmem>>) target(%dma_start3A_135 : memref<1024xi32, #tpu.memory_space<hbm>>) target_semaphore(%arg13 : memref<!tpu.dma_semaphore, #tpu.memory_space<semaphore_mem>>)
    %dma_start3A_137 = arith.constant 4096 : i32
    %dma_start3A_138 = tpu.memref_slice %arg11[%dma_start3A_137] : memref<34816xi32, #tpu.memory_space<vmem>> -> memref<1024xi32, #tpu.memory_space<vmem>>
    %dma_start3A_139 = tpu.memref_slice %arg5[%add3A_131] : memref<1048576xi32, #tpu.memory_space<hbm>> -> memref<1024xi32, #tpu.memory_space<hbm>>
    %dma_start3A_140 = tpu.memref_slice %arg5[%add3A_131] : memref<1048576xi32, #tpu.memory_space<hbm>> -> memref<1024xi32, #tpu.memory_space<hbm>>
    %dma_start3A_141 = tpu.memref_slice %arg11[%dma_start3A_137] : memref<34816xi32, #tpu.memory_space<vmem>> -> memref<1024xi32, #tpu.memory_space<vmem>>
    tpu.enqueue_dma source(%dma_start3A_141 : memref<1024xi32, #tpu.memory_space<vmem>>) target(%dma_start3A_140 : memref<1024xi32, #tpu.memory_space<hbm>>) target_semaphore(%arg13 : memref<!tpu.dma_semaphore, #tpu.memory_space<semaphore_mem>>)
    %mul3A_142 = arith.constant 1024 : i32
    %mul3A_143 = arith.muli %add3A, %mul3A_142 : i32
    %add3A_144 = arith.constant 163840 : i32
    %add3A_145 = arith.addi %add3A_144, %mul3A_143 : i32
    %dma_start3A_146 = arith.constant 5120 : i32
    %dma_start3A_147 = tpu.memref_slice %arg10[%dma_start3A_146] : memref<34816xi32, #tpu.memory_space<vmem>> -> memref<1024xi32, #tpu.memory_space<vmem>>
    %dma_start3A_148 = tpu.memref_slice %arg4[%add3A_145] : memref<1048576xi32, #tpu.memory_space<hbm>> -> memref<1024xi32, #tpu.memory_space<hbm>>
    %dma_start3A_149 = tpu.memref_slice %arg4[%add3A_145] : memref<1048576xi32, #tpu.memory_space<hbm>> -> memref<1024xi32, #tpu.memory_space<hbm>>
    %dma_start3A_150 = tpu.memref_slice %arg10[%dma_start3A_146] : memref<34816xi32, #tpu.memory_space<vmem>> -> memref<1024xi32, #tpu.memory_space<vmem>>
    tpu.enqueue_dma source(%dma_start3A_150 : memref<1024xi32, #tpu.memory_space<vmem>>) target(%dma_start3A_149 : memref<1024xi32, #tpu.memory_space<hbm>>) target_semaphore(%arg13 : memref<!tpu.dma_semaphore, #tpu.memory_space<semaphore_mem>>)
    %dma_start3A_151 = arith.constant 5120 : i32
    %dma_start3A_152 = tpu.memref_slice %arg11[%dma_start3A_151] : memref<34816xi32, #tpu.memory_space<vmem>> -> memref<1024xi32, #tpu.memory_space<vmem>>
    %dma_start3A_153 = tpu.memref_slice %arg5[%add3A_145] : memref<1048576xi32, #tpu.memory_space<hbm>> -> memref<1024xi32, #tpu.memory_space<hbm>>
    %dma_start3A_154 = tpu.memref_slice %arg5[%add3A_145] : memref<1048576xi32, #tpu.memory_space<hbm>> -> memref<1024xi32, #tpu.memory_space<hbm>>
    %dma_start3A_155 = tpu.memref_slice %arg11[%dma_start3A_151] : memref<34816xi32, #tpu.memory_space<vmem>> -> memref<1024xi32, #tpu.memory_space<vmem>>
    tpu.enqueue_dma source(%dma_start3A_155 : memref<1024xi32, #tpu.memory_space<vmem>>) target(%dma_start3A_154 : memref<1024xi32, #tpu.memory_space<hbm>>) target_semaphore(%arg13 : memref<!tpu.dma_semaphore, #tpu.memory_space<semaphore_mem>>)
    %mul3A_156 = arith.constant 1024 : i32
    %mul3A_157 = arith.muli %add3A, %mul3A_156 : i32
    %add3A_158 = arith.constant 196608 : i32
    %add3A_159 = arith.addi %add3A_158, %mul3A_157 : i32
    %dma_start3A_160 = arith.constant 6144 : i32
    %dma_start3A_161 = tpu.memref_slice %arg10[%dma_start3A_160] : memref<34816xi32, #tpu.memory_space<vmem>> -> memref<1024xi32, #tpu.memory_space<vmem>>
    %dma_start3A_162 = tpu.memref_slice %arg4[%add3A_159] : memref<1048576xi32, #tpu.memory_space<hbm>> -> memref<1024xi32, #tpu.memory_space<hbm>>
    %dma_start3A_163 = tpu.memref_slice %arg4[%add3A_159] : memref<1048576xi32, #tpu.memory_space<hbm>> -> memref<1024xi32, #tpu.memory_space<hbm>>
    %dma_start3A_164 = tpu.memref_slice %arg10[%dma_start3A_160] : memref<34816xi32, #tpu.memory_space<vmem>> -> memref<1024xi32, #tpu.memory_space<vmem>>
    tpu.enqueue_dma source(%dma_start3A_164 : memref<1024xi32, #tpu.memory_space<vmem>>) target(%dma_start3A_163 : memref<1024xi32, #tpu.memory_space<hbm>>) target_semaphore(%arg13 : memref<!tpu.dma_semaphore, #tpu.memory_space<semaphore_mem>>)
    %dma_start3A_165 = arith.constant 6144 : i32
    %dma_start3A_166 = tpu.memref_slice %arg11[%dma_start3A_165] : memref<34816xi32, #tpu.memory_space<vmem>> -> memref<1024xi32, #tpu.memory_space<vmem>>
    %dma_start3A_167 = tpu.memref_slice %arg5[%add3A_159] : memref<1048576xi32, #tpu.memory_space<hbm>> -> memref<1024xi32, #tpu.memory_space<hbm>>
    %dma_start3A_168 = tpu.memref_slice %arg5[%add3A_159] : memref<1048576xi32, #tpu.memory_space<hbm>> -> memref<1024xi32, #tpu.memory_space<hbm>>
    %dma_start3A_169 = tpu.memref_slice %arg11[%dma_start3A_165] : memref<34816xi32, #tpu.memory_space<vmem>> -> memref<1024xi32, #tpu.memory_space<vmem>>
    tpu.enqueue_dma source(%dma_start3A_169 : memref<1024xi32, #tpu.memory_space<vmem>>) target(%dma_start3A_168 : memref<1024xi32, #tpu.memory_space<hbm>>) target_semaphore(%arg13 : memref<!tpu.dma_semaphore, #tpu.memory_space<semaphore_mem>>)
    %mul3A_170 = arith.constant 1024 : i32
    %mul3A_171 = arith.muli %add3A, %mul3A_170 : i32
    %add3A_172 = arith.constant 229376 : i32
    %add3A_173 = arith.addi %add3A_172, %mul3A_171 : i32
    %dma_start3A_174 = arith.constant 7168 : i32
    %dma_start3A_175 = tpu.memref_slice %arg10[%dma_start3A_174] : memref<34816xi32, #tpu.memory_space<vmem>> -> memref<1024xi32, #tpu.memory_space<vmem>>
    %dma_start3A_176 = tpu.memref_slice %arg4[%add3A_173] : memref<1048576xi32, #tpu.memory_space<hbm>> -> memref<1024xi32, #tpu.memory_space<hbm>>
    %dma_start3A_177 = tpu.memref_slice %arg4[%add3A_173] : memref<1048576xi32, #tpu.memory_space<hbm>> -> memref<1024xi32, #tpu.memory_space<hbm>>
    %dma_start3A_178 = tpu.memref_slice %arg10[%dma_start3A_174] : memref<34816xi32, #tpu.memory_space<vmem>> -> memref<1024xi32, #tpu.memory_space<vmem>>
    tpu.enqueue_dma source(%dma_start3A_178 : memref<1024xi32, #tpu.memory_space<vmem>>) target(%dma_start3A_177 : memref<1024xi32, #tpu.memory_space<hbm>>) target_semaphore(%arg13 : memref<!tpu.dma_semaphore, #tpu.memory_space<semaphore_mem>>)
    %dma_start3A_179 = arith.constant 7168 : i32
    %dma_start3A_180 = tpu.memref_slice %arg11[%dma_start3A_179] : memref<34816xi32, #tpu.memory_space<vmem>> -> memref<1024xi32, #tpu.memory_space<vmem>>
    %dma_start3A_181 = tpu.memref_slice %arg5[%add3A_173] : memref<1048576xi32, #tpu.memory_space<hbm>> -> memref<1024xi32, #tpu.memory_space<hbm>>
    %dma_start3A_182 = tpu.memref_slice %arg5[%add3A_173] : memref<1048576xi32, #tpu.memory_space<hbm>> -> memref<1024xi32, #tpu.memory_space<hbm>>
    %dma_start3A_183 = tpu.memref_slice %arg11[%dma_start3A_179] : memref<34816xi32, #tpu.memory_space<vmem>> -> memref<1024xi32, #tpu.memory_space<vmem>>
    tpu.enqueue_dma source(%dma_start3A_183 : memref<1024xi32, #tpu.memory_space<vmem>>) target(%dma_start3A_182 : memref<1024xi32, #tpu.memory_space<hbm>>) target_semaphore(%arg13 : memref<!tpu.dma_semaphore, #tpu.memory_space<semaphore_mem>>)
    %mul3A_184 = arith.constant 1024 : i32
    %mul3A_185 = arith.muli %add3A, %mul3A_184 : i32
    %add3A_186 = arith.constant 262144 : i32
    %add3A_187 = arith.addi %add3A_186, %mul3A_185 : i32
    %dma_start3A_188 = arith.constant 8192 : i32
    %dma_start3A_189 = tpu.memref_slice %arg10[%dma_start3A_188] : memref<34816xi32, #tpu.memory_space<vmem>> -> memref<1024xi32, #tpu.memory_space<vmem>>
    %dma_start3A_190 = tpu.memref_slice %arg4[%add3A_187] : memref<1048576xi32, #tpu.memory_space<hbm>> -> memref<1024xi32, #tpu.memory_space<hbm>>
    %dma_start3A_191 = tpu.memref_slice %arg4[%add3A_187] : memref<1048576xi32, #tpu.memory_space<hbm>> -> memref<1024xi32, #tpu.memory_space<hbm>>
    %dma_start3A_192 = tpu.memref_slice %arg10[%dma_start3A_188] : memref<34816xi32, #tpu.memory_space<vmem>> -> memref<1024xi32, #tpu.memory_space<vmem>>
    tpu.enqueue_dma source(%dma_start3A_192 : memref<1024xi32, #tpu.memory_space<vmem>>) target(%dma_start3A_191 : memref<1024xi32, #tpu.memory_space<hbm>>) target_semaphore(%arg13 : memref<!tpu.dma_semaphore, #tpu.memory_space<semaphore_mem>>)
    %dma_start3A_193 = arith.constant 8192 : i32
    %dma_start3A_194 = tpu.memref_slice %arg11[%dma_start3A_193] : memref<34816xi32, #tpu.memory_space<vmem>> -> memref<1024xi32, #tpu.memory_space<vmem>>
    %dma_start3A_195 = tpu.memref_slice %arg5[%add3A_187] : memref<1048576xi32, #tpu.memory_space<hbm>> -> memref<1024xi32, #tpu.memory_space<hbm>>
    %dma_start3A_196 = tpu.memref_slice %arg5[%add3A_187] : memref<1048576xi32, #tpu.memory_space<hbm>> -> memref<1024xi32, #tpu.memory_space<hbm>>
    %dma_start3A_197 = tpu.memref_slice %arg11[%dma_start3A_193] : memref<34816xi32, #tpu.memory_space<vmem>> -> memref<1024xi32, #tpu.memory_space<vmem>>
    tpu.enqueue_dma source(%dma_start3A_197 : memref<1024xi32, #tpu.memory_space<vmem>>) target(%dma_start3A_196 : memref<1024xi32, #tpu.memory_space<hbm>>) target_semaphore(%arg13 : memref<!tpu.dma_semaphore, #tpu.memory_space<semaphore_mem>>)
    %mul3A_198 = arith.constant 1024 : i32
    %mul3A_199 = arith.muli %add3A, %mul3A_198 : i32
    %add3A_200 = arith.constant 294912 : i32
    %add3A_201 = arith.addi %add3A_200, %mul3A_199 : i32
    %dma_start3A_202 = arith.constant 9216 : i32
    %dma_start3A_203 = tpu.memref_slice %arg10[%dma_start3A_202] : memref<34816xi32, #tpu.memory_space<vmem>> -> memref<1024xi32, #tpu.memory_space<vmem>>
    %dma_start3A_204 = tpu.memref_slice %arg4[%add3A_201] : memref<1048576xi32, #tpu.memory_space<hbm>> -> memref<1024xi32, #tpu.memory_space<hbm>>
    %dma_start3A_205 = tpu.memref_slice %arg4[%add3A_201] : memref<1048576xi32, #tpu.memory_space<hbm>> -> memref<1024xi32, #tpu.memory_space<hbm>>
    %dma_start3A_206 = tpu.memref_slice %arg10[%dma_start3A_202] : memref<34816xi32, #tpu.memory_space<vmem>> -> memref<1024xi32, #tpu.memory_space<vmem>>
    tpu.enqueue_dma source(%dma_start3A_206 : memref<1024xi32, #tpu.memory_space<vmem>>) target(%dma_start3A_205 : memref<1024xi32, #tpu.memory_space<hbm>>) target_semaphore(%arg13 : memref<!tpu.dma_semaphore, #tpu.memory_space<semaphore_mem>>)
    %dma_start3A_207 = arith.constant 9216 : i32
    %dma_start3A_208 = tpu.memref_slice %arg11[%dma_start3A_207] : memref<34816xi32, #tpu.memory_space<vmem>> -> memref<1024xi32, #tpu.memory_space<vmem>>
    %dma_start3A_209 = tpu.memref_slice %arg5[%add3A_201] : memref<1048576xi32, #tpu.memory_space<hbm>> -> memref<1024xi32, #tpu.memory_space<hbm>>
    %dma_start3A_210 = tpu.memref_slice %arg5[%add3A_201] : memref<1048576xi32, #tpu.memory_space<hbm>> -> memref<1024xi32, #tpu.memory_space<hbm>>
    %dma_start3A_211 = tpu.memref_slice %arg11[%dma_start3A_207] : memref<34816xi32, #tpu.memory_space<vmem>> -> memref<1024xi32, #tpu.memory_space<vmem>>
    tpu.enqueue_dma source(%dma_start3A_211 : memref<1024xi32, #tpu.memory_space<vmem>>) target(%dma_start3A_210 : memref<1024xi32, #tpu.memory_space<hbm>>) target_semaphore(%arg13 : memref<!tpu.dma_semaphore, #tpu.memory_space<semaphore_mem>>)
    %mul3A_212 = arith.constant 1024 : i32
    %mul3A_213 = arith.muli %add3A, %mul3A_212 : i32
    %add3A_214 = arith.constant 327680 : i32
    %add3A_215 = arith.addi %add3A_214, %mul3A_213 : i32
    %dma_start3A_216 = arith.constant 10240 : i32
    %dma_start3A_217 = tpu.memref_slice %arg10[%dma_start3A_216] : memref<34816xi32, #tpu.memory_space<vmem>> -> memref<1024xi32, #tpu.memory_space<vmem>>
    %dma_start3A_218 = tpu.memref_slice %arg4[%add3A_215] : memref<1048576xi32, #tpu.memory_space<hbm>> -> memref<1024xi32, #tpu.memory_space<hbm>>
    %dma_start3A_219 = tpu.memref_slice %arg4[%add3A_215] : memref<1048576xi32, #tpu.memory_space<hbm>> -> memref<1024xi32, #tpu.memory_space<hbm>>
    %dma_start3A_220 = tpu.memref_slice %arg10[%dma_start3A_216] : memref<34816xi32, #tpu.memory_space<vmem>> -> memref<1024xi32, #tpu.memory_space<vmem>>
    tpu.enqueue_dma source(%dma_start3A_220 : memref<1024xi32, #tpu.memory_space<vmem>>) target(%dma_start3A_219 : memref<1024xi32, #tpu.memory_space<hbm>>) target_semaphore(%arg13 : memref<!tpu.dma_semaphore, #tpu.memory_space<semaphore_mem>>)
    %dma_start3A_221 = arith.constant 10240 : i32
    %dma_start3A_222 = tpu.memref_slice %arg11[%dma_start3A_221] : memref<34816xi32, #tpu.memory_space<vmem>> -> memref<1024xi32, #tpu.memory_space<vmem>>
    %dma_start3A_223 = tpu.memref_slice %arg5[%add3A_215] : memref<1048576xi32, #tpu.memory_space<hbm>> -> memref<1024xi32, #tpu.memory_space<hbm>>
    %dma_start3A_224 = tpu.memref_slice %arg5[%add3A_215] : memref<1048576xi32, #tpu.memory_space<hbm>> -> memref<1024xi32, #tpu.memory_space<hbm>>
    %dma_start3A_225 = tpu.memref_slice %arg11[%dma_start3A_221] : memref<34816xi32, #tpu.memory_space<vmem>> -> memref<1024xi32, #tpu.memory_space<vmem>>
    tpu.enqueue_dma source(%dma_start3A_225 : memref<1024xi32, #tpu.memory_space<vmem>>) target(%dma_start3A_224 : memref<1024xi32, #tpu.memory_space<hbm>>) target_semaphore(%arg13 : memref<!tpu.dma_semaphore, #tpu.memory_space<semaphore_mem>>)
    %mul3A_226 = arith.constant 1024 : i32
    %mul3A_227 = arith.muli %add3A, %mul3A_226 : i32
    %add3A_228 = arith.constant 360448 : i32
    %add3A_229 = arith.addi %add3A_228, %mul3A_227 : i32
    %dma_start3A_230 = arith.constant 11264 : i32
    %dma_start3A_231 = tpu.memref_slice %arg10[%dma_start3A_230] : memref<34816xi32, #tpu.memory_space<vmem>> -> memref<1024xi32, #tpu.memory_space<vmem>>
    %dma_start3A_232 = tpu.memref_slice %arg4[%add3A_229] : memref<1048576xi32, #tpu.memory_space<hbm>> -> memref<1024xi32, #tpu.memory_space<hbm>>
    %dma_start3A_233 = tpu.memref_slice %arg4[%add3A_229] : memref<1048576xi32, #tpu.memory_space<hbm>> -> memref<1024xi32, #tpu.memory_space<hbm>>
    %dma_start3A_234 = tpu.memref_slice %arg10[%dma_start3A_230] : memref<34816xi32, #tpu.memory_space<vmem>> -> memref<1024xi32, #tpu.memory_space<vmem>>
    tpu.enqueue_dma source(%dma_start3A_234 : memref<1024xi32, #tpu.memory_space<vmem>>) target(%dma_start3A_233 : memref<1024xi32, #tpu.memory_space<hbm>>) target_semaphore(%arg13 : memref<!tpu.dma_semaphore, #tpu.memory_space<semaphore_mem>>)
    %dma_start3A_235 = arith.constant 11264 : i32
    %dma_start3A_236 = tpu.memref_slice %arg11[%dma_start3A_235] : memref<34816xi32, #tpu.memory_space<vmem>> -> memref<1024xi32, #tpu.memory_space<vmem>>
    %dma_start3A_237 = tpu.memref_slice %arg5[%add3A_229] : memref<1048576xi32, #tpu.memory_space<hbm>> -> memref<1024xi32, #tpu.memory_space<hbm>>
    %dma_start3A_238 = tpu.memref_slice %arg5[%add3A_229] : memref<1048576xi32, #tpu.memory_space<hbm>> -> memref<1024xi32, #tpu.memory_space<hbm>>
    %dma_start3A_239 = tpu.memref_slice %arg11[%dma_start3A_235] : memref<34816xi32, #tpu.memory_space<vmem>> -> memref<1024xi32, #tpu.memory_space<vmem>>
    tpu.enqueue_dma source(%dma_start3A_239 : memref<1024xi32, #tpu.memory_space<vmem>>) target(%dma_start3A_238 : memref<1024xi32, #tpu.memory_space<hbm>>) target_semaphore(%arg13 : memref<!tpu.dma_semaphore, #tpu.memory_space<semaphore_mem>>)
    %mul3A_240 = arith.constant 1024 : i32
    %mul3A_241 = arith.muli %add3A, %mul3A_240 : i32
    %add3A_242 = arith.constant 393216 : i32
    %add3A_243 = arith.addi %add3A_242, %mul3A_241 : i32
    %dma_start3A_244 = arith.constant 12288 : i32
    %dma_start3A_245 = tpu.memref_slice %arg10[%dma_start3A_244] : memref<34816xi32, #tpu.memory_space<vmem>> -> memref<1024xi32, #tpu.memory_space<vmem>>
    %dma_start3A_246 = tpu.memref_slice %arg4[%add3A_243] : memref<1048576xi32, #tpu.memory_space<hbm>> -> memref<1024xi32, #tpu.memory_space<hbm>>
    %dma_start3A_247 = tpu.memref_slice %arg4[%add3A_243] : memref<1048576xi32, #tpu.memory_space<hbm>> -> memref<1024xi32, #tpu.memory_space<hbm>>
    %dma_start3A_248 = tpu.memref_slice %arg10[%dma_start3A_244] : memref<34816xi32, #tpu.memory_space<vmem>> -> memref<1024xi32, #tpu.memory_space<vmem>>
    tpu.enqueue_dma source(%dma_start3A_248 : memref<1024xi32, #tpu.memory_space<vmem>>) target(%dma_start3A_247 : memref<1024xi32, #tpu.memory_space<hbm>>) target_semaphore(%arg13 : memref<!tpu.dma_semaphore, #tpu.memory_space<semaphore_mem>>)
    %dma_start3A_249 = arith.constant 12288 : i32
    %dma_start3A_250 = tpu.memref_slice %arg11[%dma_start3A_249] : memref<34816xi32, #tpu.memory_space<vmem>> -> memref<1024xi32, #tpu.memory_space<vmem>>
    %dma_start3A_251 = tpu.memref_slice %arg5[%add3A_243] : memref<1048576xi32, #tpu.memory_space<hbm>> -> memref<1024xi32, #tpu.memory_space<hbm>>
    %dma_start3A_252 = tpu.memref_slice %arg5[%add3A_243] : memref<1048576xi32, #tpu.memory_space<hbm>> -> memref<1024xi32, #tpu.memory_space<hbm>>
    %dma_start3A_253 = tpu.memref_slice %arg11[%dma_start3A_249] : memref<34816xi32, #tpu.memory_space<vmem>> -> memref<1024xi32, #tpu.memory_space<vmem>>
    tpu.enqueue_dma source(%dma_start3A_253 : memref<1024xi32, #tpu.memory_space<vmem>>) target(%dma_start3A_252 : memref<1024xi32, #tpu.memory_space<hbm>>) target_semaphore(%arg13 : memref<!tpu.dma_semaphore, #tpu.memory_space<semaphore_mem>>)
    %mul3A_254 = arith.constant 1024 : i32
    %mul3A_255 = arith.muli %add3A, %mul3A_254 : i32
    %add3A_256 = arith.constant 425984 : i32
    %add3A_257 = arith.addi %add3A_256, %mul3A_255 : i32
    %dma_start3A_258 = arith.constant 13312 : i32
    %dma_start3A_259 = tpu.memref_slice %arg10[%dma_start3A_258] : memref<34816xi32, #tpu.memory_space<vmem>> -> memref<1024xi32, #tpu.memory_space<vmem>>
    %dma_start3A_260 = tpu.memref_slice %arg4[%add3A_257] : memref<1048576xi32, #tpu.memory_space<hbm>> -> memref<1024xi32, #tpu.memory_space<hbm>>
    %dma_start3A_261 = tpu.memref_slice %arg4[%add3A_257] : memref<1048576xi32, #tpu.memory_space<hbm>> -> memref<1024xi32, #tpu.memory_space<hbm>>
    %dma_start3A_262 = tpu.memref_slice %arg10[%dma_start3A_258] : memref<34816xi32, #tpu.memory_space<vmem>> -> memref<1024xi32, #tpu.memory_space<vmem>>
    tpu.enqueue_dma source(%dma_start3A_262 : memref<1024xi32, #tpu.memory_space<vmem>>) target(%dma_start3A_261 : memref<1024xi32, #tpu.memory_space<hbm>>) target_semaphore(%arg13 : memref<!tpu.dma_semaphore, #tpu.memory_space<semaphore_mem>>)
    %dma_start3A_263 = arith.constant 13312 : i32
    %dma_start3A_264 = tpu.memref_slice %arg11[%dma_start3A_263] : memref<34816xi32, #tpu.memory_space<vmem>> -> memref<1024xi32, #tpu.memory_space<vmem>>
    %dma_start3A_265 = tpu.memref_slice %arg5[%add3A_257] : memref<1048576xi32, #tpu.memory_space<hbm>> -> memref<1024xi32, #tpu.memory_space<hbm>>
    %dma_start3A_266 = tpu.memref_slice %arg5[%add3A_257] : memref<1048576xi32, #tpu.memory_space<hbm>> -> memref<1024xi32, #tpu.memory_space<hbm>>
    %dma_start3A_267 = tpu.memref_slice %arg11[%dma_start3A_263] : memref<34816xi32, #tpu.memory_space<vmem>> -> memref<1024xi32, #tpu.memory_space<vmem>>
    tpu.enqueue_dma source(%dma_start3A_267 : memref<1024xi32, #tpu.memory_space<vmem>>) target(%dma_start3A_266 : memref<1024xi32, #tpu.memory_space<hbm>>) target_semaphore(%arg13 : memref<!tpu.dma_semaphore, #tpu.memory_space<semaphore_mem>>)
    %mul3A_268 = arith.constant 1024 : i32
    %mul3A_269 = arith.muli %add3A, %mul3A_268 : i32
    %add3A_270 = arith.constant 458752 : i32
    %add3A_271 = arith.addi %add3A_270, %mul3A_269 : i32
    %dma_start3A_272 = arith.constant 14336 : i32
    %dma_start3A_273 = tpu.memref_slice %arg10[%dma_start3A_272] : memref<34816xi32, #tpu.memory_space<vmem>> -> memref<1024xi32, #tpu.memory_space<vmem>>
    %dma_start3A_274 = tpu.memref_slice %arg4[%add3A_271] : memref<1048576xi32, #tpu.memory_space<hbm>> -> memref<1024xi32, #tpu.memory_space<hbm>>
    %dma_start3A_275 = tpu.memref_slice %arg4[%add3A_271] : memref<1048576xi32, #tpu.memory_space<hbm>> -> memref<1024xi32, #tpu.memory_space<hbm>>
    %dma_start3A_276 = tpu.memref_slice %arg10[%dma_start3A_272] : memref<34816xi32, #tpu.memory_space<vmem>> -> memref<1024xi32, #tpu.memory_space<vmem>>
    tpu.enqueue_dma source(%dma_start3A_276 : memref<1024xi32, #tpu.memory_space<vmem>>) target(%dma_start3A_275 : memref<1024xi32, #tpu.memory_space<hbm>>) target_semaphore(%arg13 : memref<!tpu.dma_semaphore, #tpu.memory_space<semaphore_mem>>)
    %dma_start3A_277 = arith.constant 14336 : i32
    %dma_start3A_278 = tpu.memref_slice %arg11[%dma_start3A_277] : memref<34816xi32, #tpu.memory_space<vmem>> -> memref<1024xi32, #tpu.memory_space<vmem>>
    %dma_start3A_279 = tpu.memref_slice %arg5[%add3A_271] : memref<1048576xi32, #tpu.memory_space<hbm>> -> memref<1024xi32, #tpu.memory_space<hbm>>
    %dma_start3A_280 = tpu.memref_slice %arg5[%add3A_271] : memref<1048576xi32, #tpu.memory_space<hbm>> -> memref<1024xi32, #tpu.memory_space<hbm>>
    %dma_start3A_281 = tpu.memref_slice %arg11[%dma_start3A_277] : memref<34816xi32, #tpu.memory_space<vmem>> -> memref<1024xi32, #tpu.memory_space<vmem>>
    tpu.enqueue_dma source(%dma_start3A_281 : memref<1024xi32, #tpu.memory_space<vmem>>) target(%dma_start3A_280 : memref<1024xi32, #tpu.memory_space<hbm>>) target_semaphore(%arg13 : memref<!tpu.dma_semaphore, #tpu.memory_space<semaphore_mem>>)
    %mul3A_282 = arith.constant 1024 : i32
    %mul3A_283 = arith.muli %add3A, %mul3A_282 : i32
    %add3A_284 = arith.constant 491520 : i32
    %add3A_285 = arith.addi %add3A_284, %mul3A_283 : i32
    %dma_start3A_286 = arith.constant 15360 : i32
    %dma_start3A_287 = tpu.memref_slice %arg10[%dma_start3A_286] : memref<34816xi32, #tpu.memory_space<vmem>> -> memref<1024xi32, #tpu.memory_space<vmem>>
    %dma_start3A_288 = tpu.memref_slice %arg4[%add3A_285] : memref<1048576xi32, #tpu.memory_space<hbm>> -> memref<1024xi32, #tpu.memory_space<hbm>>
    %dma_start3A_289 = tpu.memref_slice %arg4[%add3A_285] : memref<1048576xi32, #tpu.memory_space<hbm>> -> memref<1024xi32, #tpu.memory_space<hbm>>
    %dma_start3A_290 = tpu.memref_slice %arg10[%dma_start3A_286] : memref<34816xi32, #tpu.memory_space<vmem>> -> memref<1024xi32, #tpu.memory_space<vmem>>
    tpu.enqueue_dma source(%dma_start3A_290 : memref<1024xi32, #tpu.memory_space<vmem>>) target(%dma_start3A_289 : memref<1024xi32, #tpu.memory_space<hbm>>) target_semaphore(%arg13 : memref<!tpu.dma_semaphore, #tpu.memory_space<semaphore_mem>>)
    %dma_start3A_291 = arith.constant 15360 : i32
    %dma_start3A_292 = tpu.memref_slice %arg11[%dma_start3A_291] : memref<34816xi32, #tpu.memory_space<vmem>> -> memref<1024xi32, #tpu.memory_space<vmem>>
    %dma_start3A_293 = tpu.memref_slice %arg5[%add3A_285] : memref<1048576xi32, #tpu.memory_space<hbm>> -> memref<1024xi32, #tpu.memory_space<hbm>>
    %dma_start3A_294 = tpu.memref_slice %arg5[%add3A_285] : memref<1048576xi32, #tpu.memory_space<hbm>> -> memref<1024xi32, #tpu.memory_space<hbm>>
    %dma_start3A_295 = tpu.memref_slice %arg11[%dma_start3A_291] : memref<34816xi32, #tpu.memory_space<vmem>> -> memref<1024xi32, #tpu.memory_space<vmem>>
    tpu.enqueue_dma source(%dma_start3A_295 : memref<1024xi32, #tpu.memory_space<vmem>>) target(%dma_start3A_294 : memref<1024xi32, #tpu.memory_space<hbm>>) target_semaphore(%arg13 : memref<!tpu.dma_semaphore, #tpu.memory_space<semaphore_mem>>)
    %mul3A_296 = arith.constant 1024 : i32
    %mul3A_297 = arith.muli %add3A, %mul3A_296 : i32
    %add3A_298 = arith.constant 524288 : i32
    %add3A_299 = arith.addi %add3A_298, %mul3A_297 : i32
    %dma_start3A_300 = arith.constant 16384 : i32
    %dma_start3A_301 = tpu.memref_slice %arg10[%dma_start3A_300] : memref<34816xi32, #tpu.memory_space<vmem>> -> memref<1024xi32, #tpu.memory_space<vmem>>
    %dma_start3A_302 = tpu.memref_slice %arg4[%add3A_299] : memref<1048576xi32, #tpu.memory_space<hbm>> -> memref<1024xi32, #tpu.memory_space<hbm>>
    %dma_start3A_303 = tpu.memref_slice %arg4[%add3A_299] : memref<1048576xi32, #tpu.memory_space<hbm>> -> memref<1024xi32, #tpu.memory_space<hbm>>
    %dma_start3A_304 = tpu.memref_slice %arg10[%dma_start3A_300] : memref<34816xi32, #tpu.memory_space<vmem>> -> memref<1024xi32, #tpu.memory_space<vmem>>
    tpu.enqueue_dma source(%dma_start3A_304 : memref<1024xi32, #tpu.memory_space<vmem>>) target(%dma_start3A_303 : memref<1024xi32, #tpu.memory_space<hbm>>) target_semaphore(%arg13 : memref<!tpu.dma_semaphore, #tpu.memory_space<semaphore_mem>>)
    %dma_start3A_305 = arith.constant 16384 : i32
    %dma_start3A_306 = tpu.memref_slice %arg11[%dma_start3A_305] : memref<34816xi32, #tpu.memory_space<vmem>> -> memref<1024xi32, #tpu.memory_space<vmem>>
    %dma_start3A_307 = tpu.memref_slice %arg5[%add3A_299] : memref<1048576xi32, #tpu.memory_space<hbm>> -> memref<1024xi32, #tpu.memory_space<hbm>>
    %dma_start3A_308 = tpu.memref_slice %arg5[%add3A_299] : memref<1048576xi32, #tpu.memory_space<hbm>> -> memref<1024xi32, #tpu.memory_space<hbm>>
    %dma_start3A_309 = tpu.memref_slice %arg11[%dma_start3A_305] : memref<34816xi32, #tpu.memory_space<vmem>> -> memref<1024xi32, #tpu.memory_space<vmem>>
    tpu.enqueue_dma source(%dma_start3A_309 : memref<1024xi32, #tpu.memory_space<vmem>>) target(%dma_start3A_308 : memref<1024xi32, #tpu.memory_space<hbm>>) target_semaphore(%arg13 : memref<!tpu.dma_semaphore, #tpu.memory_space<semaphore_mem>>)
    %mul3A_310 = arith.constant 1024 : i32
    %mul3A_311 = arith.muli %add3A, %mul3A_310 : i32
    %add3A_312 = arith.constant 557056 : i32
    %add3A_313 = arith.addi %add3A_312, %mul3A_311 : i32
    %dma_start3A_314 = arith.constant 17408 : i32
    %dma_start3A_315 = tpu.memref_slice %arg10[%dma_start3A_314] : memref<34816xi32, #tpu.memory_space<vmem>> -> memref<1024xi32, #tpu.memory_space<vmem>>
    %dma_start3A_316 = tpu.memref_slice %arg4[%add3A_313] : memref<1048576xi32, #tpu.memory_space<hbm>> -> memref<1024xi32, #tpu.memory_space<hbm>>
    %dma_start3A_317 = tpu.memref_slice %arg4[%add3A_313] : memref<1048576xi32, #tpu.memory_space<hbm>> -> memref<1024xi32, #tpu.memory_space<hbm>>
    %dma_start3A_318 = tpu.memref_slice %arg10[%dma_start3A_314] : memref<34816xi32, #tpu.memory_space<vmem>> -> memref<1024xi32, #tpu.memory_space<vmem>>
    tpu.enqueue_dma source(%dma_start3A_318 : memref<1024xi32, #tpu.memory_space<vmem>>) target(%dma_start3A_317 : memref<1024xi32, #tpu.memory_space<hbm>>) target_semaphore(%arg13 : memref<!tpu.dma_semaphore, #tpu.memory_space<semaphore_mem>>)
    %dma_start3A_319 = arith.constant 17408 : i32
    %dma_start3A_320 = tpu.memref_slice %arg11[%dma_start3A_319] : memref<34816xi32, #tpu.memory_space<vmem>> -> memref<1024xi32, #tpu.memory_space<vmem>>
    %dma_start3A_321 = tpu.memref_slice %arg5[%add3A_313] : memref<1048576xi32, #tpu.memory_space<hbm>> -> memref<1024xi32, #tpu.memory_space<hbm>>
    %dma_start3A_322 = tpu.memref_slice %arg5[%add3A_313] : memref<1048576xi32, #tpu.memory_space<hbm>> -> memref<1024xi32, #tpu.memory_space<hbm>>
    %dma_start3A_323 = tpu.memref_slice %arg11[%dma_start3A_319] : memref<34816xi32, #tpu.memory_space<vmem>> -> memref<1024xi32, #tpu.memory_space<vmem>>
    tpu.enqueue_dma source(%dma_start3A_323 : memref<1024xi32, #tpu.memory_space<vmem>>) target(%dma_start3A_322 : memref<1024xi32, #tpu.memory_space<hbm>>) target_semaphore(%arg13 : memref<!tpu.dma_semaphore, #tpu.memory_space<semaphore_mem>>)
    %mul3A_324 = arith.constant 1024 : i32
    %mul3A_325 = arith.muli %add3A, %mul3A_324 : i32
    %add3A_326 = arith.constant 589824 : i32
    %add3A_327 = arith.addi %add3A_326, %mul3A_325 : i32
    %dma_start3A_328 = arith.constant 18432 : i32
    %dma_start3A_329 = tpu.memref_slice %arg10[%dma_start3A_328] : memref<34816xi32, #tpu.memory_space<vmem>> -> memref<1024xi32, #tpu.memory_space<vmem>>
    %dma_start3A_330 = tpu.memref_slice %arg4[%add3A_327] : memref<1048576xi32, #tpu.memory_space<hbm>> -> memref<1024xi32, #tpu.memory_space<hbm>>
    %dma_start3A_331 = tpu.memref_slice %arg4[%add3A_327] : memref<1048576xi32, #tpu.memory_space<hbm>> -> memref<1024xi32, #tpu.memory_space<hbm>>
    %dma_start3A_332 = tpu.memref_slice %arg10[%dma_start3A_328] : memref<34816xi32, #tpu.memory_space<vmem>> -> memref<1024xi32, #tpu.memory_space<vmem>>
    tpu.enqueue_dma source(%dma_start3A_332 : memref<1024xi32, #tpu.memory_space<vmem>>) target(%dma_start3A_331 : memref<1024xi32, #tpu.memory_space<hbm>>) target_semaphore(%arg13 : memref<!tpu.dma_semaphore, #tpu.memory_space<semaphore_mem>>)
    %dma_start3A_333 = arith.constant 18432 : i32
    %dma_start3A_334 = tpu.memref_slice %arg11[%dma_start3A_333] : memref<34816xi32, #tpu.memory_space<vmem>> -> memref<1024xi32, #tpu.memory_space<vmem>>
    %dma_start3A_335 = tpu.memref_slice %arg5[%add3A_327] : memref<1048576xi32, #tpu.memory_space<hbm>> -> memref<1024xi32, #tpu.memory_space<hbm>>
    %dma_start3A_336 = tpu.memref_slice %arg5[%add3A_327] : memref<1048576xi32, #tpu.memory_space<hbm>> -> memref<1024xi32, #tpu.memory_space<hbm>>
    %dma_start3A_337 = tpu.memref_slice %arg11[%dma_start3A_333] : memref<34816xi32, #tpu.memory_space<vmem>> -> memref<1024xi32, #tpu.memory_space<vmem>>
    tpu.enqueue_dma source(%dma_start3A_337 : memref<1024xi32, #tpu.memory_space<vmem>>) target(%dma_start3A_336 : memref<1024xi32, #tpu.memory_space<hbm>>) target_semaphore(%arg13 : memref<!tpu.dma_semaphore, #tpu.memory_space<semaphore_mem>>)
    %mul3A_338 = arith.constant 1024 : i32
    %mul3A_339 = arith.muli %add3A, %mul3A_338 : i32
    %add3A_340 = arith.constant 622592 : i32
    %add3A_341 = arith.addi %add3A_340, %mul3A_339 : i32
    %dma_start3A_342 = arith.constant 19456 : i32
    %dma_start3A_343 = tpu.memref_slice %arg10[%dma_start3A_342] : memref<34816xi32, #tpu.memory_space<vmem>> -> memref<1024xi32, #tpu.memory_space<vmem>>
    %dma_start3A_344 = tpu.memref_slice %arg4[%add3A_341] : memref<1048576xi32, #tpu.memory_space<hbm>> -> memref<1024xi32, #tpu.memory_space<hbm>>
    %dma_start3A_345 = tpu.memref_slice %arg4[%add3A_341] : memref<1048576xi32, #tpu.memory_space<hbm>> -> memref<1024xi32, #tpu.memory_space<hbm>>
    %dma_start3A_346 = tpu.memref_slice %arg10[%dma_start3A_342] : memref<34816xi32, #tpu.memory_space<vmem>> -> memref<1024xi32, #tpu.memory_space<vmem>>
    tpu.enqueue_dma source(%dma_start3A_346 : memref<1024xi32, #tpu.memory_space<vmem>>) target(%dma_start3A_345 : memref<1024xi32, #tpu.memory_space<hbm>>) target_semaphore(%arg13 : memref<!tpu.dma_semaphore, #tpu.memory_space<semaphore_mem>>)
    %dma_start3A_347 = arith.constant 19456 : i32
    %dma_start3A_348 = tpu.memref_slice %arg11[%dma_start3A_347] : memref<34816xi32, #tpu.memory_space<vmem>> -> memref<1024xi32, #tpu.memory_space<vmem>>
    %dma_start3A_349 = tpu.memref_slice %arg5[%add3A_341] : memref<1048576xi32, #tpu.memory_space<hbm>> -> memref<1024xi32, #tpu.memory_space<hbm>>
    %dma_start3A_350 = tpu.memref_slice %arg5[%add3A_341] : memref<1048576xi32, #tpu.memory_space<hbm>> -> memref<1024xi32, #tpu.memory_space<hbm>>
    %dma_start3A_351 = tpu.memref_slice %arg11[%dma_start3A_347] : memref<34816xi32, #tpu.memory_space<vmem>> -> memref<1024xi32, #tpu.memory_space<vmem>>
    tpu.enqueue_dma source(%dma_start3A_351 : memref<1024xi32, #tpu.memory_space<vmem>>) target(%dma_start3A_350 : memref<1024xi32, #tpu.memory_space<hbm>>) target_semaphore(%arg13 : memref<!tpu.dma_semaphore, #tpu.memory_space<semaphore_mem>>)
    %mul3A_352 = arith.constant 1024 : i32
    %mul3A_353 = arith.muli %add3A, %mul3A_352 : i32
    %add3A_354 = arith.constant 655360 : i32
    %add3A_355 = arith.addi %add3A_354, %mul3A_353 : i32
    %dma_start3A_356 = arith.constant 20480 : i32
    %dma_start3A_357 = tpu.memref_slice %arg10[%dma_start3A_356] : memref<34816xi32, #tpu.memory_space<vmem>> -> memref<1024xi32, #tpu.memory_space<vmem>>
    %dma_start3A_358 = tpu.memref_slice %arg4[%add3A_355] : memref<1048576xi32, #tpu.memory_space<hbm>> -> memref<1024xi32, #tpu.memory_space<hbm>>
    %dma_start3A_359 = tpu.memref_slice %arg4[%add3A_355] : memref<1048576xi32, #tpu.memory_space<hbm>> -> memref<1024xi32, #tpu.memory_space<hbm>>
    %dma_start3A_360 = tpu.memref_slice %arg10[%dma_start3A_356] : memref<34816xi32, #tpu.memory_space<vmem>> -> memref<1024xi32, #tpu.memory_space<vmem>>
    tpu.enqueue_dma source(%dma_start3A_360 : memref<1024xi32, #tpu.memory_space<vmem>>) target(%dma_start3A_359 : memref<1024xi32, #tpu.memory_space<hbm>>) target_semaphore(%arg13 : memref<!tpu.dma_semaphore, #tpu.memory_space<semaphore_mem>>)
    %dma_start3A_361 = arith.constant 20480 : i32
    %dma_start3A_362 = tpu.memref_slice %arg11[%dma_start3A_361] : memref<34816xi32, #tpu.memory_space<vmem>> -> memref<1024xi32, #tpu.memory_space<vmem>>
    %dma_start3A_363 = tpu.memref_slice %arg5[%add3A_355] : memref<1048576xi32, #tpu.memory_space<hbm>> -> memref<1024xi32, #tpu.memory_space<hbm>>
    %dma_start3A_364 = tpu.memref_slice %arg5[%add3A_355] : memref<1048576xi32, #tpu.memory_space<hbm>> -> memref<1024xi32, #tpu.memory_space<hbm>>
    %dma_start3A_365 = tpu.memref_slice %arg11[%dma_start3A_361] : memref<34816xi32, #tpu.memory_space<vmem>> -> memref<1024xi32, #tpu.memory_space<vmem>>
    tpu.enqueue_dma source(%dma_start3A_365 : memref<1024xi32, #tpu.memory_space<vmem>>) target(%dma_start3A_364 : memref<1024xi32, #tpu.memory_space<hbm>>) target_semaphore(%arg13 : memref<!tpu.dma_semaphore, #tpu.memory_space<semaphore_mem>>)
    %mul3A_366 = arith.constant 1024 : i32
    %mul3A_367 = arith.muli %add3A, %mul3A_366 : i32
    %add3A_368 = arith.constant 688128 : i32
    %add3A_369 = arith.addi %add3A_368, %mul3A_367 : i32
    %dma_start3A_370 = arith.constant 21504 : i32
    %dma_start3A_371 = tpu.memref_slice %arg10[%dma_start3A_370] : memref<34816xi32, #tpu.memory_space<vmem>> -> memref<1024xi32, #tpu.memory_space<vmem>>
    %dma_start3A_372 = tpu.memref_slice %arg4[%add3A_369] : memref<1048576xi32, #tpu.memory_space<hbm>> -> memref<1024xi32, #tpu.memory_space<hbm>>
    %dma_start3A_373 = tpu.memref_slice %arg4[%add3A_369] : memref<1048576xi32, #tpu.memory_space<hbm>> -> memref<1024xi32, #tpu.memory_space<hbm>>
    %dma_start3A_374 = tpu.memref_slice %arg10[%dma_start3A_370] : memref<34816xi32, #tpu.memory_space<vmem>> -> memref<1024xi32, #tpu.memory_space<vmem>>
    tpu.enqueue_dma source(%dma_start3A_374 : memref<1024xi32, #tpu.memory_space<vmem>>) target(%dma_start3A_373 : memref<1024xi32, #tpu.memory_space<hbm>>) target_semaphore(%arg13 : memref<!tpu.dma_semaphore, #tpu.memory_space<semaphore_mem>>)
    %dma_start3A_375 = arith.constant 21504 : i32
    %dma_start3A_376 = tpu.memref_slice %arg11[%dma_start3A_375] : memref<34816xi32, #tpu.memory_space<vmem>> -> memref<1024xi32, #tpu.memory_space<vmem>>
    %dma_start3A_377 = tpu.memref_slice %arg5[%add3A_369] : memref<1048576xi32, #tpu.memory_space<hbm>> -> memref<1024xi32, #tpu.memory_space<hbm>>
    %dma_start3A_378 = tpu.memref_slice %arg5[%add3A_369] : memref<1048576xi32, #tpu.memory_space<hbm>> -> memref<1024xi32, #tpu.memory_space<hbm>>
    %dma_start3A_379 = tpu.memref_slice %arg11[%dma_start3A_375] : memref<34816xi32, #tpu.memory_space<vmem>> -> memref<1024xi32, #tpu.memory_space<vmem>>
    tpu.enqueue_dma source(%dma_start3A_379 : memref<1024xi32, #tpu.memory_space<vmem>>) target(%dma_start3A_378 : memref<1024xi32, #tpu.memory_space<hbm>>) target_semaphore(%arg13 : memref<!tpu.dma_semaphore, #tpu.memory_space<semaphore_mem>>)
    %mul3A_380 = arith.constant 1024 : i32
    %mul3A_381 = arith.muli %add3A, %mul3A_380 : i32
    %add3A_382 = arith.constant 720896 : i32
    %add3A_383 = arith.addi %add3A_382, %mul3A_381 : i32
    %dma_start3A_384 = arith.constant 22528 : i32
    %dma_start3A_385 = tpu.memref_slice %arg10[%dma_start3A_384] : memref<34816xi32, #tpu.memory_space<vmem>> -> memref<1024xi32, #tpu.memory_space<vmem>>
    %dma_start3A_386 = tpu.memref_slice %arg4[%add3A_383] : memref<1048576xi32, #tpu.memory_space<hbm>> -> memref<1024xi32, #tpu.memory_space<hbm>>
    %dma_start3A_387 = tpu.memref_slice %arg4[%add3A_383] : memref<1048576xi32, #tpu.memory_space<hbm>> -> memref<1024xi32, #tpu.memory_space<hbm>>
    %dma_start3A_388 = tpu.memref_slice %arg10[%dma_start3A_384] : memref<34816xi32, #tpu.memory_space<vmem>> -> memref<1024xi32, #tpu.memory_space<vmem>>
    tpu.enqueue_dma source(%dma_start3A_388 : memref<1024xi32, #tpu.memory_space<vmem>>) target(%dma_start3A_387 : memref<1024xi32, #tpu.memory_space<hbm>>) target_semaphore(%arg13 : memref<!tpu.dma_semaphore, #tpu.memory_space<semaphore_mem>>)
    %dma_start3A_389 = arith.constant 22528 : i32
    %dma_start3A_390 = tpu.memref_slice %arg11[%dma_start3A_389] : memref<34816xi32, #tpu.memory_space<vmem>> -> memref<1024xi32, #tpu.memory_space<vmem>>
    %dma_start3A_391 = tpu.memref_slice %arg5[%add3A_383] : memref<1048576xi32, #tpu.memory_space<hbm>> -> memref<1024xi32, #tpu.memory_space<hbm>>
    %dma_start3A_392 = tpu.memref_slice %arg5[%add3A_383] : memref<1048576xi32, #tpu.memory_space<hbm>> -> memref<1024xi32, #tpu.memory_space<hbm>>
    %dma_start3A_393 = tpu.memref_slice %arg11[%dma_start3A_389] : memref<34816xi32, #tpu.memory_space<vmem>> -> memref<1024xi32, #tpu.memory_space<vmem>>
    tpu.enqueue_dma source(%dma_start3A_393 : memref<1024xi32, #tpu.memory_space<vmem>>) target(%dma_start3A_392 : memref<1024xi32, #tpu.memory_space<hbm>>) target_semaphore(%arg13 : memref<!tpu.dma_semaphore, #tpu.memory_space<semaphore_mem>>)
    %mul3A_394 = arith.constant 1024 : i32
    %mul3A_395 = arith.muli %add3A, %mul3A_394 : i32
    %add3A_396 = arith.constant 753664 : i32
    %add3A_397 = arith.addi %add3A_396, %mul3A_395 : i32
    %dma_start3A_398 = arith.constant 23552 : i32
    %dma_start3A_399 = tpu.memref_slice %arg10[%dma_start3A_398] : memref<34816xi32, #tpu.memory_space<vmem>> -> memref<1024xi32, #tpu.memory_space<vmem>>
    %dma_start3A_400 = tpu.memref_slice %arg4[%add3A_397] : memref<1048576xi32, #tpu.memory_space<hbm>> -> memref<1024xi32, #tpu.memory_space<hbm>>
    %dma_start3A_401 = tpu.memref_slice %arg4[%add3A_397] : memref<1048576xi32, #tpu.memory_space<hbm>> -> memref<1024xi32, #tpu.memory_space<hbm>>
    %dma_start3A_402 = tpu.memref_slice %arg10[%dma_start3A_398] : memref<34816xi32, #tpu.memory_space<vmem>> -> memref<1024xi32, #tpu.memory_space<vmem>>
    tpu.enqueue_dma source(%dma_start3A_402 : memref<1024xi32, #tpu.memory_space<vmem>>) target(%dma_start3A_401 : memref<1024xi32, #tpu.memory_space<hbm>>) target_semaphore(%arg13 : memref<!tpu.dma_semaphore, #tpu.memory_space<semaphore_mem>>)
    %dma_start3A_403 = arith.constant 23552 : i32
    %dma_start3A_404 = tpu.memref_slice %arg11[%dma_start3A_403] : memref<34816xi32, #tpu.memory_space<vmem>> -> memref<1024xi32, #tpu.memory_space<vmem>>
    %dma_start3A_405 = tpu.memref_slice %arg5[%add3A_397] : memref<1048576xi32, #tpu.memory_space<hbm>> -> memref<1024xi32, #tpu.memory_space<hbm>>
    %dma_start3A_406 = tpu.memref_slice %arg5[%add3A_397] : memref<1048576xi32, #tpu.memory_space<hbm>> -> memref<1024xi32, #tpu.memory_space<hbm>>
    %dma_start3A_407 = tpu.memref_slice %arg11[%dma_start3A_403] : memref<34816xi32, #tpu.memory_space<vmem>> -> memref<1024xi32, #tpu.memory_space<vmem>>
    tpu.enqueue_dma source(%dma_start3A_407 : memref<1024xi32, #tpu.memory_space<vmem>>) target(%dma_start3A_406 : memref<1024xi32, #tpu.memory_space<hbm>>) target_semaphore(%arg13 : memref<!tpu.dma_semaphore, #tpu.memory_space<semaphore_mem>>)
    %mul3A_408 = arith.constant 1024 : i32
    %mul3A_409 = arith.muli %add3A, %mul3A_408 : i32
    %add3A_410 = arith.constant 786432 : i32
    %add3A_411 = arith.addi %add3A_410, %mul3A_409 : i32
    %dma_start3A_412 = arith.constant 24576 : i32
    %dma_start3A_413 = tpu.memref_slice %arg10[%dma_start3A_412] : memref<34816xi32, #tpu.memory_space<vmem>> -> memref<1024xi32, #tpu.memory_space<vmem>>
    %dma_start3A_414 = tpu.memref_slice %arg4[%add3A_411] : memref<1048576xi32, #tpu.memory_space<hbm>> -> memref<1024xi32, #tpu.memory_space<hbm>>
    %dma_start3A_415 = tpu.memref_slice %arg4[%add3A_411] : memref<1048576xi32, #tpu.memory_space<hbm>> -> memref<1024xi32, #tpu.memory_space<hbm>>
    %dma_start3A_416 = tpu.memref_slice %arg10[%dma_start3A_412] : memref<34816xi32, #tpu.memory_space<vmem>> -> memref<1024xi32, #tpu.memory_space<vmem>>
    tpu.enqueue_dma source(%dma_start3A_416 : memref<1024xi32, #tpu.memory_space<vmem>>) target(%dma_start3A_415 : memref<1024xi32, #tpu.memory_space<hbm>>) target_semaphore(%arg13 : memref<!tpu.dma_semaphore, #tpu.memory_space<semaphore_mem>>)
    %dma_start3A_417 = arith.constant 24576 : i32
    %dma_start3A_418 = tpu.memref_slice %arg11[%dma_start3A_417] : memref<34816xi32, #tpu.memory_space<vmem>> -> memref<1024xi32, #tpu.memory_space<vmem>>
    %dma_start3A_419 = tpu.memref_slice %arg5[%add3A_411] : memref<1048576xi32, #tpu.memory_space<hbm>> -> memref<1024xi32, #tpu.memory_space<hbm>>
    %dma_start3A_420 = tpu.memref_slice %arg5[%add3A_411] : memref<1048576xi32, #tpu.memory_space<hbm>> -> memref<1024xi32, #tpu.memory_space<hbm>>
    %dma_start3A_421 = tpu.memref_slice %arg11[%dma_start3A_417] : memref<34816xi32, #tpu.memory_space<vmem>> -> memref<1024xi32, #tpu.memory_space<vmem>>
    tpu.enqueue_dma source(%dma_start3A_421 : memref<1024xi32, #tpu.memory_space<vmem>>) target(%dma_start3A_420 : memref<1024xi32, #tpu.memory_space<hbm>>) target_semaphore(%arg13 : memref<!tpu.dma_semaphore, #tpu.memory_space<semaphore_mem>>)
    %mul3A_422 = arith.constant 1024 : i32
    %mul3A_423 = arith.muli %add3A, %mul3A_422 : i32
    %add3A_424 = arith.constant 819200 : i32
    %add3A_425 = arith.addi %add3A_424, %mul3A_423 : i32
    %dma_start3A_426 = arith.constant 25600 : i32
    %dma_start3A_427 = tpu.memref_slice %arg10[%dma_start3A_426] : memref<34816xi32, #tpu.memory_space<vmem>> -> memref<1024xi32, #tpu.memory_space<vmem>>
    %dma_start3A_428 = tpu.memref_slice %arg4[%add3A_425] : memref<1048576xi32, #tpu.memory_space<hbm>> -> memref<1024xi32, #tpu.memory_space<hbm>>
    %dma_start3A_429 = tpu.memref_slice %arg4[%add3A_425] : memref<1048576xi32, #tpu.memory_space<hbm>> -> memref<1024xi32, #tpu.memory_space<hbm>>
    %dma_start3A_430 = tpu.memref_slice %arg10[%dma_start3A_426] : memref<34816xi32, #tpu.memory_space<vmem>> -> memref<1024xi32, #tpu.memory_space<vmem>>
    tpu.enqueue_dma source(%dma_start3A_430 : memref<1024xi32, #tpu.memory_space<vmem>>) target(%dma_start3A_429 : memref<1024xi32, #tpu.memory_space<hbm>>) target_semaphore(%arg13 : memref<!tpu.dma_semaphore, #tpu.memory_space<semaphore_mem>>)
    %dma_start3A_431 = arith.constant 25600 : i32
    %dma_start3A_432 = tpu.memref_slice %arg11[%dma_start3A_431] : memref<34816xi32, #tpu.memory_space<vmem>> -> memref<1024xi32, #tpu.memory_space<vmem>>
    %dma_start3A_433 = tpu.memref_slice %arg5[%add3A_425] : memref<1048576xi32, #tpu.memory_space<hbm>> -> memref<1024xi32, #tpu.memory_space<hbm>>
    %dma_start3A_434 = tpu.memref_slice %arg5[%add3A_425] : memref<1048576xi32, #tpu.memory_space<hbm>> -> memref<1024xi32, #tpu.memory_space<hbm>>
    %dma_start3A_435 = tpu.memref_slice %arg11[%dma_start3A_431] : memref<34816xi32, #tpu.memory_space<vmem>> -> memref<1024xi32, #tpu.memory_space<vmem>>
    tpu.enqueue_dma source(%dma_start3A_435 : memref<1024xi32, #tpu.memory_space<vmem>>) target(%dma_start3A_434 : memref<1024xi32, #tpu.memory_space<hbm>>) target_semaphore(%arg13 : memref<!tpu.dma_semaphore, #tpu.memory_space<semaphore_mem>>)
    %mul3A_436 = arith.constant 1024 : i32
    %mul3A_437 = arith.muli %add3A, %mul3A_436 : i32
    %add3A_438 = arith.constant 851968 : i32
    %add3A_439 = arith.addi %add3A_438, %mul3A_437 : i32
    %dma_start3A_440 = arith.constant 26624 : i32
    %dma_start3A_441 = tpu.memref_slice %arg10[%dma_start3A_440] : memref<34816xi32, #tpu.memory_space<vmem>> -> memref<1024xi32, #tpu.memory_space<vmem>>
    %dma_start3A_442 = tpu.memref_slice %arg4[%add3A_439] : memref<1048576xi32, #tpu.memory_space<hbm>> -> memref<1024xi32, #tpu.memory_space<hbm>>
    %dma_start3A_443 = tpu.memref_slice %arg4[%add3A_439] : memref<1048576xi32, #tpu.memory_space<hbm>> -> memref<1024xi32, #tpu.memory_space<hbm>>
    %dma_start3A_444 = tpu.memref_slice %arg10[%dma_start3A_440] : memref<34816xi32, #tpu.memory_space<vmem>> -> memref<1024xi32, #tpu.memory_space<vmem>>
    tpu.enqueue_dma source(%dma_start3A_444 : memref<1024xi32, #tpu.memory_space<vmem>>) target(%dma_start3A_443 : memref<1024xi32, #tpu.memory_space<hbm>>) target_semaphore(%arg13 : memref<!tpu.dma_semaphore, #tpu.memory_space<semaphore_mem>>)
    %dma_start3A_445 = arith.constant 26624 : i32
    %dma_start3A_446 = tpu.memref_slice %arg11[%dma_start3A_445] : memref<34816xi32, #tpu.memory_space<vmem>> -> memref<1024xi32, #tpu.memory_space<vmem>>
    %dma_start3A_447 = tpu.memref_slice %arg5[%add3A_439] : memref<1048576xi32, #tpu.memory_space<hbm>> -> memref<1024xi32, #tpu.memory_space<hbm>>
    %dma_start3A_448 = tpu.memref_slice %arg5[%add3A_439] : memref<1048576xi32, #tpu.memory_space<hbm>> -> memref<1024xi32, #tpu.memory_space<hbm>>
    %dma_start3A_449 = tpu.memref_slice %arg11[%dma_start3A_445] : memref<34816xi32, #tpu.memory_space<vmem>> -> memref<1024xi32, #tpu.memory_space<vmem>>
    tpu.enqueue_dma source(%dma_start3A_449 : memref<1024xi32, #tpu.memory_space<vmem>>) target(%dma_start3A_448 : memref<1024xi32, #tpu.memory_space<hbm>>) target_semaphore(%arg13 : memref<!tpu.dma_semaphore, #tpu.memory_space<semaphore_mem>>)
    %mul3A_450 = arith.constant 1024 : i32
    %mul3A_451 = arith.muli %add3A, %mul3A_450 : i32
    %add3A_452 = arith.constant 884736 : i32
    %add3A_453 = arith.addi %add3A_452, %mul3A_451 : i32
    %dma_start3A_454 = arith.constant 27648 : i32
    %dma_start3A_455 = tpu.memref_slice %arg10[%dma_start3A_454] : memref<34816xi32, #tpu.memory_space<vmem>> -> memref<1024xi32, #tpu.memory_space<vmem>>
    %dma_start3A_456 = tpu.memref_slice %arg4[%add3A_453] : memref<1048576xi32, #tpu.memory_space<hbm>> -> memref<1024xi32, #tpu.memory_space<hbm>>
    %dma_start3A_457 = tpu.memref_slice %arg4[%add3A_453] : memref<1048576xi32, #tpu.memory_space<hbm>> -> memref<1024xi32, #tpu.memory_space<hbm>>
    %dma_start3A_458 = tpu.memref_slice %arg10[%dma_start3A_454] : memref<34816xi32, #tpu.memory_space<vmem>> -> memref<1024xi32, #tpu.memory_space<vmem>>
    tpu.enqueue_dma source(%dma_start3A_458 : memref<1024xi32, #tpu.memory_space<vmem>>) target(%dma_start3A_457 : memref<1024xi32, #tpu.memory_space<hbm>>) target_semaphore(%arg13 : memref<!tpu.dma_semaphore, #tpu.memory_space<semaphore_mem>>)
    %dma_start3A_459 = arith.constant 27648 : i32
    %dma_start3A_460 = tpu.memref_slice %arg11[%dma_start3A_459] : memref<34816xi32, #tpu.memory_space<vmem>> -> memref<1024xi32, #tpu.memory_space<vmem>>
    %dma_start3A_461 = tpu.memref_slice %arg5[%add3A_453] : memref<1048576xi32, #tpu.memory_space<hbm>> -> memref<1024xi32, #tpu.memory_space<hbm>>
    %dma_start3A_462 = tpu.memref_slice %arg5[%add3A_453] : memref<1048576xi32, #tpu.memory_space<hbm>> -> memref<1024xi32, #tpu.memory_space<hbm>>
    %dma_start3A_463 = tpu.memref_slice %arg11[%dma_start3A_459] : memref<34816xi32, #tpu.memory_space<vmem>> -> memref<1024xi32, #tpu.memory_space<vmem>>
    tpu.enqueue_dma source(%dma_start3A_463 : memref<1024xi32, #tpu.memory_space<vmem>>) target(%dma_start3A_462 : memref<1024xi32, #tpu.memory_space<hbm>>) target_semaphore(%arg13 : memref<!tpu.dma_semaphore, #tpu.memory_space<semaphore_mem>>)
    %mul3A_464 = arith.constant 1024 : i32
    %mul3A_465 = arith.muli %add3A, %mul3A_464 : i32
    %add3A_466 = arith.constant 917504 : i32
    %add3A_467 = arith.addi %add3A_466, %mul3A_465 : i32
    %dma_start3A_468 = arith.constant 28672 : i32
    %dma_start3A_469 = tpu.memref_slice %arg10[%dma_start3A_468] : memref<34816xi32, #tpu.memory_space<vmem>> -> memref<1024xi32, #tpu.memory_space<vmem>>
    %dma_start3A_470 = tpu.memref_slice %arg4[%add3A_467] : memref<1048576xi32, #tpu.memory_space<hbm>> -> memref<1024xi32, #tpu.memory_space<hbm>>
    %dma_start3A_471 = tpu.memref_slice %arg4[%add3A_467] : memref<1048576xi32, #tpu.memory_space<hbm>> -> memref<1024xi32, #tpu.memory_space<hbm>>
    %dma_start3A_472 = tpu.memref_slice %arg10[%dma_start3A_468] : memref<34816xi32, #tpu.memory_space<vmem>> -> memref<1024xi32, #tpu.memory_space<vmem>>
    tpu.enqueue_dma source(%dma_start3A_472 : memref<1024xi32, #tpu.memory_space<vmem>>) target(%dma_start3A_471 : memref<1024xi32, #tpu.memory_space<hbm>>) target_semaphore(%arg13 : memref<!tpu.dma_semaphore, #tpu.memory_space<semaphore_mem>>)
    %dma_start3A_473 = arith.constant 28672 : i32
    %dma_start3A_474 = tpu.memref_slice %arg11[%dma_start3A_473] : memref<34816xi32, #tpu.memory_space<vmem>> -> memref<1024xi32, #tpu.memory_space<vmem>>
    %dma_start3A_475 = tpu.memref_slice %arg5[%add3A_467] : memref<1048576xi32, #tpu.memory_space<hbm>> -> memref<1024xi32, #tpu.memory_space<hbm>>
    %dma_start3A_476 = tpu.memref_slice %arg5[%add3A_467] : memref<1048576xi32, #tpu.memory_space<hbm>> -> memref<1024xi32, #tpu.memory_space<hbm>>
    %dma_start3A_477 = tpu.memref_slice %arg11[%dma_start3A_473] : memref<34816xi32, #tpu.memory_space<vmem>> -> memref<1024xi32, #tpu.memory_space<vmem>>
    tpu.enqueue_dma source(%dma_start3A_477 : memref<1024xi32, #tpu.memory_space<vmem>>) target(%dma_start3A_476 : memref<1024xi32, #tpu.memory_space<hbm>>) target_semaphore(%arg13 : memref<!tpu.dma_semaphore, #tpu.memory_space<semaphore_mem>>)
    %mul3A_478 = arith.constant 1024 : i32
    %mul3A_479 = arith.muli %add3A, %mul3A_478 : i32
    %add3A_480 = arith.constant 950272 : i32
    %add3A_481 = arith.addi %add3A_480, %mul3A_479 : i32
    %dma_start3A_482 = arith.constant 29696 : i32
    %dma_start3A_483 = tpu.memref_slice %arg10[%dma_start3A_482] : memref<34816xi32, #tpu.memory_space<vmem>> -> memref<1024xi32, #tpu.memory_space<vmem>>
    %dma_start3A_484 = tpu.memref_slice %arg4[%add3A_481] : memref<1048576xi32, #tpu.memory_space<hbm>> -> memref<1024xi32, #tpu.memory_space<hbm>>
    %dma_start3A_485 = tpu.memref_slice %arg4[%add3A_481] : memref<1048576xi32, #tpu.memory_space<hbm>> -> memref<1024xi32, #tpu.memory_space<hbm>>
    %dma_start3A_486 = tpu.memref_slice %arg10[%dma_start3A_482] : memref<34816xi32, #tpu.memory_space<vmem>> -> memref<1024xi32, #tpu.memory_space<vmem>>
    tpu.enqueue_dma source(%dma_start3A_486 : memref<1024xi32, #tpu.memory_space<vmem>>) target(%dma_start3A_485 : memref<1024xi32, #tpu.memory_space<hbm>>) target_semaphore(%arg13 : memref<!tpu.dma_semaphore, #tpu.memory_space<semaphore_mem>>)
    %dma_start3A_487 = arith.constant 29696 : i32
    %dma_start3A_488 = tpu.memref_slice %arg11[%dma_start3A_487] : memref<34816xi32, #tpu.memory_space<vmem>> -> memref<1024xi32, #tpu.memory_space<vmem>>
    %dma_start3A_489 = tpu.memref_slice %arg5[%add3A_481] : memref<1048576xi32, #tpu.memory_space<hbm>> -> memref<1024xi32, #tpu.memory_space<hbm>>
    %dma_start3A_490 = tpu.memref_slice %arg5[%add3A_481] : memref<1048576xi32, #tpu.memory_space<hbm>> -> memref<1024xi32, #tpu.memory_space<hbm>>
    %dma_start3A_491 = tpu.memref_slice %arg11[%dma_start3A_487] : memref<34816xi32, #tpu.memory_space<vmem>> -> memref<1024xi32, #tpu.memory_space<vmem>>
    tpu.enqueue_dma source(%dma_start3A_491 : memref<1024xi32, #tpu.memory_space<vmem>>) target(%dma_start3A_490 : memref<1024xi32, #tpu.memory_space<hbm>>) target_semaphore(%arg13 : memref<!tpu.dma_semaphore, #tpu.memory_space<semaphore_mem>>)
    %mul3A_492 = arith.constant 1024 : i32
    %mul3A_493 = arith.muli %add3A, %mul3A_492 : i32
    %add3A_494 = arith.constant 983040 : i32
    %add3A_495 = arith.addi %add3A_494, %mul3A_493 : i32
    %dma_start3A_496 = arith.constant 30720 : i32
    %dma_start3A_497 = tpu.memref_slice %arg10[%dma_start3A_496] : memref<34816xi32, #tpu.memory_space<vmem>> -> memref<1024xi32, #tpu.memory_space<vmem>>
    %dma_start3A_498 = tpu.memref_slice %arg4[%add3A_495] : memref<1048576xi32, #tpu.memory_space<hbm>> -> memref<1024xi32, #tpu.memory_space<hbm>>
    %dma_start3A_499 = tpu.memref_slice %arg4[%add3A_495] : memref<1048576xi32, #tpu.memory_space<hbm>> -> memref<1024xi32, #tpu.memory_space<hbm>>
    %dma_start3A_500 = tpu.memref_slice %arg10[%dma_start3A_496] : memref<34816xi32, #tpu.memory_space<vmem>> -> memref<1024xi32, #tpu.memory_space<vmem>>
    tpu.enqueue_dma source(%dma_start3A_500 : memref<1024xi32, #tpu.memory_space<vmem>>) target(%dma_start3A_499 : memref<1024xi32, #tpu.memory_space<hbm>>) target_semaphore(%arg13 : memref<!tpu.dma_semaphore, #tpu.memory_space<semaphore_mem>>)
    %dma_start3A_501 = arith.constant 30720 : i32
    %dma_start3A_502 = tpu.memref_slice %arg11[%dma_start3A_501] : memref<34816xi32, #tpu.memory_space<vmem>> -> memref<1024xi32, #tpu.memory_space<vmem>>
    %dma_start3A_503 = tpu.memref_slice %arg5[%add3A_495] : memref<1048576xi32, #tpu.memory_space<hbm>> -> memref<1024xi32, #tpu.memory_space<hbm>>
    %dma_start3A_504 = tpu.memref_slice %arg5[%add3A_495] : memref<1048576xi32, #tpu.memory_space<hbm>> -> memref<1024xi32, #tpu.memory_space<hbm>>
    %dma_start3A_505 = tpu.memref_slice %arg11[%dma_start3A_501] : memref<34816xi32, #tpu.memory_space<vmem>> -> memref<1024xi32, #tpu.memory_space<vmem>>
    tpu.enqueue_dma source(%dma_start3A_505 : memref<1024xi32, #tpu.memory_space<vmem>>) target(%dma_start3A_504 : memref<1024xi32, #tpu.memory_space<hbm>>) target_semaphore(%arg13 : memref<!tpu.dma_semaphore, #tpu.memory_space<semaphore_mem>>)
    %mul3A_506 = arith.constant 1024 : i32
    %mul3A_507 = arith.muli %add3A, %mul3A_506 : i32
    %add3A_508 = arith.constant 1015808 : i32
    %add3A_509 = arith.addi %add3A_508, %mul3A_507 : i32
    %dma_start3A_510 = arith.constant 31744 : i32
    %dma_start3A_511 = tpu.memref_slice %arg10[%dma_start3A_510] : memref<34816xi32, #tpu.memory_space<vmem>> -> memref<1024xi32, #tpu.memory_space<vmem>>
    %dma_start3A_512 = tpu.memref_slice %arg4[%add3A_509] : memref<1048576xi32, #tpu.memory_space<hbm>> -> memref<1024xi32, #tpu.memory_space<hbm>>
    %dma_start3A_513 = tpu.memref_slice %arg4[%add3A_509] : memref<1048576xi32, #tpu.memory_space<hbm>> -> memref<1024xi32, #tpu.memory_space<hbm>>
    %dma_start3A_514 = tpu.memref_slice %arg10[%dma_start3A_510] : memref<34816xi32, #tpu.memory_space<vmem>> -> memref<1024xi32, #tpu.memory_space<vmem>>
    tpu.enqueue_dma source(%dma_start3A_514 : memref<1024xi32, #tpu.memory_space<vmem>>) target(%dma_start3A_513 : memref<1024xi32, #tpu.memory_space<hbm>>) target_semaphore(%arg13 : memref<!tpu.dma_semaphore, #tpu.memory_space<semaphore_mem>>)
    %dma_start3A_515 = arith.constant 31744 : i32
    %dma_start3A_516 = tpu.memref_slice %arg11[%dma_start3A_515] : memref<34816xi32, #tpu.memory_space<vmem>> -> memref<1024xi32, #tpu.memory_space<vmem>>
    %dma_start3A_517 = tpu.memref_slice %arg5[%add3A_509] : memref<1048576xi32, #tpu.memory_space<hbm>> -> memref<1024xi32, #tpu.memory_space<hbm>>
    %dma_start3A_518 = tpu.memref_slice %arg5[%add3A_509] : memref<1048576xi32, #tpu.memory_space<hbm>> -> memref<1024xi32, #tpu.memory_space<hbm>>
    %dma_start3A_519 = tpu.memref_slice %arg11[%dma_start3A_515] : memref<34816xi32, #tpu.memory_space<vmem>> -> memref<1024xi32, #tpu.memory_space<vmem>>
    tpu.enqueue_dma source(%dma_start3A_519 : memref<1024xi32, #tpu.memory_space<vmem>>) target(%dma_start3A_518 : memref<1024xi32, #tpu.memory_space<hbm>>) target_semaphore(%arg13 : memref<!tpu.dma_semaphore, #tpu.memory_space<semaphore_mem>>)
    %dma_wait3A = arith.constant 0 : i32
    %dma_wait3A_520 = tpu.memref_slice %arg10[%dma_wait3A] : memref<34816xi32, #tpu.memory_space<vmem>> -> memref<1024xi32, #tpu.memory_space<vmem>>
    %dma_wait3A_521 = tpu.memref_slice %arg4[%add3A_76] : memref<1048576xi32, #tpu.memory_space<hbm>> -> memref<1024xi32, #tpu.memory_space<hbm>>
    %dma_wait3A_522 = tpu.memref_slice %arg4[%add3A_76] : memref<1048576xi32, #tpu.memory_space<hbm>> -> memref<1024xi32, #tpu.memory_space<hbm>>
    %dma_wait3A_523 = tpu.memref_slice %arg10[%dma_wait3A] : memref<34816xi32, #tpu.memory_space<vmem>> -> memref<1024xi32, #tpu.memory_space<vmem>>
    tpu.wait_dma2 semaphore(%arg13 : memref<!tpu.dma_semaphore, #tpu.memory_space<semaphore_mem>>) src(%dma_wait3A_523 : memref<1024xi32, #tpu.memory_space<vmem>>) dst(%dma_wait3A_522 : memref<1024xi32, #tpu.memory_space<hbm>>)
    %dma_wait3A_524 = arith.constant 0 : i32
    %dma_wait3A_525 = tpu.memref_slice %arg11[%dma_wait3A_524] : memref<34816xi32, #tpu.memory_space<vmem>> -> memref<1024xi32, #tpu.memory_space<vmem>>
    %dma_wait3A_526 = tpu.memref_slice %arg5[%add3A_76] : memref<1048576xi32, #tpu.memory_space<hbm>> -> memref<1024xi32, #tpu.memory_space<hbm>>
    %dma_wait3A_527 = tpu.memref_slice %arg5[%add3A_76] : memref<1048576xi32, #tpu.memory_space<hbm>> -> memref<1024xi32, #tpu.memory_space<hbm>>
    %dma_wait3A_528 = tpu.memref_slice %arg11[%dma_wait3A_524] : memref<34816xi32, #tpu.memory_space<vmem>> -> memref<1024xi32, #tpu.memory_space<vmem>>
    tpu.wait_dma2 semaphore(%arg13 : memref<!tpu.dma_semaphore, #tpu.memory_space<semaphore_mem>>) src(%dma_wait3A_528 : memref<1024xi32, #tpu.memory_space<vmem>>) dst(%dma_wait3A_527 : memref<1024xi32, #tpu.memory_space<hbm>>)
    %dma_wait3A_529 = arith.constant 1024 : i32
    %dma_wait3A_530 = tpu.memref_slice %arg10[%dma_wait3A_529] : memref<34816xi32, #tpu.memory_space<vmem>> -> memref<1024xi32, #tpu.memory_space<vmem>>
    %dma_wait3A_531 = tpu.memref_slice %arg4[%add3A_89] : memref<1048576xi32, #tpu.memory_space<hbm>> -> memref<1024xi32, #tpu.memory_space<hbm>>
    %dma_wait3A_532 = tpu.memref_slice %arg4[%add3A_89] : memref<1048576xi32, #tpu.memory_space<hbm>> -> memref<1024xi32, #tpu.memory_space<hbm>>
    %dma_wait3A_533 = tpu.memref_slice %arg10[%dma_wait3A_529] : memref<34816xi32, #tpu.memory_space<vmem>> -> memref<1024xi32, #tpu.memory_space<vmem>>
    tpu.wait_dma2 semaphore(%arg13 : memref<!tpu.dma_semaphore, #tpu.memory_space<semaphore_mem>>) src(%dma_wait3A_533 : memref<1024xi32, #tpu.memory_space<vmem>>) dst(%dma_wait3A_532 : memref<1024xi32, #tpu.memory_space<hbm>>)
    %dma_wait3A_534 = arith.constant 1024 : i32
    %dma_wait3A_535 = tpu.memref_slice %arg11[%dma_wait3A_534] : memref<34816xi32, #tpu.memory_space<vmem>> -> memref<1024xi32, #tpu.memory_space<vmem>>
    %dma_wait3A_536 = tpu.memref_slice %arg5[%add3A_89] : memref<1048576xi32, #tpu.memory_space<hbm>> -> memref<1024xi32, #tpu.memory_space<hbm>>
    %dma_wait3A_537 = tpu.memref_slice %arg5[%add3A_89] : memref<1048576xi32, #tpu.memory_space<hbm>> -> memref<1024xi32, #tpu.memory_space<hbm>>
    %dma_wait3A_538 = tpu.memref_slice %arg11[%dma_wait3A_534] : memref<34816xi32, #tpu.memory_space<vmem>> -> memref<1024xi32, #tpu.memory_space<vmem>>
    tpu.wait_dma2 semaphore(%arg13 : memref<!tpu.dma_semaphore, #tpu.memory_space<semaphore_mem>>) src(%dma_wait3A_538 : memref<1024xi32, #tpu.memory_space<vmem>>) dst(%dma_wait3A_537 : memref<1024xi32, #tpu.memory_space<hbm>>)
    %dma_wait3A_539 = arith.constant 2048 : i32
    %dma_wait3A_540 = tpu.memref_slice %arg10[%dma_wait3A_539] : memref<34816xi32, #tpu.memory_space<vmem>> -> memref<1024xi32, #tpu.memory_space<vmem>>
    %dma_wait3A_541 = tpu.memref_slice %arg4[%add3A_103] : memref<1048576xi32, #tpu.memory_space<hbm>> -> memref<1024xi32, #tpu.memory_space<hbm>>
    %dma_wait3A_542 = tpu.memref_slice %arg4[%add3A_103] : memref<1048576xi32, #tpu.memory_space<hbm>> -> memref<1024xi32, #tpu.memory_space<hbm>>
    %dma_wait3A_543 = tpu.memref_slice %arg10[%dma_wait3A_539] : memref<34816xi32, #tpu.memory_space<vmem>> -> memref<1024xi32, #tpu.memory_space<vmem>>
    tpu.wait_dma2 semaphore(%arg13 : memref<!tpu.dma_semaphore, #tpu.memory_space<semaphore_mem>>) src(%dma_wait3A_543 : memref<1024xi32, #tpu.memory_space<vmem>>) dst(%dma_wait3A_542 : memref<1024xi32, #tpu.memory_space<hbm>>)
    %dma_wait3A_544 = arith.constant 2048 : i32
    %dma_wait3A_545 = tpu.memref_slice %arg11[%dma_wait3A_544] : memref<34816xi32, #tpu.memory_space<vmem>> -> memref<1024xi32, #tpu.memory_space<vmem>>
    %dma_wait3A_546 = tpu.memref_slice %arg5[%add3A_103] : memref<1048576xi32, #tpu.memory_space<hbm>> -> memref<1024xi32, #tpu.memory_space<hbm>>
    %dma_wait3A_547 = tpu.memref_slice %arg5[%add3A_103] : memref<1048576xi32, #tpu.memory_space<hbm>> -> memref<1024xi32, #tpu.memory_space<hbm>>
    %dma_wait3A_548 = tpu.memref_slice %arg11[%dma_wait3A_544] : memref<34816xi32, #tpu.memory_space<vmem>> -> memref<1024xi32, #tpu.memory_space<vmem>>
    tpu.wait_dma2 semaphore(%arg13 : memref<!tpu.dma_semaphore, #tpu.memory_space<semaphore_mem>>) src(%dma_wait3A_548 : memref<1024xi32, #tpu.memory_space<vmem>>) dst(%dma_wait3A_547 : memref<1024xi32, #tpu.memory_space<hbm>>)
    %dma_wait3A_549 = arith.constant 3072 : i32
    %dma_wait3A_550 = tpu.memref_slice %arg10[%dma_wait3A_549] : memref<34816xi32, #tpu.memory_space<vmem>> -> memref<1024xi32, #tpu.memory_space<vmem>>
    %dma_wait3A_551 = tpu.memref_slice %arg4[%add3A_117] : memref<1048576xi32, #tpu.memory_space<hbm>> -> memref<1024xi32, #tpu.memory_space<hbm>>
    %dma_wait3A_552 = tpu.memref_slice %arg4[%add3A_117] : memref<1048576xi32, #tpu.memory_space<hbm>> -> memref<1024xi32, #tpu.memory_space<hbm>>
    %dma_wait3A_553 = tpu.memref_slice %arg10[%dma_wait3A_549] : memref<34816xi32, #tpu.memory_space<vmem>> -> memref<1024xi32, #tpu.memory_space<vmem>>
    tpu.wait_dma2 semaphore(%arg13 : memref<!tpu.dma_semaphore, #tpu.memory_space<semaphore_mem>>) src(%dma_wait3A_553 : memref<1024xi32, #tpu.memory_space<vmem>>) dst(%dma_wait3A_552 : memref<1024xi32, #tpu.memory_space<hbm>>)
    %dma_wait3A_554 = arith.constant 3072 : i32
    %dma_wait3A_555 = tpu.memref_slice %arg11[%dma_wait3A_554] : memref<34816xi32, #tpu.memory_space<vmem>> -> memref<1024xi32, #tpu.memory_space<vmem>>
    %dma_wait3A_556 = tpu.memref_slice %arg5[%add3A_117] : memref<1048576xi32, #tpu.memory_space<hbm>> -> memref<1024xi32, #tpu.memory_space<hbm>>
    %dma_wait3A_557 = tpu.memref_slice %arg5[%add3A_117] : memref<1048576xi32, #tpu.memory_space<hbm>> -> memref<1024xi32, #tpu.memory_space<hbm>>
    %dma_wait3A_558 = tpu.memref_slice %arg11[%dma_wait3A_554] : memref<34816xi32, #tpu.memory_space<vmem>> -> memref<1024xi32, #tpu.memory_space<vmem>>
    tpu.wait_dma2 semaphore(%arg13 : memref<!tpu.dma_semaphore, #tpu.memory_space<semaphore_mem>>) src(%dma_wait3A_558 : memref<1024xi32, #tpu.memory_space<vmem>>) dst(%dma_wait3A_557 : memref<1024xi32, #tpu.memory_space<hbm>>)
    %dma_wait3A_559 = arith.constant 4096 : i32
    %dma_wait3A_560 = tpu.memref_slice %arg10[%dma_wait3A_559] : memref<34816xi32, #tpu.memory_space<vmem>> -> memref<1024xi32, #tpu.memory_space<vmem>>
    %dma_wait3A_561 = tpu.memref_slice %arg4[%add3A_131] : memref<1048576xi32, #tpu.memory_space<hbm>> -> memref<1024xi32, #tpu.memory_space<hbm>>
    %dma_wait3A_562 = tpu.memref_slice %arg4[%add3A_131] : memref<1048576xi32, #tpu.memory_space<hbm>> -> memref<1024xi32, #tpu.memory_space<hbm>>
    %dma_wait3A_563 = tpu.memref_slice %arg10[%dma_wait3A_559] : memref<34816xi32, #tpu.memory_space<vmem>> -> memref<1024xi32, #tpu.memory_space<vmem>>
    tpu.wait_dma2 semaphore(%arg13 : memref<!tpu.dma_semaphore, #tpu.memory_space<semaphore_mem>>) src(%dma_wait3A_563 : memref<1024xi32, #tpu.memory_space<vmem>>) dst(%dma_wait3A_562 : memref<1024xi32, #tpu.memory_space<hbm>>)
    %dma_wait3A_564 = arith.constant 4096 : i32
    %dma_wait3A_565 = tpu.memref_slice %arg11[%dma_wait3A_564] : memref<34816xi32, #tpu.memory_space<vmem>> -> memref<1024xi32, #tpu.memory_space<vmem>>
    %dma_wait3A_566 = tpu.memref_slice %arg5[%add3A_131] : memref<1048576xi32, #tpu.memory_space<hbm>> -> memref<1024xi32, #tpu.memory_space<hbm>>
    %dma_wait3A_567 = tpu.memref_slice %arg5[%add3A_131] : memref<1048576xi32, #tpu.memory_space<hbm>> -> memref<1024xi32, #tpu.memory_space<hbm>>
    %dma_wait3A_568 = tpu.memref_slice %arg11[%dma_wait3A_564] : memref<34816xi32, #tpu.memory_space<vmem>> -> memref<1024xi32, #tpu.memory_space<vmem>>
    tpu.wait_dma2 semaphore(%arg13 : memref<!tpu.dma_semaphore, #tpu.memory_space<semaphore_mem>>) src(%dma_wait3A_568 : memref<1024xi32, #tpu.memory_space<vmem>>) dst(%dma_wait3A_567 : memref<1024xi32, #tpu.memory_space<hbm>>)
    %dma_wait3A_569 = arith.constant 5120 : i32
    %dma_wait3A_570 = tpu.memref_slice %arg10[%dma_wait3A_569] : memref<34816xi32, #tpu.memory_space<vmem>> -> memref<1024xi32, #tpu.memory_space<vmem>>
    %dma_wait3A_571 = tpu.memref_slice %arg4[%add3A_145] : memref<1048576xi32, #tpu.memory_space<hbm>> -> memref<1024xi32, #tpu.memory_space<hbm>>
    %dma_wait3A_572 = tpu.memref_slice %arg4[%add3A_145] : memref<1048576xi32, #tpu.memory_space<hbm>> -> memref<1024xi32, #tpu.memory_space<hbm>>
    %dma_wait3A_573 = tpu.memref_slice %arg10[%dma_wait3A_569] : memref<34816xi32, #tpu.memory_space<vmem>> -> memref<1024xi32, #tpu.memory_space<vmem>>
    tpu.wait_dma2 semaphore(%arg13 : memref<!tpu.dma_semaphore, #tpu.memory_space<semaphore_mem>>) src(%dma_wait3A_573 : memref<1024xi32, #tpu.memory_space<vmem>>) dst(%dma_wait3A_572 : memref<1024xi32, #tpu.memory_space<hbm>>)
    %dma_wait3A_574 = arith.constant 5120 : i32
    %dma_wait3A_575 = tpu.memref_slice %arg11[%dma_wait3A_574] : memref<34816xi32, #tpu.memory_space<vmem>> -> memref<1024xi32, #tpu.memory_space<vmem>>
    %dma_wait3A_576 = tpu.memref_slice %arg5[%add3A_145] : memref<1048576xi32, #tpu.memory_space<hbm>> -> memref<1024xi32, #tpu.memory_space<hbm>>
    %dma_wait3A_577 = tpu.memref_slice %arg5[%add3A_145] : memref<1048576xi32, #tpu.memory_space<hbm>> -> memref<1024xi32, #tpu.memory_space<hbm>>
    %dma_wait3A_578 = tpu.memref_slice %arg11[%dma_wait3A_574] : memref<34816xi32, #tpu.memory_space<vmem>> -> memref<1024xi32, #tpu.memory_space<vmem>>
    tpu.wait_dma2 semaphore(%arg13 : memref<!tpu.dma_semaphore, #tpu.memory_space<semaphore_mem>>) src(%dma_wait3A_578 : memref<1024xi32, #tpu.memory_space<vmem>>) dst(%dma_wait3A_577 : memref<1024xi32, #tpu.memory_space<hbm>>)
    %dma_wait3A_579 = arith.constant 6144 : i32
    %dma_wait3A_580 = tpu.memref_slice %arg10[%dma_wait3A_579] : memref<34816xi32, #tpu.memory_space<vmem>> -> memref<1024xi32, #tpu.memory_space<vmem>>
    %dma_wait3A_581 = tpu.memref_slice %arg4[%add3A_159] : memref<1048576xi32, #tpu.memory_space<hbm>> -> memref<1024xi32, #tpu.memory_space<hbm>>
    %dma_wait3A_582 = tpu.memref_slice %arg4[%add3A_159] : memref<1048576xi32, #tpu.memory_space<hbm>> -> memref<1024xi32, #tpu.memory_space<hbm>>
    %dma_wait3A_583 = tpu.memref_slice %arg10[%dma_wait3A_579] : memref<34816xi32, #tpu.memory_space<vmem>> -> memref<1024xi32, #tpu.memory_space<vmem>>
    tpu.wait_dma2 semaphore(%arg13 : memref<!tpu.dma_semaphore, #tpu.memory_space<semaphore_mem>>) src(%dma_wait3A_583 : memref<1024xi32, #tpu.memory_space<vmem>>) dst(%dma_wait3A_582 : memref<1024xi32, #tpu.memory_space<hbm>>)
    %dma_wait3A_584 = arith.constant 6144 : i32
    %dma_wait3A_585 = tpu.memref_slice %arg11[%dma_wait3A_584] : memref<34816xi32, #tpu.memory_space<vmem>> -> memref<1024xi32, #tpu.memory_space<vmem>>
    %dma_wait3A_586 = tpu.memref_slice %arg5[%add3A_159] : memref<1048576xi32, #tpu.memory_space<hbm>> -> memref<1024xi32, #tpu.memory_space<hbm>>
    %dma_wait3A_587 = tpu.memref_slice %arg5[%add3A_159] : memref<1048576xi32, #tpu.memory_space<hbm>> -> memref<1024xi32, #tpu.memory_space<hbm>>
    %dma_wait3A_588 = tpu.memref_slice %arg11[%dma_wait3A_584] : memref<34816xi32, #tpu.memory_space<vmem>> -> memref<1024xi32, #tpu.memory_space<vmem>>
    tpu.wait_dma2 semaphore(%arg13 : memref<!tpu.dma_semaphore, #tpu.memory_space<semaphore_mem>>) src(%dma_wait3A_588 : memref<1024xi32, #tpu.memory_space<vmem>>) dst(%dma_wait3A_587 : memref<1024xi32, #tpu.memory_space<hbm>>)
    %dma_wait3A_589 = arith.constant 7168 : i32
    %dma_wait3A_590 = tpu.memref_slice %arg10[%dma_wait3A_589] : memref<34816xi32, #tpu.memory_space<vmem>> -> memref<1024xi32, #tpu.memory_space<vmem>>
    %dma_wait3A_591 = tpu.memref_slice %arg4[%add3A_173] : memref<1048576xi32, #tpu.memory_space<hbm>> -> memref<1024xi32, #tpu.memory_space<hbm>>
    %dma_wait3A_592 = tpu.memref_slice %arg4[%add3A_173] : memref<1048576xi32, #tpu.memory_space<hbm>> -> memref<1024xi32, #tpu.memory_space<hbm>>
    %dma_wait3A_593 = tpu.memref_slice %arg10[%dma_wait3A_589] : memref<34816xi32, #tpu.memory_space<vmem>> -> memref<1024xi32, #tpu.memory_space<vmem>>
    tpu.wait_dma2 semaphore(%arg13 : memref<!tpu.dma_semaphore, #tpu.memory_space<semaphore_mem>>) src(%dma_wait3A_593 : memref<1024xi32, #tpu.memory_space<vmem>>) dst(%dma_wait3A_592 : memref<1024xi32, #tpu.memory_space<hbm>>)
    %dma_wait3A_594 = arith.constant 7168 : i32
    %dma_wait3A_595 = tpu.memref_slice %arg11[%dma_wait3A_594] : memref<34816xi32, #tpu.memory_space<vmem>> -> memref<1024xi32, #tpu.memory_space<vmem>>
    %dma_wait3A_596 = tpu.memref_slice %arg5[%add3A_173] : memref<1048576xi32, #tpu.memory_space<hbm>> -> memref<1024xi32, #tpu.memory_space<hbm>>
    %dma_wait3A_597 = tpu.memref_slice %arg5[%add3A_173] : memref<1048576xi32, #tpu.memory_space<hbm>> -> memref<1024xi32, #tpu.memory_space<hbm>>
    %dma_wait3A_598 = tpu.memref_slice %arg11[%dma_wait3A_594] : memref<34816xi32, #tpu.memory_space<vmem>> -> memref<1024xi32, #tpu.memory_space<vmem>>
    tpu.wait_dma2 semaphore(%arg13 : memref<!tpu.dma_semaphore, #tpu.memory_space<semaphore_mem>>) src(%dma_wait3A_598 : memref<1024xi32, #tpu.memory_space<vmem>>) dst(%dma_wait3A_597 : memref<1024xi32, #tpu.memory_space<hbm>>)
    %dma_wait3A_599 = arith.constant 8192 : i32
    %dma_wait3A_600 = tpu.memref_slice %arg10[%dma_wait3A_599] : memref<34816xi32, #tpu.memory_space<vmem>> -> memref<1024xi32, #tpu.memory_space<vmem>>
    %dma_wait3A_601 = tpu.memref_slice %arg4[%add3A_187] : memref<1048576xi32, #tpu.memory_space<hbm>> -> memref<1024xi32, #tpu.memory_space<hbm>>
    %dma_wait3A_602 = tpu.memref_slice %arg4[%add3A_187] : memref<1048576xi32, #tpu.memory_space<hbm>> -> memref<1024xi32, #tpu.memory_space<hbm>>
    %dma_wait3A_603 = tpu.memref_slice %arg10[%dma_wait3A_599] : memref<34816xi32, #tpu.memory_space<vmem>> -> memref<1024xi32, #tpu.memory_space<vmem>>
    tpu.wait_dma2 semaphore(%arg13 : memref<!tpu.dma_semaphore, #tpu.memory_space<semaphore_mem>>) src(%dma_wait3A_603 : memref<1024xi32, #tpu.memory_space<vmem>>) dst(%dma_wait3A_602 : memref<1024xi32, #tpu.memory_space<hbm>>)
    %dma_wait3A_604 = arith.constant 8192 : i32
    %dma_wait3A_605 = tpu.memref_slice %arg11[%dma_wait3A_604] : memref<34816xi32, #tpu.memory_space<vmem>> -> memref<1024xi32, #tpu.memory_space<vmem>>
    %dma_wait3A_606 = tpu.memref_slice %arg5[%add3A_187] : memref<1048576xi32, #tpu.memory_space<hbm>> -> memref<1024xi32, #tpu.memory_space<hbm>>
    %dma_wait3A_607 = tpu.memref_slice %arg5[%add3A_187] : memref<1048576xi32, #tpu.memory_space<hbm>> -> memref<1024xi32, #tpu.memory_space<hbm>>
    %dma_wait3A_608 = tpu.memref_slice %arg11[%dma_wait3A_604] : memref<34816xi32, #tpu.memory_space<vmem>> -> memref<1024xi32, #tpu.memory_space<vmem>>
    tpu.wait_dma2 semaphore(%arg13 : memref<!tpu.dma_semaphore, #tpu.memory_space<semaphore_mem>>) src(%dma_wait3A_608 : memref<1024xi32, #tpu.memory_space<vmem>>) dst(%dma_wait3A_607 : memref<1024xi32, #tpu.memory_space<hbm>>)
    %dma_wait3A_609 = arith.constant 9216 : i32
    %dma_wait3A_610 = tpu.memref_slice %arg10[%dma_wait3A_609] : memref<34816xi32, #tpu.memory_space<vmem>> -> memref<1024xi32, #tpu.memory_space<vmem>>
    %dma_wait3A_611 = tpu.memref_slice %arg4[%add3A_201] : memref<1048576xi32, #tpu.memory_space<hbm>> -> memref<1024xi32, #tpu.memory_space<hbm>>
    %dma_wait3A_612 = tpu.memref_slice %arg4[%add3A_201] : memref<1048576xi32, #tpu.memory_space<hbm>> -> memref<1024xi32, #tpu.memory_space<hbm>>
    %dma_wait3A_613 = tpu.memref_slice %arg10[%dma_wait3A_609] : memref<34816xi32, #tpu.memory_space<vmem>> -> memref<1024xi32, #tpu.memory_space<vmem>>
    tpu.wait_dma2 semaphore(%arg13 : memref<!tpu.dma_semaphore, #tpu.memory_space<semaphore_mem>>) src(%dma_wait3A_613 : memref<1024xi32, #tpu.memory_space<vmem>>) dst(%dma_wait3A_612 : memref<1024xi32, #tpu.memory_space<hbm>>)
    %dma_wait3A_614 = arith.constant 9216 : i32
    %dma_wait3A_615 = tpu.memref_slice %arg11[%dma_wait3A_614] : memref<34816xi32, #tpu.memory_space<vmem>> -> memref<1024xi32, #tpu.memory_space<vmem>>
    %dma_wait3A_616 = tpu.memref_slice %arg5[%add3A_201] : memref<1048576xi32, #tpu.memory_space<hbm>> -> memref<1024xi32, #tpu.memory_space<hbm>>
    %dma_wait3A_617 = tpu.memref_slice %arg5[%add3A_201] : memref<1048576xi32, #tpu.memory_space<hbm>> -> memref<1024xi32, #tpu.memory_space<hbm>>
    %dma_wait3A_618 = tpu.memref_slice %arg11[%dma_wait3A_614] : memref<34816xi32, #tpu.memory_space<vmem>> -> memref<1024xi32, #tpu.memory_space<vmem>>
    tpu.wait_dma2 semaphore(%arg13 : memref<!tpu.dma_semaphore, #tpu.memory_space<semaphore_mem>>) src(%dma_wait3A_618 : memref<1024xi32, #tpu.memory_space<vmem>>) dst(%dma_wait3A_617 : memref<1024xi32, #tpu.memory_space<hbm>>)
    %dma_wait3A_619 = arith.constant 10240 : i32
    %dma_wait3A_620 = tpu.memref_slice %arg10[%dma_wait3A_619] : memref<34816xi32, #tpu.memory_space<vmem>> -> memref<1024xi32, #tpu.memory_space<vmem>>
    %dma_wait3A_621 = tpu.memref_slice %arg4[%add3A_215] : memref<1048576xi32, #tpu.memory_space<hbm>> -> memref<1024xi32, #tpu.memory_space<hbm>>
    %dma_wait3A_622 = tpu.memref_slice %arg4[%add3A_215] : memref<1048576xi32, #tpu.memory_space<hbm>> -> memref<1024xi32, #tpu.memory_space<hbm>>
    %dma_wait3A_623 = tpu.memref_slice %arg10[%dma_wait3A_619] : memref<34816xi32, #tpu.memory_space<vmem>> -> memref<1024xi32, #tpu.memory_space<vmem>>
    tpu.wait_dma2 semaphore(%arg13 : memref<!tpu.dma_semaphore, #tpu.memory_space<semaphore_mem>>) src(%dma_wait3A_623 : memref<1024xi32, #tpu.memory_space<vmem>>) dst(%dma_wait3A_622 : memref<1024xi32, #tpu.memory_space<hbm>>)
    %dma_wait3A_624 = arith.constant 10240 : i32
    %dma_wait3A_625 = tpu.memref_slice %arg11[%dma_wait3A_624] : memref<34816xi32, #tpu.memory_space<vmem>> -> memref<1024xi32, #tpu.memory_space<vmem>>
    %dma_wait3A_626 = tpu.memref_slice %arg5[%add3A_215] : memref<1048576xi32, #tpu.memory_space<hbm>> -> memref<1024xi32, #tpu.memory_space<hbm>>
    %dma_wait3A_627 = tpu.memref_slice %arg5[%add3A_215] : memref<1048576xi32, #tpu.memory_space<hbm>> -> memref<1024xi32, #tpu.memory_space<hbm>>
    %dma_wait3A_628 = tpu.memref_slice %arg11[%dma_wait3A_624] : memref<34816xi32, #tpu.memory_space<vmem>> -> memref<1024xi32, #tpu.memory_space<vmem>>
    tpu.wait_dma2 semaphore(%arg13 : memref<!tpu.dma_semaphore, #tpu.memory_space<semaphore_mem>>) src(%dma_wait3A_628 : memref<1024xi32, #tpu.memory_space<vmem>>) dst(%dma_wait3A_627 : memref<1024xi32, #tpu.memory_space<hbm>>)
    %dma_wait3A_629 = arith.constant 11264 : i32
    %dma_wait3A_630 = tpu.memref_slice %arg10[%dma_wait3A_629] : memref<34816xi32, #tpu.memory_space<vmem>> -> memref<1024xi32, #tpu.memory_space<vmem>>
    %dma_wait3A_631 = tpu.memref_slice %arg4[%add3A_229] : memref<1048576xi32, #tpu.memory_space<hbm>> -> memref<1024xi32, #tpu.memory_space<hbm>>
    %dma_wait3A_632 = tpu.memref_slice %arg4[%add3A_229] : memref<1048576xi32, #tpu.memory_space<hbm>> -> memref<1024xi32, #tpu.memory_space<hbm>>
    %dma_wait3A_633 = tpu.memref_slice %arg10[%dma_wait3A_629] : memref<34816xi32, #tpu.memory_space<vmem>> -> memref<1024xi32, #tpu.memory_space<vmem>>
    tpu.wait_dma2 semaphore(%arg13 : memref<!tpu.dma_semaphore, #tpu.memory_space<semaphore_mem>>) src(%dma_wait3A_633 : memref<1024xi32, #tpu.memory_space<vmem>>) dst(%dma_wait3A_632 : memref<1024xi32, #tpu.memory_space<hbm>>)
    %dma_wait3A_634 = arith.constant 11264 : i32
    %dma_wait3A_635 = tpu.memref_slice %arg11[%dma_wait3A_634] : memref<34816xi32, #tpu.memory_space<vmem>> -> memref<1024xi32, #tpu.memory_space<vmem>>
    %dma_wait3A_636 = tpu.memref_slice %arg5[%add3A_229] : memref<1048576xi32, #tpu.memory_space<hbm>> -> memref<1024xi32, #tpu.memory_space<hbm>>
    %dma_wait3A_637 = tpu.memref_slice %arg5[%add3A_229] : memref<1048576xi32, #tpu.memory_space<hbm>> -> memref<1024xi32, #tpu.memory_space<hbm>>
    %dma_wait3A_638 = tpu.memref_slice %arg11[%dma_wait3A_634] : memref<34816xi32, #tpu.memory_space<vmem>> -> memref<1024xi32, #tpu.memory_space<vmem>>
    tpu.wait_dma2 semaphore(%arg13 : memref<!tpu.dma_semaphore, #tpu.memory_space<semaphore_mem>>) src(%dma_wait3A_638 : memref<1024xi32, #tpu.memory_space<vmem>>) dst(%dma_wait3A_637 : memref<1024xi32, #tpu.memory_space<hbm>>)
    %dma_wait3A_639 = arith.constant 12288 : i32
    %dma_wait3A_640 = tpu.memref_slice %arg10[%dma_wait3A_639] : memref<34816xi32, #tpu.memory_space<vmem>> -> memref<1024xi32, #tpu.memory_space<vmem>>
    %dma_wait3A_641 = tpu.memref_slice %arg4[%add3A_243] : memref<1048576xi32, #tpu.memory_space<hbm>> -> memref<1024xi32, #tpu.memory_space<hbm>>
    %dma_wait3A_642 = tpu.memref_slice %arg4[%add3A_243] : memref<1048576xi32, #tpu.memory_space<hbm>> -> memref<1024xi32, #tpu.memory_space<hbm>>
    %dma_wait3A_643 = tpu.memref_slice %arg10[%dma_wait3A_639] : memref<34816xi32, #tpu.memory_space<vmem>> -> memref<1024xi32, #tpu.memory_space<vmem>>
    tpu.wait_dma2 semaphore(%arg13 : memref<!tpu.dma_semaphore, #tpu.memory_space<semaphore_mem>>) src(%dma_wait3A_643 : memref<1024xi32, #tpu.memory_space<vmem>>) dst(%dma_wait3A_642 : memref<1024xi32, #tpu.memory_space<hbm>>)
    %dma_wait3A_644 = arith.constant 12288 : i32
    %dma_wait3A_645 = tpu.memref_slice %arg11[%dma_wait3A_644] : memref<34816xi32, #tpu.memory_space<vmem>> -> memref<1024xi32, #tpu.memory_space<vmem>>
    %dma_wait3A_646 = tpu.memref_slice %arg5[%add3A_243] : memref<1048576xi32, #tpu.memory_space<hbm>> -> memref<1024xi32, #tpu.memory_space<hbm>>
    %dma_wait3A_647 = tpu.memref_slice %arg5[%add3A_243] : memref<1048576xi32, #tpu.memory_space<hbm>> -> memref<1024xi32, #tpu.memory_space<hbm>>
    %dma_wait3A_648 = tpu.memref_slice %arg11[%dma_wait3A_644] : memref<34816xi32, #tpu.memory_space<vmem>> -> memref<1024xi32, #tpu.memory_space<vmem>>
    tpu.wait_dma2 semaphore(%arg13 : memref<!tpu.dma_semaphore, #tpu.memory_space<semaphore_mem>>) src(%dma_wait3A_648 : memref<1024xi32, #tpu.memory_space<vmem>>) dst(%dma_wait3A_647 : memref<1024xi32, #tpu.memory_space<hbm>>)
    %dma_wait3A_649 = arith.constant 13312 : i32
    %dma_wait3A_650 = tpu.memref_slice %arg10[%dma_wait3A_649] : memref<34816xi32, #tpu.memory_space<vmem>> -> memref<1024xi32, #tpu.memory_space<vmem>>
    %dma_wait3A_651 = tpu.memref_slice %arg4[%add3A_257] : memref<1048576xi32, #tpu.memory_space<hbm>> -> memref<1024xi32, #tpu.memory_space<hbm>>
    %dma_wait3A_652 = tpu.memref_slice %arg4[%add3A_257] : memref<1048576xi32, #tpu.memory_space<hbm>> -> memref<1024xi32, #tpu.memory_space<hbm>>
    %dma_wait3A_653 = tpu.memref_slice %arg10[%dma_wait3A_649] : memref<34816xi32, #tpu.memory_space<vmem>> -> memref<1024xi32, #tpu.memory_space<vmem>>
    tpu.wait_dma2 semaphore(%arg13 : memref<!tpu.dma_semaphore, #tpu.memory_space<semaphore_mem>>) src(%dma_wait3A_653 : memref<1024xi32, #tpu.memory_space<vmem>>) dst(%dma_wait3A_652 : memref<1024xi32, #tpu.memory_space<hbm>>)
    %dma_wait3A_654 = arith.constant 13312 : i32
    %dma_wait3A_655 = tpu.memref_slice %arg11[%dma_wait3A_654] : memref<34816xi32, #tpu.memory_space<vmem>> -> memref<1024xi32, #tpu.memory_space<vmem>>
    %dma_wait3A_656 = tpu.memref_slice %arg5[%add3A_257] : memref<1048576xi32, #tpu.memory_space<hbm>> -> memref<1024xi32, #tpu.memory_space<hbm>>
    %dma_wait3A_657 = tpu.memref_slice %arg5[%add3A_257] : memref<1048576xi32, #tpu.memory_space<hbm>> -> memref<1024xi32, #tpu.memory_space<hbm>>
    %dma_wait3A_658 = tpu.memref_slice %arg11[%dma_wait3A_654] : memref<34816xi32, #tpu.memory_space<vmem>> -> memref<1024xi32, #tpu.memory_space<vmem>>
    tpu.wait_dma2 semaphore(%arg13 : memref<!tpu.dma_semaphore, #tpu.memory_space<semaphore_mem>>) src(%dma_wait3A_658 : memref<1024xi32, #tpu.memory_space<vmem>>) dst(%dma_wait3A_657 : memref<1024xi32, #tpu.memory_space<hbm>>)
    %dma_wait3A_659 = arith.constant 14336 : i32
    %dma_wait3A_660 = tpu.memref_slice %arg10[%dma_wait3A_659] : memref<34816xi32, #tpu.memory_space<vmem>> -> memref<1024xi32, #tpu.memory_space<vmem>>
    %dma_wait3A_661 = tpu.memref_slice %arg4[%add3A_271] : memref<1048576xi32, #tpu.memory_space<hbm>> -> memref<1024xi32, #tpu.memory_space<hbm>>
    %dma_wait3A_662 = tpu.memref_slice %arg4[%add3A_271] : memref<1048576xi32, #tpu.memory_space<hbm>> -> memref<1024xi32, #tpu.memory_space<hbm>>
    %dma_wait3A_663 = tpu.memref_slice %arg10[%dma_wait3A_659] : memref<34816xi32, #tpu.memory_space<vmem>> -> memref<1024xi32, #tpu.memory_space<vmem>>
    tpu.wait_dma2 semaphore(%arg13 : memref<!tpu.dma_semaphore, #tpu.memory_space<semaphore_mem>>) src(%dma_wait3A_663 : memref<1024xi32, #tpu.memory_space<vmem>>) dst(%dma_wait3A_662 : memref<1024xi32, #tpu.memory_space<hbm>>)
    %dma_wait3A_664 = arith.constant 14336 : i32
    %dma_wait3A_665 = tpu.memref_slice %arg11[%dma_wait3A_664] : memref<34816xi32, #tpu.memory_space<vmem>> -> memref<1024xi32, #tpu.memory_space<vmem>>
    %dma_wait3A_666 = tpu.memref_slice %arg5[%add3A_271] : memref<1048576xi32, #tpu.memory_space<hbm>> -> memref<1024xi32, #tpu.memory_space<hbm>>
    %dma_wait3A_667 = tpu.memref_slice %arg5[%add3A_271] : memref<1048576xi32, #tpu.memory_space<hbm>> -> memref<1024xi32, #tpu.memory_space<hbm>>
    %dma_wait3A_668 = tpu.memref_slice %arg11[%dma_wait3A_664] : memref<34816xi32, #tpu.memory_space<vmem>> -> memref<1024xi32, #tpu.memory_space<vmem>>
    tpu.wait_dma2 semaphore(%arg13 : memref<!tpu.dma_semaphore, #tpu.memory_space<semaphore_mem>>) src(%dma_wait3A_668 : memref<1024xi32, #tpu.memory_space<vmem>>) dst(%dma_wait3A_667 : memref<1024xi32, #tpu.memory_space<hbm>>)
    %dma_wait3A_669 = arith.constant 15360 : i32
    %dma_wait3A_670 = tpu.memref_slice %arg10[%dma_wait3A_669] : memref<34816xi32, #tpu.memory_space<vmem>> -> memref<1024xi32, #tpu.memory_space<vmem>>
    %dma_wait3A_671 = tpu.memref_slice %arg4[%add3A_285] : memref<1048576xi32, #tpu.memory_space<hbm>> -> memref<1024xi32, #tpu.memory_space<hbm>>
    %dma_wait3A_672 = tpu.memref_slice %arg4[%add3A_285] : memref<1048576xi32, #tpu.memory_space<hbm>> -> memref<1024xi32, #tpu.memory_space<hbm>>
    %dma_wait3A_673 = tpu.memref_slice %arg10[%dma_wait3A_669] : memref<34816xi32, #tpu.memory_space<vmem>> -> memref<1024xi32, #tpu.memory_space<vmem>>
    tpu.wait_dma2 semaphore(%arg13 : memref<!tpu.dma_semaphore, #tpu.memory_space<semaphore_mem>>) src(%dma_wait3A_673 : memref<1024xi32, #tpu.memory_space<vmem>>) dst(%dma_wait3A_672 : memref<1024xi32, #tpu.memory_space<hbm>>)
    %dma_wait3A_674 = arith.constant 15360 : i32
    %dma_wait3A_675 = tpu.memref_slice %arg11[%dma_wait3A_674] : memref<34816xi32, #tpu.memory_space<vmem>> -> memref<1024xi32, #tpu.memory_space<vmem>>
    %dma_wait3A_676 = tpu.memref_slice %arg5[%add3A_285] : memref<1048576xi32, #tpu.memory_space<hbm>> -> memref<1024xi32, #tpu.memory_space<hbm>>
    %dma_wait3A_677 = tpu.memref_slice %arg5[%add3A_285] : memref<1048576xi32, #tpu.memory_space<hbm>> -> memref<1024xi32, #tpu.memory_space<hbm>>
    %dma_wait3A_678 = tpu.memref_slice %arg11[%dma_wait3A_674] : memref<34816xi32, #tpu.memory_space<vmem>> -> memref<1024xi32, #tpu.memory_space<vmem>>
    tpu.wait_dma2 semaphore(%arg13 : memref<!tpu.dma_semaphore, #tpu.memory_space<semaphore_mem>>) src(%dma_wait3A_678 : memref<1024xi32, #tpu.memory_space<vmem>>) dst(%dma_wait3A_677 : memref<1024xi32, #tpu.memory_space<hbm>>)
    %dma_wait3A_679 = arith.constant 16384 : i32
    %dma_wait3A_680 = tpu.memref_slice %arg10[%dma_wait3A_679] : memref<34816xi32, #tpu.memory_space<vmem>> -> memref<1024xi32, #tpu.memory_space<vmem>>
    %dma_wait3A_681 = tpu.memref_slice %arg4[%add3A_299] : memref<1048576xi32, #tpu.memory_space<hbm>> -> memref<1024xi32, #tpu.memory_space<hbm>>
    %dma_wait3A_682 = tpu.memref_slice %arg4[%add3A_299] : memref<1048576xi32, #tpu.memory_space<hbm>> -> memref<1024xi32, #tpu.memory_space<hbm>>
    %dma_wait3A_683 = tpu.memref_slice %arg10[%dma_wait3A_679] : memref<34816xi32, #tpu.memory_space<vmem>> -> memref<1024xi32, #tpu.memory_space<vmem>>
    tpu.wait_dma2 semaphore(%arg13 : memref<!tpu.dma_semaphore, #tpu.memory_space<semaphore_mem>>) src(%dma_wait3A_683 : memref<1024xi32, #tpu.memory_space<vmem>>) dst(%dma_wait3A_682 : memref<1024xi32, #tpu.memory_space<hbm>>)
    %dma_wait3A_684 = arith.constant 16384 : i32
    %dma_wait3A_685 = tpu.memref_slice %arg11[%dma_wait3A_684] : memref<34816xi32, #tpu.memory_space<vmem>> -> memref<1024xi32, #tpu.memory_space<vmem>>
    %dma_wait3A_686 = tpu.memref_slice %arg5[%add3A_299] : memref<1048576xi32, #tpu.memory_space<hbm>> -> memref<1024xi32, #tpu.memory_space<hbm>>
    %dma_wait3A_687 = tpu.memref_slice %arg5[%add3A_299] : memref<1048576xi32, #tpu.memory_space<hbm>> -> memref<1024xi32, #tpu.memory_space<hbm>>
    %dma_wait3A_688 = tpu.memref_slice %arg11[%dma_wait3A_684] : memref<34816xi32, #tpu.memory_space<vmem>> -> memref<1024xi32, #tpu.memory_space<vmem>>
    tpu.wait_dma2 semaphore(%arg13 : memref<!tpu.dma_semaphore, #tpu.memory_space<semaphore_mem>>) src(%dma_wait3A_688 : memref<1024xi32, #tpu.memory_space<vmem>>) dst(%dma_wait3A_687 : memref<1024xi32, #tpu.memory_space<hbm>>)
    %dma_wait3A_689 = arith.constant 17408 : i32
    %dma_wait3A_690 = tpu.memref_slice %arg10[%dma_wait3A_689] : memref<34816xi32, #tpu.memory_space<vmem>> -> memref<1024xi32, #tpu.memory_space<vmem>>
    %dma_wait3A_691 = tpu.memref_slice %arg4[%add3A_313] : memref<1048576xi32, #tpu.memory_space<hbm>> -> memref<1024xi32, #tpu.memory_space<hbm>>
    %dma_wait3A_692 = tpu.memref_slice %arg4[%add3A_313] : memref<1048576xi32, #tpu.memory_space<hbm>> -> memref<1024xi32, #tpu.memory_space<hbm>>
    %dma_wait3A_693 = tpu.memref_slice %arg10[%dma_wait3A_689] : memref<34816xi32, #tpu.memory_space<vmem>> -> memref<1024xi32, #tpu.memory_space<vmem>>
    tpu.wait_dma2 semaphore(%arg13 : memref<!tpu.dma_semaphore, #tpu.memory_space<semaphore_mem>>) src(%dma_wait3A_693 : memref<1024xi32, #tpu.memory_space<vmem>>) dst(%dma_wait3A_692 : memref<1024xi32, #tpu.memory_space<hbm>>)
    %dma_wait3A_694 = arith.constant 17408 : i32
    %dma_wait3A_695 = tpu.memref_slice %arg11[%dma_wait3A_694] : memref<34816xi32, #tpu.memory_space<vmem>> -> memref<1024xi32, #tpu.memory_space<vmem>>
    %dma_wait3A_696 = tpu.memref_slice %arg5[%add3A_313] : memref<1048576xi32, #tpu.memory_space<hbm>> -> memref<1024xi32, #tpu.memory_space<hbm>>
    %dma_wait3A_697 = tpu.memref_slice %arg5[%add3A_313] : memref<1048576xi32, #tpu.memory_space<hbm>> -> memref<1024xi32, #tpu.memory_space<hbm>>
    %dma_wait3A_698 = tpu.memref_slice %arg11[%dma_wait3A_694] : memref<34816xi32, #tpu.memory_space<vmem>> -> memref<1024xi32, #tpu.memory_space<vmem>>
    tpu.wait_dma2 semaphore(%arg13 : memref<!tpu.dma_semaphore, #tpu.memory_space<semaphore_mem>>) src(%dma_wait3A_698 : memref<1024xi32, #tpu.memory_space<vmem>>) dst(%dma_wait3A_697 : memref<1024xi32, #tpu.memory_space<hbm>>)
    %dma_wait3A_699 = arith.constant 18432 : i32
    %dma_wait3A_700 = tpu.memref_slice %arg10[%dma_wait3A_699] : memref<34816xi32, #tpu.memory_space<vmem>> -> memref<1024xi32, #tpu.memory_space<vmem>>
    %dma_wait3A_701 = tpu.memref_slice %arg4[%add3A_327] : memref<1048576xi32, #tpu.memory_space<hbm>> -> memref<1024xi32, #tpu.memory_space<hbm>>
    %dma_wait3A_702 = tpu.memref_slice %arg4[%add3A_327] : memref<1048576xi32, #tpu.memory_space<hbm>> -> memref<1024xi32, #tpu.memory_space<hbm>>
    %dma_wait3A_703 = tpu.memref_slice %arg10[%dma_wait3A_699] : memref<34816xi32, #tpu.memory_space<vmem>> -> memref<1024xi32, #tpu.memory_space<vmem>>
    tpu.wait_dma2 semaphore(%arg13 : memref<!tpu.dma_semaphore, #tpu.memory_space<semaphore_mem>>) src(%dma_wait3A_703 : memref<1024xi32, #tpu.memory_space<vmem>>) dst(%dma_wait3A_702 : memref<1024xi32, #tpu.memory_space<hbm>>)
    %dma_wait3A_704 = arith.constant 18432 : i32
    %dma_wait3A_705 = tpu.memref_slice %arg11[%dma_wait3A_704] : memref<34816xi32, #tpu.memory_space<vmem>> -> memref<1024xi32, #tpu.memory_space<vmem>>
    %dma_wait3A_706 = tpu.memref_slice %arg5[%add3A_327] : memref<1048576xi32, #tpu.memory_space<hbm>> -> memref<1024xi32, #tpu.memory_space<hbm>>
    %dma_wait3A_707 = tpu.memref_slice %arg5[%add3A_327] : memref<1048576xi32, #tpu.memory_space<hbm>> -> memref<1024xi32, #tpu.memory_space<hbm>>
    %dma_wait3A_708 = tpu.memref_slice %arg11[%dma_wait3A_704] : memref<34816xi32, #tpu.memory_space<vmem>> -> memref<1024xi32, #tpu.memory_space<vmem>>
    tpu.wait_dma2 semaphore(%arg13 : memref<!tpu.dma_semaphore, #tpu.memory_space<semaphore_mem>>) src(%dma_wait3A_708 : memref<1024xi32, #tpu.memory_space<vmem>>) dst(%dma_wait3A_707 : memref<1024xi32, #tpu.memory_space<hbm>>)
    %dma_wait3A_709 = arith.constant 19456 : i32
    %dma_wait3A_710 = tpu.memref_slice %arg10[%dma_wait3A_709] : memref<34816xi32, #tpu.memory_space<vmem>> -> memref<1024xi32, #tpu.memory_space<vmem>>
    %dma_wait3A_711 = tpu.memref_slice %arg4[%add3A_341] : memref<1048576xi32, #tpu.memory_space<hbm>> -> memref<1024xi32, #tpu.memory_space<hbm>>
    %dma_wait3A_712 = tpu.memref_slice %arg4[%add3A_341] : memref<1048576xi32, #tpu.memory_space<hbm>> -> memref<1024xi32, #tpu.memory_space<hbm>>
    %dma_wait3A_713 = tpu.memref_slice %arg10[%dma_wait3A_709] : memref<34816xi32, #tpu.memory_space<vmem>> -> memref<1024xi32, #tpu.memory_space<vmem>>
    tpu.wait_dma2 semaphore(%arg13 : memref<!tpu.dma_semaphore, #tpu.memory_space<semaphore_mem>>) src(%dma_wait3A_713 : memref<1024xi32, #tpu.memory_space<vmem>>) dst(%dma_wait3A_712 : memref<1024xi32, #tpu.memory_space<hbm>>)
    %dma_wait3A_714 = arith.constant 19456 : i32
    %dma_wait3A_715 = tpu.memref_slice %arg11[%dma_wait3A_714] : memref<34816xi32, #tpu.memory_space<vmem>> -> memref<1024xi32, #tpu.memory_space<vmem>>
    %dma_wait3A_716 = tpu.memref_slice %arg5[%add3A_341] : memref<1048576xi32, #tpu.memory_space<hbm>> -> memref<1024xi32, #tpu.memory_space<hbm>>
    %dma_wait3A_717 = tpu.memref_slice %arg5[%add3A_341] : memref<1048576xi32, #tpu.memory_space<hbm>> -> memref<1024xi32, #tpu.memory_space<hbm>>
    %dma_wait3A_718 = tpu.memref_slice %arg11[%dma_wait3A_714] : memref<34816xi32, #tpu.memory_space<vmem>> -> memref<1024xi32, #tpu.memory_space<vmem>>
    tpu.wait_dma2 semaphore(%arg13 : memref<!tpu.dma_semaphore, #tpu.memory_space<semaphore_mem>>) src(%dma_wait3A_718 : memref<1024xi32, #tpu.memory_space<vmem>>) dst(%dma_wait3A_717 : memref<1024xi32, #tpu.memory_space<hbm>>)
    %dma_wait3A_719 = arith.constant 20480 : i32
    %dma_wait3A_720 = tpu.memref_slice %arg10[%dma_wait3A_719] : memref<34816xi32, #tpu.memory_space<vmem>> -> memref<1024xi32, #tpu.memory_space<vmem>>
    %dma_wait3A_721 = tpu.memref_slice %arg4[%add3A_355] : memref<1048576xi32, #tpu.memory_space<hbm>> -> memref<1024xi32, #tpu.memory_space<hbm>>
    %dma_wait3A_722 = tpu.memref_slice %arg4[%add3A_355] : memref<1048576xi32, #tpu.memory_space<hbm>> -> memref<1024xi32, #tpu.memory_space<hbm>>
    %dma_wait3A_723 = tpu.memref_slice %arg10[%dma_wait3A_719] : memref<34816xi32, #tpu.memory_space<vmem>> -> memref<1024xi32, #tpu.memory_space<vmem>>
    tpu.wait_dma2 semaphore(%arg13 : memref<!tpu.dma_semaphore, #tpu.memory_space<semaphore_mem>>) src(%dma_wait3A_723 : memref<1024xi32, #tpu.memory_space<vmem>>) dst(%dma_wait3A_722 : memref<1024xi32, #tpu.memory_space<hbm>>)
    %dma_wait3A_724 = arith.constant 20480 : i32
    %dma_wait3A_725 = tpu.memref_slice %arg11[%dma_wait3A_724] : memref<34816xi32, #tpu.memory_space<vmem>> -> memref<1024xi32, #tpu.memory_space<vmem>>
    %dma_wait3A_726 = tpu.memref_slice %arg5[%add3A_355] : memref<1048576xi32, #tpu.memory_space<hbm>> -> memref<1024xi32, #tpu.memory_space<hbm>>
    %dma_wait3A_727 = tpu.memref_slice %arg5[%add3A_355] : memref<1048576xi32, #tpu.memory_space<hbm>> -> memref<1024xi32, #tpu.memory_space<hbm>>
    %dma_wait3A_728 = tpu.memref_slice %arg11[%dma_wait3A_724] : memref<34816xi32, #tpu.memory_space<vmem>> -> memref<1024xi32, #tpu.memory_space<vmem>>
    tpu.wait_dma2 semaphore(%arg13 : memref<!tpu.dma_semaphore, #tpu.memory_space<semaphore_mem>>) src(%dma_wait3A_728 : memref<1024xi32, #tpu.memory_space<vmem>>) dst(%dma_wait3A_727 : memref<1024xi32, #tpu.memory_space<hbm>>)
    %dma_wait3A_729 = arith.constant 21504 : i32
    %dma_wait3A_730 = tpu.memref_slice %arg10[%dma_wait3A_729] : memref<34816xi32, #tpu.memory_space<vmem>> -> memref<1024xi32, #tpu.memory_space<vmem>>
    %dma_wait3A_731 = tpu.memref_slice %arg4[%add3A_369] : memref<1048576xi32, #tpu.memory_space<hbm>> -> memref<1024xi32, #tpu.memory_space<hbm>>
    %dma_wait3A_732 = tpu.memref_slice %arg4[%add3A_369] : memref<1048576xi32, #tpu.memory_space<hbm>> -> memref<1024xi32, #tpu.memory_space<hbm>>
    %dma_wait3A_733 = tpu.memref_slice %arg10[%dma_wait3A_729] : memref<34816xi32, #tpu.memory_space<vmem>> -> memref<1024xi32, #tpu.memory_space<vmem>>
    tpu.wait_dma2 semaphore(%arg13 : memref<!tpu.dma_semaphore, #tpu.memory_space<semaphore_mem>>) src(%dma_wait3A_733 : memref<1024xi32, #tpu.memory_space<vmem>>) dst(%dma_wait3A_732 : memref<1024xi32, #tpu.memory_space<hbm>>)
    %dma_wait3A_734 = arith.constant 21504 : i32
    %dma_wait3A_735 = tpu.memref_slice %arg11[%dma_wait3A_734] : memref<34816xi32, #tpu.memory_space<vmem>> -> memref<1024xi32, #tpu.memory_space<vmem>>
    %dma_wait3A_736 = tpu.memref_slice %arg5[%add3A_369] : memref<1048576xi32, #tpu.memory_space<hbm>> -> memref<1024xi32, #tpu.memory_space<hbm>>
    %dma_wait3A_737 = tpu.memref_slice %arg5[%add3A_369] : memref<1048576xi32, #tpu.memory_space<hbm>> -> memref<1024xi32, #tpu.memory_space<hbm>>
    %dma_wait3A_738 = tpu.memref_slice %arg11[%dma_wait3A_734] : memref<34816xi32, #tpu.memory_space<vmem>> -> memref<1024xi32, #tpu.memory_space<vmem>>
    tpu.wait_dma2 semaphore(%arg13 : memref<!tpu.dma_semaphore, #tpu.memory_space<semaphore_mem>>) src(%dma_wait3A_738 : memref<1024xi32, #tpu.memory_space<vmem>>) dst(%dma_wait3A_737 : memref<1024xi32, #tpu.memory_space<hbm>>)
    %dma_wait3A_739 = arith.constant 22528 : i32
    %dma_wait3A_740 = tpu.memref_slice %arg10[%dma_wait3A_739] : memref<34816xi32, #tpu.memory_space<vmem>> -> memref<1024xi32, #tpu.memory_space<vmem>>
    %dma_wait3A_741 = tpu.memref_slice %arg4[%add3A_383] : memref<1048576xi32, #tpu.memory_space<hbm>> -> memref<1024xi32, #tpu.memory_space<hbm>>
    %dma_wait3A_742 = tpu.memref_slice %arg4[%add3A_383] : memref<1048576xi32, #tpu.memory_space<hbm>> -> memref<1024xi32, #tpu.memory_space<hbm>>
    %dma_wait3A_743 = tpu.memref_slice %arg10[%dma_wait3A_739] : memref<34816xi32, #tpu.memory_space<vmem>> -> memref<1024xi32, #tpu.memory_space<vmem>>
    tpu.wait_dma2 semaphore(%arg13 : memref<!tpu.dma_semaphore, #tpu.memory_space<semaphore_mem>>) src(%dma_wait3A_743 : memref<1024xi32, #tpu.memory_space<vmem>>) dst(%dma_wait3A_742 : memref<1024xi32, #tpu.memory_space<hbm>>)
    %dma_wait3A_744 = arith.constant 22528 : i32
    %dma_wait3A_745 = tpu.memref_slice %arg11[%dma_wait3A_744] : memref<34816xi32, #tpu.memory_space<vmem>> -> memref<1024xi32, #tpu.memory_space<vmem>>
    %dma_wait3A_746 = tpu.memref_slice %arg5[%add3A_383] : memref<1048576xi32, #tpu.memory_space<hbm>> -> memref<1024xi32, #tpu.memory_space<hbm>>
    %dma_wait3A_747 = tpu.memref_slice %arg5[%add3A_383] : memref<1048576xi32, #tpu.memory_space<hbm>> -> memref<1024xi32, #tpu.memory_space<hbm>>
    %dma_wait3A_748 = tpu.memref_slice %arg11[%dma_wait3A_744] : memref<34816xi32, #tpu.memory_space<vmem>> -> memref<1024xi32, #tpu.memory_space<vmem>>
    tpu.wait_dma2 semaphore(%arg13 : memref<!tpu.dma_semaphore, #tpu.memory_space<semaphore_mem>>) src(%dma_wait3A_748 : memref<1024xi32, #tpu.memory_space<vmem>>) dst(%dma_wait3A_747 : memref<1024xi32, #tpu.memory_space<hbm>>)
    %dma_wait3A_749 = arith.constant 23552 : i32
    %dma_wait3A_750 = tpu.memref_slice %arg10[%dma_wait3A_749] : memref<34816xi32, #tpu.memory_space<vmem>> -> memref<1024xi32, #tpu.memory_space<vmem>>
    %dma_wait3A_751 = tpu.memref_slice %arg4[%add3A_397] : memref<1048576xi32, #tpu.memory_space<hbm>> -> memref<1024xi32, #tpu.memory_space<hbm>>
    %dma_wait3A_752 = tpu.memref_slice %arg4[%add3A_397] : memref<1048576xi32, #tpu.memory_space<hbm>> -> memref<1024xi32, #tpu.memory_space<hbm>>
    %dma_wait3A_753 = tpu.memref_slice %arg10[%dma_wait3A_749] : memref<34816xi32, #tpu.memory_space<vmem>> -> memref<1024xi32, #tpu.memory_space<vmem>>
    tpu.wait_dma2 semaphore(%arg13 : memref<!tpu.dma_semaphore, #tpu.memory_space<semaphore_mem>>) src(%dma_wait3A_753 : memref<1024xi32, #tpu.memory_space<vmem>>) dst(%dma_wait3A_752 : memref<1024xi32, #tpu.memory_space<hbm>>)
    %dma_wait3A_754 = arith.constant 23552 : i32
    %dma_wait3A_755 = tpu.memref_slice %arg11[%dma_wait3A_754] : memref<34816xi32, #tpu.memory_space<vmem>> -> memref<1024xi32, #tpu.memory_space<vmem>>
    %dma_wait3A_756 = tpu.memref_slice %arg5[%add3A_397] : memref<1048576xi32, #tpu.memory_space<hbm>> -> memref<1024xi32, #tpu.memory_space<hbm>>
    %dma_wait3A_757 = tpu.memref_slice %arg5[%add3A_397] : memref<1048576xi32, #tpu.memory_space<hbm>> -> memref<1024xi32, #tpu.memory_space<hbm>>
    %dma_wait3A_758 = tpu.memref_slice %arg11[%dma_wait3A_754] : memref<34816xi32, #tpu.memory_space<vmem>> -> memref<1024xi32, #tpu.memory_space<vmem>>
    tpu.wait_dma2 semaphore(%arg13 : memref<!tpu.dma_semaphore, #tpu.memory_space<semaphore_mem>>) src(%dma_wait3A_758 : memref<1024xi32, #tpu.memory_space<vmem>>) dst(%dma_wait3A_757 : memref<1024xi32, #tpu.memory_space<hbm>>)
    %dma_wait3A_759 = arith.constant 24576 : i32
    %dma_wait3A_760 = tpu.memref_slice %arg10[%dma_wait3A_759] : memref<34816xi32, #tpu.memory_space<vmem>> -> memref<1024xi32, #tpu.memory_space<vmem>>
    %dma_wait3A_761 = tpu.memref_slice %arg4[%add3A_411] : memref<1048576xi32, #tpu.memory_space<hbm>> -> memref<1024xi32, #tpu.memory_space<hbm>>
    %dma_wait3A_762 = tpu.memref_slice %arg4[%add3A_411] : memref<1048576xi32, #tpu.memory_space<hbm>> -> memref<1024xi32, #tpu.memory_space<hbm>>
    %dma_wait3A_763 = tpu.memref_slice %arg10[%dma_wait3A_759] : memref<34816xi32, #tpu.memory_space<vmem>> -> memref<1024xi32, #tpu.memory_space<vmem>>
    tpu.wait_dma2 semaphore(%arg13 : memref<!tpu.dma_semaphore, #tpu.memory_space<semaphore_mem>>) src(%dma_wait3A_763 : memref<1024xi32, #tpu.memory_space<vmem>>) dst(%dma_wait3A_762 : memref<1024xi32, #tpu.memory_space<hbm>>)
    %dma_wait3A_764 = arith.constant 24576 : i32
    %dma_wait3A_765 = tpu.memref_slice %arg11[%dma_wait3A_764] : memref<34816xi32, #tpu.memory_space<vmem>> -> memref<1024xi32, #tpu.memory_space<vmem>>
    %dma_wait3A_766 = tpu.memref_slice %arg5[%add3A_411] : memref<1048576xi32, #tpu.memory_space<hbm>> -> memref<1024xi32, #tpu.memory_space<hbm>>
    %dma_wait3A_767 = tpu.memref_slice %arg5[%add3A_411] : memref<1048576xi32, #tpu.memory_space<hbm>> -> memref<1024xi32, #tpu.memory_space<hbm>>
    %dma_wait3A_768 = tpu.memref_slice %arg11[%dma_wait3A_764] : memref<34816xi32, #tpu.memory_space<vmem>> -> memref<1024xi32, #tpu.memory_space<vmem>>
    tpu.wait_dma2 semaphore(%arg13 : memref<!tpu.dma_semaphore, #tpu.memory_space<semaphore_mem>>) src(%dma_wait3A_768 : memref<1024xi32, #tpu.memory_space<vmem>>) dst(%dma_wait3A_767 : memref<1024xi32, #tpu.memory_space<hbm>>)
    %dma_wait3A_769 = arith.constant 25600 : i32
    %dma_wait3A_770 = tpu.memref_slice %arg10[%dma_wait3A_769] : memref<34816xi32, #tpu.memory_space<vmem>> -> memref<1024xi32, #tpu.memory_space<vmem>>
    %dma_wait3A_771 = tpu.memref_slice %arg4[%add3A_425] : memref<1048576xi32, #tpu.memory_space<hbm>> -> memref<1024xi32, #tpu.memory_space<hbm>>
    %dma_wait3A_772 = tpu.memref_slice %arg4[%add3A_425] : memref<1048576xi32, #tpu.memory_space<hbm>> -> memref<1024xi32, #tpu.memory_space<hbm>>
    %dma_wait3A_773 = tpu.memref_slice %arg10[%dma_wait3A_769] : memref<34816xi32, #tpu.memory_space<vmem>> -> memref<1024xi32, #tpu.memory_space<vmem>>
    tpu.wait_dma2 semaphore(%arg13 : memref<!tpu.dma_semaphore, #tpu.memory_space<semaphore_mem>>) src(%dma_wait3A_773 : memref<1024xi32, #tpu.memory_space<vmem>>) dst(%dma_wait3A_772 : memref<1024xi32, #tpu.memory_space<hbm>>)
    %dma_wait3A_774 = arith.constant 25600 : i32
    %dma_wait3A_775 = tpu.memref_slice %arg11[%dma_wait3A_774] : memref<34816xi32, #tpu.memory_space<vmem>> -> memref<1024xi32, #tpu.memory_space<vmem>>
    %dma_wait3A_776 = tpu.memref_slice %arg5[%add3A_425] : memref<1048576xi32, #tpu.memory_space<hbm>> -> memref<1024xi32, #tpu.memory_space<hbm>>
    %dma_wait3A_777 = tpu.memref_slice %arg5[%add3A_425] : memref<1048576xi32, #tpu.memory_space<hbm>> -> memref<1024xi32, #tpu.memory_space<hbm>>
    %dma_wait3A_778 = tpu.memref_slice %arg11[%dma_wait3A_774] : memref<34816xi32, #tpu.memory_space<vmem>> -> memref<1024xi32, #tpu.memory_space<vmem>>
    tpu.wait_dma2 semaphore(%arg13 : memref<!tpu.dma_semaphore, #tpu.memory_space<semaphore_mem>>) src(%dma_wait3A_778 : memref<1024xi32, #tpu.memory_space<vmem>>) dst(%dma_wait3A_777 : memref<1024xi32, #tpu.memory_space<hbm>>)
    %dma_wait3A_779 = arith.constant 26624 : i32
    %dma_wait3A_780 = tpu.memref_slice %arg10[%dma_wait3A_779] : memref<34816xi32, #tpu.memory_space<vmem>> -> memref<1024xi32, #tpu.memory_space<vmem>>
    %dma_wait3A_781 = tpu.memref_slice %arg4[%add3A_439] : memref<1048576xi32, #tpu.memory_space<hbm>> -> memref<1024xi32, #tpu.memory_space<hbm>>
    %dma_wait3A_782 = tpu.memref_slice %arg4[%add3A_439] : memref<1048576xi32, #tpu.memory_space<hbm>> -> memref<1024xi32, #tpu.memory_space<hbm>>
    %dma_wait3A_783 = tpu.memref_slice %arg10[%dma_wait3A_779] : memref<34816xi32, #tpu.memory_space<vmem>> -> memref<1024xi32, #tpu.memory_space<vmem>>
    tpu.wait_dma2 semaphore(%arg13 : memref<!tpu.dma_semaphore, #tpu.memory_space<semaphore_mem>>) src(%dma_wait3A_783 : memref<1024xi32, #tpu.memory_space<vmem>>) dst(%dma_wait3A_782 : memref<1024xi32, #tpu.memory_space<hbm>>)
    %dma_wait3A_784 = arith.constant 26624 : i32
    %dma_wait3A_785 = tpu.memref_slice %arg11[%dma_wait3A_784] : memref<34816xi32, #tpu.memory_space<vmem>> -> memref<1024xi32, #tpu.memory_space<vmem>>
    %dma_wait3A_786 = tpu.memref_slice %arg5[%add3A_439] : memref<1048576xi32, #tpu.memory_space<hbm>> -> memref<1024xi32, #tpu.memory_space<hbm>>
    %dma_wait3A_787 = tpu.memref_slice %arg5[%add3A_439] : memref<1048576xi32, #tpu.memory_space<hbm>> -> memref<1024xi32, #tpu.memory_space<hbm>>
    %dma_wait3A_788 = tpu.memref_slice %arg11[%dma_wait3A_784] : memref<34816xi32, #tpu.memory_space<vmem>> -> memref<1024xi32, #tpu.memory_space<vmem>>
    tpu.wait_dma2 semaphore(%arg13 : memref<!tpu.dma_semaphore, #tpu.memory_space<semaphore_mem>>) src(%dma_wait3A_788 : memref<1024xi32, #tpu.memory_space<vmem>>) dst(%dma_wait3A_787 : memref<1024xi32, #tpu.memory_space<hbm>>)
    %dma_wait3A_789 = arith.constant 27648 : i32
    %dma_wait3A_790 = tpu.memref_slice %arg10[%dma_wait3A_789] : memref<34816xi32, #tpu.memory_space<vmem>> -> memref<1024xi32, #tpu.memory_space<vmem>>
    %dma_wait3A_791 = tpu.memref_slice %arg4[%add3A_453] : memref<1048576xi32, #tpu.memory_space<hbm>> -> memref<1024xi32, #tpu.memory_space<hbm>>
    %dma_wait3A_792 = tpu.memref_slice %arg4[%add3A_453] : memref<1048576xi32, #tpu.memory_space<hbm>> -> memref<1024xi32, #tpu.memory_space<hbm>>
    %dma_wait3A_793 = tpu.memref_slice %arg10[%dma_wait3A_789] : memref<34816xi32, #tpu.memory_space<vmem>> -> memref<1024xi32, #tpu.memory_space<vmem>>
    tpu.wait_dma2 semaphore(%arg13 : memref<!tpu.dma_semaphore, #tpu.memory_space<semaphore_mem>>) src(%dma_wait3A_793 : memref<1024xi32, #tpu.memory_space<vmem>>) dst(%dma_wait3A_792 : memref<1024xi32, #tpu.memory_space<hbm>>)
    %dma_wait3A_794 = arith.constant 27648 : i32
    %dma_wait3A_795 = tpu.memref_slice %arg11[%dma_wait3A_794] : memref<34816xi32, #tpu.memory_space<vmem>> -> memref<1024xi32, #tpu.memory_space<vmem>>
    %dma_wait3A_796 = tpu.memref_slice %arg5[%add3A_453] : memref<1048576xi32, #tpu.memory_space<hbm>> -> memref<1024xi32, #tpu.memory_space<hbm>>
    %dma_wait3A_797 = tpu.memref_slice %arg5[%add3A_453] : memref<1048576xi32, #tpu.memory_space<hbm>> -> memref<1024xi32, #tpu.memory_space<hbm>>
    %dma_wait3A_798 = tpu.memref_slice %arg11[%dma_wait3A_794] : memref<34816xi32, #tpu.memory_space<vmem>> -> memref<1024xi32, #tpu.memory_space<vmem>>
    tpu.wait_dma2 semaphore(%arg13 : memref<!tpu.dma_semaphore, #tpu.memory_space<semaphore_mem>>) src(%dma_wait3A_798 : memref<1024xi32, #tpu.memory_space<vmem>>) dst(%dma_wait3A_797 : memref<1024xi32, #tpu.memory_space<hbm>>)
    %dma_wait3A_799 = arith.constant 28672 : i32
    %dma_wait3A_800 = tpu.memref_slice %arg10[%dma_wait3A_799] : memref<34816xi32, #tpu.memory_space<vmem>> -> memref<1024xi32, #tpu.memory_space<vmem>>
    %dma_wait3A_801 = tpu.memref_slice %arg4[%add3A_467] : memref<1048576xi32, #tpu.memory_space<hbm>> -> memref<1024xi32, #tpu.memory_space<hbm>>
    %dma_wait3A_802 = tpu.memref_slice %arg4[%add3A_467] : memref<1048576xi32, #tpu.memory_space<hbm>> -> memref<1024xi32, #tpu.memory_space<hbm>>
    %dma_wait3A_803 = tpu.memref_slice %arg10[%dma_wait3A_799] : memref<34816xi32, #tpu.memory_space<vmem>> -> memref<1024xi32, #tpu.memory_space<vmem>>
    tpu.wait_dma2 semaphore(%arg13 : memref<!tpu.dma_semaphore, #tpu.memory_space<semaphore_mem>>) src(%dma_wait3A_803 : memref<1024xi32, #tpu.memory_space<vmem>>) dst(%dma_wait3A_802 : memref<1024xi32, #tpu.memory_space<hbm>>)
    %dma_wait3A_804 = arith.constant 28672 : i32
    %dma_wait3A_805 = tpu.memref_slice %arg11[%dma_wait3A_804] : memref<34816xi32, #tpu.memory_space<vmem>> -> memref<1024xi32, #tpu.memory_space<vmem>>
    %dma_wait3A_806 = tpu.memref_slice %arg5[%add3A_467] : memref<1048576xi32, #tpu.memory_space<hbm>> -> memref<1024xi32, #tpu.memory_space<hbm>>
    %dma_wait3A_807 = tpu.memref_slice %arg5[%add3A_467] : memref<1048576xi32, #tpu.memory_space<hbm>> -> memref<1024xi32, #tpu.memory_space<hbm>>
    %dma_wait3A_808 = tpu.memref_slice %arg11[%dma_wait3A_804] : memref<34816xi32, #tpu.memory_space<vmem>> -> memref<1024xi32, #tpu.memory_space<vmem>>
    tpu.wait_dma2 semaphore(%arg13 : memref<!tpu.dma_semaphore, #tpu.memory_space<semaphore_mem>>) src(%dma_wait3A_808 : memref<1024xi32, #tpu.memory_space<vmem>>) dst(%dma_wait3A_807 : memref<1024xi32, #tpu.memory_space<hbm>>)
    %dma_wait3A_809 = arith.constant 29696 : i32
    %dma_wait3A_810 = tpu.memref_slice %arg10[%dma_wait3A_809] : memref<34816xi32, #tpu.memory_space<vmem>> -> memref<1024xi32, #tpu.memory_space<vmem>>
    %dma_wait3A_811 = tpu.memref_slice %arg4[%add3A_481] : memref<1048576xi32, #tpu.memory_space<hbm>> -> memref<1024xi32, #tpu.memory_space<hbm>>
    %dma_wait3A_812 = tpu.memref_slice %arg4[%add3A_481] : memref<1048576xi32, #tpu.memory_space<hbm>> -> memref<1024xi32, #tpu.memory_space<hbm>>
    %dma_wait3A_813 = tpu.memref_slice %arg10[%dma_wait3A_809] : memref<34816xi32, #tpu.memory_space<vmem>> -> memref<1024xi32, #tpu.memory_space<vmem>>
    tpu.wait_dma2 semaphore(%arg13 : memref<!tpu.dma_semaphore, #tpu.memory_space<semaphore_mem>>) src(%dma_wait3A_813 : memref<1024xi32, #tpu.memory_space<vmem>>) dst(%dma_wait3A_812 : memref<1024xi32, #tpu.memory_space<hbm>>)
    %dma_wait3A_814 = arith.constant 29696 : i32
    %dma_wait3A_815 = tpu.memref_slice %arg11[%dma_wait3A_814] : memref<34816xi32, #tpu.memory_space<vmem>> -> memref<1024xi32, #tpu.memory_space<vmem>>
    %dma_wait3A_816 = tpu.memref_slice %arg5[%add3A_481] : memref<1048576xi32, #tpu.memory_space<hbm>> -> memref<1024xi32, #tpu.memory_space<hbm>>
    %dma_wait3A_817 = tpu.memref_slice %arg5[%add3A_481] : memref<1048576xi32, #tpu.memory_space<hbm>> -> memref<1024xi32, #tpu.memory_space<hbm>>
    %dma_wait3A_818 = tpu.memref_slice %arg11[%dma_wait3A_814] : memref<34816xi32, #tpu.memory_space<vmem>> -> memref<1024xi32, #tpu.memory_space<vmem>>
    tpu.wait_dma2 semaphore(%arg13 : memref<!tpu.dma_semaphore, #tpu.memory_space<semaphore_mem>>) src(%dma_wait3A_818 : memref<1024xi32, #tpu.memory_space<vmem>>) dst(%dma_wait3A_817 : memref<1024xi32, #tpu.memory_space<hbm>>)
    %dma_wait3A_819 = arith.constant 30720 : i32
    %dma_wait3A_820 = tpu.memref_slice %arg10[%dma_wait3A_819] : memref<34816xi32, #tpu.memory_space<vmem>> -> memref<1024xi32, #tpu.memory_space<vmem>>
    %dma_wait3A_821 = tpu.memref_slice %arg4[%add3A_495] : memref<1048576xi32, #tpu.memory_space<hbm>> -> memref<1024xi32, #tpu.memory_space<hbm>>
    %dma_wait3A_822 = tpu.memref_slice %arg4[%add3A_495] : memref<1048576xi32, #tpu.memory_space<hbm>> -> memref<1024xi32, #tpu.memory_space<hbm>>
    %dma_wait3A_823 = tpu.memref_slice %arg10[%dma_wait3A_819] : memref<34816xi32, #tpu.memory_space<vmem>> -> memref<1024xi32, #tpu.memory_space<vmem>>
    tpu.wait_dma2 semaphore(%arg13 : memref<!tpu.dma_semaphore, #tpu.memory_space<semaphore_mem>>) src(%dma_wait3A_823 : memref<1024xi32, #tpu.memory_space<vmem>>) dst(%dma_wait3A_822 : memref<1024xi32, #tpu.memory_space<hbm>>)
    %dma_wait3A_824 = arith.constant 30720 : i32
    %dma_wait3A_825 = tpu.memref_slice %arg11[%dma_wait3A_824] : memref<34816xi32, #tpu.memory_space<vmem>> -> memref<1024xi32, #tpu.memory_space<vmem>>
    %dma_wait3A_826 = tpu.memref_slice %arg5[%add3A_495] : memref<1048576xi32, #tpu.memory_space<hbm>> -> memref<1024xi32, #tpu.memory_space<hbm>>
    %dma_wait3A_827 = tpu.memref_slice %arg5[%add3A_495] : memref<1048576xi32, #tpu.memory_space<hbm>> -> memref<1024xi32, #tpu.memory_space<hbm>>
    %dma_wait3A_828 = tpu.memref_slice %arg11[%dma_wait3A_824] : memref<34816xi32, #tpu.memory_space<vmem>> -> memref<1024xi32, #tpu.memory_space<vmem>>
    tpu.wait_dma2 semaphore(%arg13 : memref<!tpu.dma_semaphore, #tpu.memory_space<semaphore_mem>>) src(%dma_wait3A_828 : memref<1024xi32, #tpu.memory_space<vmem>>) dst(%dma_wait3A_827 : memref<1024xi32, #tpu.memory_space<hbm>>)
    %dma_wait3A_829 = arith.constant 31744 : i32
    %dma_wait3A_830 = tpu.memref_slice %arg10[%dma_wait3A_829] : memref<34816xi32, #tpu.memory_space<vmem>> -> memref<1024xi32, #tpu.memory_space<vmem>>
    %dma_wait3A_831 = tpu.memref_slice %arg4[%add3A_509] : memref<1048576xi32, #tpu.memory_space<hbm>> -> memref<1024xi32, #tpu.memory_space<hbm>>
    %dma_wait3A_832 = tpu.memref_slice %arg4[%add3A_509] : memref<1048576xi32, #tpu.memory_space<hbm>> -> memref<1024xi32, #tpu.memory_space<hbm>>
    %dma_wait3A_833 = tpu.memref_slice %arg10[%dma_wait3A_829] : memref<34816xi32, #tpu.memory_space<vmem>> -> memref<1024xi32, #tpu.memory_space<vmem>>
    tpu.wait_dma2 semaphore(%arg13 : memref<!tpu.dma_semaphore, #tpu.memory_space<semaphore_mem>>) src(%dma_wait3A_833 : memref<1024xi32, #tpu.memory_space<vmem>>) dst(%dma_wait3A_832 : memref<1024xi32, #tpu.memory_space<hbm>>)
    %dma_wait3A_834 = arith.constant 31744 : i32
    %dma_wait3A_835 = tpu.memref_slice %arg11[%dma_wait3A_834] : memref<34816xi32, #tpu.memory_space<vmem>> -> memref<1024xi32, #tpu.memory_space<vmem>>
    %dma_wait3A_836 = tpu.memref_slice %arg5[%add3A_509] : memref<1048576xi32, #tpu.memory_space<hbm>> -> memref<1024xi32, #tpu.memory_space<hbm>>
    %dma_wait3A_837 = tpu.memref_slice %arg5[%add3A_509] : memref<1048576xi32, #tpu.memory_space<hbm>> -> memref<1024xi32, #tpu.memory_space<hbm>>
    %dma_wait3A_838 = tpu.memref_slice %arg11[%dma_wait3A_834] : memref<34816xi32, #tpu.memory_space<vmem>> -> memref<1024xi32, #tpu.memory_space<vmem>>
    tpu.wait_dma2 semaphore(%arg13 : memref<!tpu.dma_semaphore, #tpu.memory_space<semaphore_mem>>) src(%dma_wait3A_838 : memref<1024xi32, #tpu.memory_space<vmem>>) dst(%dma_wait3A_837 : memref<1024xi32, #tpu.memory_space<hbm>>)
    return
  }
}

#map = affine_map<(d0, d1) -> (0)>
#map1 = affine_map<(d0, d1) -> (0, 0)>
module attributes {stable_mosaic.version = 14 : i64} {
  func.func @_query_k(%arg0: i32, %arg1: i32, %arg2: memref<500000xi32, #tpu.memory_space<hbm>>, %arg3: memref<1048576xi32, #tpu.memory_space<hbm>>, %arg4: memref<500000x16xf32, #tpu.memory_space<hbm>>, %arg5: memref<500000x16xf32, #tpu.memory_space<hbm>>, %arg6: memref<2048xi32, #tpu.memory_space<vmem>>, %arg7: memref<2048xi32, #tpu.memory_space<vmem>>, %arg8: memref<2048x16xf32, #tpu.memory_space<vmem>>, %arg9: memref<!tpu.dma_semaphore, #tpu.memory_space<semaphore_mem>>) attributes {dimension_semantics = [#tpu.dimension_semantics<core_parallel>, #tpu.dimension_semantics<subcore_parallel>], iteration_bounds = array<i64: 2, 16>, scalar_prefetch = 0 : i64, scratch_operands = 4 : i64, tpu.core_type = #tpu.core_type<sc_vector_subcore>, window_params = [{transform_indices = #map}, {transform_indices = #map}, {transform_indices = #map1}, {transform_indices = #map1}]} {
    %mul3A = arith.constant 2 : i32
    %mul3A_0 = arith.muli %arg1, %mul3A : i32
    %add3A = arith.addi %mul3A_0, %arg0 : i32
    %mul3A_1 = arith.constant 15632 : i32
    %mul3A_2 = arith.muli %add3A, %mul3A_1 : i32
    %sub3A = arith.constant 500000 : i32
    %sub3A_3 = arith.subi %sub3A, %mul3A_2 : i32
    %min3A = arith.constant 15632 : i32
    %min3A_4 = arith.minsi %min3A, %sub3A_3 : i32
    %add3A_5 = arith.constant 2047 : i32
    %add3A_6 = arith.addi %min3A_4, %add3A_5 : i32
    %jit3A = arith.constant 2048 : i32
    %div3A = arith.divsi %add3A_6, %jit3A : i32
    %sign3A = arith.constant 0 : i32
    %sign3A_7 = arith.cmpi sgt, %add3A_6, %sign3A : i32
    %sign3A_8 = arith.extui %sign3A_7 : i1 to i32
    %sign3A_9 = arith.constant 0 : i32
    %sign3A_10 = arith.cmpi slt, %add3A_6, %sign3A_9 : i32
    %sign3A_11 = arith.extui %sign3A_10 : i1 to i32
    %sign3A_12 = arith.subi %sign3A_8, %sign3A_11 : i32
    %sign3A_13 = arith.constant 0 : i32
    %sign3A_14 = arith.cmpi sgt, %jit3A, %sign3A_13 : i32
    %sign3A_15 = arith.extui %sign3A_14 : i1 to i32
    %sign3A_16 = arith.constant 0 : i32
    %sign3A_17 = arith.cmpi slt, %jit3A, %sign3A_16 : i32
    %sign3A_18 = arith.extui %sign3A_17 : i1 to i32
    %sign3A_19 = arith.subi %sign3A_15, %sign3A_18 : i32
    %ne3A = arith.cmpi ne, %sign3A_12, %sign3A_19 : i32
    %rem3A = arith.remsi %add3A_6, %jit3A : i32
    %ne3A_20 = arith.constant 0 : i32
    %ne3A_21 = arith.cmpi ne, %rem3A, %ne3A_20 : i32
    %and3A = arith.andi %ne3A, %ne3A_21 : i1
    %sub3A_22 = arith.constant 1 : i32
    %sub3A_23 = arith.subi %div3A, %sub3A_22 : i32
    %select_n3A = arith.select %and3A, %sub3A_23, %div3A : i32
    %while3A = arith.constant 0 : i32
    %while3A_24 = arith.constant 0 : i32
    %while3A_25 = arith.subi %select_n3A, %while3A_24 : i32
    %while3A_26 = arith.addi %while3A_24, %while3A_25 : i32
    %while3A_27 = arith.constant 1 : i32
    %while3A_28 = arith.divsi %while3A_25, %while3A_27 : i32
    %while3A_29 = arith.muli %while3A_28, %while3A_27 : i32
    %while3A_30 = arith.addi %while3A_24, %while3A_29 : i32
    %while3A_31 = arith.constant 1 : i32
    scf.for %while3A_33 = %while3A_24 to %while3A_30 step %while3A_31  : i32 {
      %mul3A_34 = arith.constant 2048 : i32
      %mul3A_35 = arith.muli %while3A_33, %mul3A_34 : i32
      %sub3A_36 = arith.constant 2048 : i32
      %sub3A_37 = arith.subi %min3A_4, %sub3A_36 : i32
      %min3A_38 = arith.minsi %mul3A_35, %sub3A_37 : i32
      %add3A_39 = arith.addi %mul3A_2, %min3A_38 : i32
      "tpu.region"() ({
        %run_scoped3A = tpu.sem_alloc : memref<!tpu.dma_semaphore, #tpu.memory_space<semaphore_mem>>
        %dma_start3A_48 = tpu.memref_slice %arg2[%add3A_39] : memref<500000xi32, #tpu.memory_space<hbm>> -> memref<2048xi32, #tpu.memory_space<hbm>>
        %dma_start3A_49 = tpu.memref_slice %arg2[%add3A_39] : memref<500000xi32, #tpu.memory_space<hbm>> -> memref<2048xi32, #tpu.memory_space<hbm>>
        tpu.enqueue_dma source(%dma_start3A_49 : memref<2048xi32, #tpu.memory_space<hbm>>) target(%arg6 : memref<2048xi32, #tpu.memory_space<vmem>>) target_semaphore(%run_scoped3A : memref<!tpu.dma_semaphore, #tpu.memory_space<semaphore_mem>>)
        %dma_wait3A_50 = tpu.memref_slice %arg2[%add3A_39] : memref<500000xi32, #tpu.memory_space<hbm>> -> memref<2048xi32, #tpu.memory_space<hbm>>
        %dma_wait3A_51 = tpu.memref_slice %arg2[%add3A_39] : memref<500000xi32, #tpu.memory_space<hbm>> -> memref<2048xi32, #tpu.memory_space<hbm>>
        tpu.wait_dma2 semaphore(%run_scoped3A : memref<!tpu.dma_semaphore, #tpu.memory_space<semaphore_mem>>) src(%dma_wait3A_51 : memref<2048xi32, #tpu.memory_space<hbm>>) dst(%arg6 : memref<2048xi32, #tpu.memory_space<vmem>>)
        tpu.yield
      }) : () -> ()
      %dma_start3A = arith.constant 0 : i32
      %dma_start3A_40 = tpu.memref_slice %arg3[%dma_start3A] : memref<1048576xi32, #tpu.memory_space<hbm>> -> memref<1048576xi32, #tpu.memory_space<hbm>>
      tpu.enqueue_indirect_dma source(%dma_start3A_40 : memref<1048576xi32, #tpu.memory_space<hbm>>) target(%arg7 : memref<2048xi32, #tpu.memory_space<vmem>>) offsets(%arg6 : memref<2048xi32, #tpu.memory_space<vmem>>) semaphore(%arg9 : memref<!tpu.dma_semaphore, #tpu.memory_space<semaphore_mem>>)
      %dma_wait3A = arith.constant 0 : i32
      %dma_wait3A_41 = tpu.memref_slice %arg3[%dma_wait3A] : memref<1048576xi32, #tpu.memory_space<hbm>> -> memref<1048576xi32, #tpu.memory_space<hbm>>
      tpu.wait_indirect_dma semaphore(%arg9 : memref<!tpu.dma_semaphore, #tpu.memory_space<semaphore_mem>>) src(%dma_wait3A_41 : memref<1048576xi32, #tpu.memory_space<hbm>>) dst(%arg7 : memref<2048xi32, #tpu.memory_space<vmem>>)
      %dma_start3A_42 = arith.constant 0 : i32
      %dma_start3A_43 = arith.constant 0 : i32
      %dma_start3A_44 = tpu.memref_slice %arg4[%dma_start3A_42, %dma_start3A_43] : memref<500000x16xf32, #tpu.memory_space<hbm>> -> memref<500000x16xf32, #tpu.memory_space<hbm>>
      tpu.enqueue_indirect_dma source(%dma_start3A_44 : memref<500000x16xf32, #tpu.memory_space<hbm>>) target(%arg8 : memref<2048x16xf32, #tpu.memory_space<vmem>>) offsets(%arg7 : memref<2048xi32, #tpu.memory_space<vmem>>) semaphore(%arg9 : memref<!tpu.dma_semaphore, #tpu.memory_space<semaphore_mem>>)
      %dma_wait3A_45 = arith.constant 0 : i32
      %dma_wait3A_46 = arith.constant 0 : i32
      %dma_wait3A_47 = tpu.memref_slice %arg4[%dma_wait3A_45, %dma_wait3A_46] : memref<500000x16xf32, #tpu.memory_space<hbm>> -> memref<500000x16xf32, #tpu.memory_space<hbm>>
      tpu.wait_indirect_dma semaphore(%arg9 : memref<!tpu.dma_semaphore, #tpu.memory_space<semaphore_mem>>) src(%dma_wait3A_47 : memref<500000x16xf32, #tpu.memory_space<hbm>>) dst(%arg8 : memref<2048x16xf32, #tpu.memory_space<vmem>>)
      "tpu.region"() ({
        %run_scoped3A = tpu.sem_alloc : memref<!tpu.dma_semaphore, #tpu.memory_space<semaphore_mem>>
        %dma_start3A_48 = arith.constant 0 : i32
        %dma_start3A_49 = tpu.memref_slice %arg5[%add3A_39, %dma_start3A_48] : memref<500000x16xf32, #tpu.memory_space<hbm>> -> memref<2048x16xf32, #tpu.memory_space<hbm>>
        %dma_start3A_50 = arith.constant 0 : i32
        %dma_start3A_51 = tpu.memref_slice %arg5[%add3A_39, %dma_start3A_50] : memref<500000x16xf32, #tpu.memory_space<hbm>> -> memref<2048x16xf32, #tpu.memory_space<hbm>>
        tpu.enqueue_dma source(%arg8 : memref<2048x16xf32, #tpu.memory_space<vmem>>) target(%dma_start3A_51 : memref<2048x16xf32, #tpu.memory_space<hbm>>) target_semaphore(%run_scoped3A : memref<!tpu.dma_semaphore, #tpu.memory_space<semaphore_mem>>)
        %dma_wait3A_52 = arith.constant 0 : i32
        %dma_wait3A_53 = tpu.memref_slice %arg5[%add3A_39, %dma_wait3A_52] : memref<500000x16xf32, #tpu.memory_space<hbm>> -> memref<2048x16xf32, #tpu.memory_space<hbm>>
        %dma_wait3A_54 = arith.constant 0 : i32
        %dma_wait3A_55 = tpu.memref_slice %arg5[%add3A_39, %dma_wait3A_54] : memref<500000x16xf32, #tpu.memory_space<hbm>> -> memref<2048x16xf32, #tpu.memory_space<hbm>>
        tpu.wait_dma2 semaphore(%run_scoped3A : memref<!tpu.dma_semaphore, #tpu.memory_space<semaphore_mem>>) src(%arg8 : memref<2048x16xf32, #tpu.memory_space<vmem>>) dst(%dma_wait3A_55 : memref<2048x16xf32, #tpu.memory_space<hbm>>)
        tpu.yield
      }) : () -> ()
    }
    %while3A_32 = arith.constant 1 : i32
    scf.for %while3A_33 = %while3A_30 to %while3A_26 step %while3A_32  : i32 {
      %mul3A_34 = arith.constant 2048 : i32
      %mul3A_35 = arith.muli %while3A_33, %mul3A_34 : i32
      %sub3A_36 = arith.constant 2048 : i32
      %sub3A_37 = arith.subi %min3A_4, %sub3A_36 : i32
      %min3A_38 = arith.minsi %mul3A_35, %sub3A_37 : i32
      %add3A_39 = arith.addi %mul3A_2, %min3A_38 : i32
      "tpu.region"() ({
        %run_scoped3A = tpu.sem_alloc : memref<!tpu.dma_semaphore, #tpu.memory_space<semaphore_mem>>
        %dma_start3A_48 = tpu.memref_slice %arg2[%add3A_39] : memref<500000xi32, #tpu.memory_space<hbm>> -> memref<2048xi32, #tpu.memory_space<hbm>>
        %dma_start3A_49 = tpu.memref_slice %arg2[%add3A_39] : memref<500000xi32, #tpu.memory_space<hbm>> -> memref<2048xi32, #tpu.memory_space<hbm>>
        tpu.enqueue_dma source(%dma_start3A_49 : memref<2048xi32, #tpu.memory_space<hbm>>) target(%arg6 : memref<2048xi32, #tpu.memory_space<vmem>>) target_semaphore(%run_scoped3A : memref<!tpu.dma_semaphore, #tpu.memory_space<semaphore_mem>>)
        %dma_wait3A_50 = tpu.memref_slice %arg2[%add3A_39] : memref<500000xi32, #tpu.memory_space<hbm>> -> memref<2048xi32, #tpu.memory_space<hbm>>
        %dma_wait3A_51 = tpu.memref_slice %arg2[%add3A_39] : memref<500000xi32, #tpu.memory_space<hbm>> -> memref<2048xi32, #tpu.memory_space<hbm>>
        tpu.wait_dma2 semaphore(%run_scoped3A : memref<!tpu.dma_semaphore, #tpu.memory_space<semaphore_mem>>) src(%dma_wait3A_51 : memref<2048xi32, #tpu.memory_space<hbm>>) dst(%arg6 : memref<2048xi32, #tpu.memory_space<vmem>>)
        tpu.yield
      }) : () -> ()
      %dma_start3A = arith.constant 0 : i32
      %dma_start3A_40 = tpu.memref_slice %arg3[%dma_start3A] : memref<1048576xi32, #tpu.memory_space<hbm>> -> memref<1048576xi32, #tpu.memory_space<hbm>>
      tpu.enqueue_indirect_dma source(%dma_start3A_40 : memref<1048576xi32, #tpu.memory_space<hbm>>) target(%arg7 : memref<2048xi32, #tpu.memory_space<vmem>>) offsets(%arg6 : memref<2048xi32, #tpu.memory_space<vmem>>) semaphore(%arg9 : memref<!tpu.dma_semaphore, #tpu.memory_space<semaphore_mem>>)
      %dma_wait3A = arith.constant 0 : i32
      %dma_wait3A_41 = tpu.memref_slice %arg3[%dma_wait3A] : memref<1048576xi32, #tpu.memory_space<hbm>> -> memref<1048576xi32, #tpu.memory_space<hbm>>
      tpu.wait_indirect_dma semaphore(%arg9 : memref<!tpu.dma_semaphore, #tpu.memory_space<semaphore_mem>>) src(%dma_wait3A_41 : memref<1048576xi32, #tpu.memory_space<hbm>>) dst(%arg7 : memref<2048xi32, #tpu.memory_space<vmem>>)
      %dma_start3A_42 = arith.constant 0 : i32
      %dma_start3A_43 = arith.constant 0 : i32
      %dma_start3A_44 = tpu.memref_slice %arg4[%dma_start3A_42, %dma_start3A_43] : memref<500000x16xf32, #tpu.memory_space<hbm>> -> memref<500000x16xf32, #tpu.memory_space<hbm>>
      tpu.enqueue_indirect_dma source(%dma_start3A_44 : memref<500000x16xf32, #tpu.memory_space<hbm>>) target(%arg8 : memref<2048x16xf32, #tpu.memory_space<vmem>>) offsets(%arg7 : memref<2048xi32, #tpu.memory_space<vmem>>) semaphore(%arg9 : memref<!tpu.dma_semaphore, #tpu.memory_space<semaphore_mem>>)
      %dma_wait3A_45 = arith.constant 0 : i32
      %dma_wait3A_46 = arith.constant 0 : i32
      %dma_wait3A_47 = tpu.memref_slice %arg4[%dma_wait3A_45, %dma_wait3A_46] : memref<500000x16xf32, #tpu.memory_space<hbm>> -> memref<500000x16xf32, #tpu.memory_space<hbm>>
      tpu.wait_indirect_dma semaphore(%arg9 : memref<!tpu.dma_semaphore, #tpu.memory_space<semaphore_mem>>) src(%dma_wait3A_47 : memref<500000x16xf32, #tpu.memory_space<hbm>>) dst(%arg8 : memref<2048x16xf32, #tpu.memory_space<vmem>>)
      "tpu.region"() ({
        %run_scoped3A = tpu.sem_alloc : memref<!tpu.dma_semaphore, #tpu.memory_space<semaphore_mem>>
        %dma_start3A_48 = arith.constant 0 : i32
        %dma_start3A_49 = tpu.memref_slice %arg5[%add3A_39, %dma_start3A_48] : memref<500000x16xf32, #tpu.memory_space<hbm>> -> memref<2048x16xf32, #tpu.memory_space<hbm>>
        %dma_start3A_50 = arith.constant 0 : i32
        %dma_start3A_51 = tpu.memref_slice %arg5[%add3A_39, %dma_start3A_50] : memref<500000x16xf32, #tpu.memory_space<hbm>> -> memref<2048x16xf32, #tpu.memory_space<hbm>>
        tpu.enqueue_dma source(%arg8 : memref<2048x16xf32, #tpu.memory_space<vmem>>) target(%dma_start3A_51 : memref<2048x16xf32, #tpu.memory_space<hbm>>) target_semaphore(%run_scoped3A : memref<!tpu.dma_semaphore, #tpu.memory_space<semaphore_mem>>)
        %dma_wait3A_52 = arith.constant 0 : i32
        %dma_wait3A_53 = tpu.memref_slice %arg5[%add3A_39, %dma_wait3A_52] : memref<500000x16xf32, #tpu.memory_space<hbm>> -> memref<2048x16xf32, #tpu.memory_space<hbm>>
        %dma_wait3A_54 = arith.constant 0 : i32
        %dma_wait3A_55 = tpu.memref_slice %arg5[%add3A_39, %dma_wait3A_54] : memref<500000x16xf32, #tpu.memory_space<hbm>> -> memref<2048x16xf32, #tpu.memory_space<hbm>>
        tpu.wait_dma2 semaphore(%run_scoped3A : memref<!tpu.dma_semaphore, #tpu.memory_space<semaphore_mem>>) src(%arg8 : memref<2048x16xf32, #tpu.memory_space<vmem>>) dst(%dma_wait3A_55 : memref<2048x16xf32, #tpu.memory_space<hbm>>)
        tpu.yield
      }) : () -> ()
    }
    return
  }
}

#map = affine_map<(d0, d1) -> (0)>
module attributes {stable_mosaic.version = 14 : i64} {
  func.func @_build_k(%arg0: i32, %arg1: i32, %arg2: memref<1048576xi32, #tpu.memory_space<hbm>>, %arg3: memref<1048576xi32, #tpu.memory_space<hbm>>, %arg4: memref<1048576xi32, #tpu.memory_space<hbm>>, %arg5: memref<32768xi32, #tpu.memory_space<vmem>>, %arg6: memref<32768xi32, #tpu.memory_space<vmem>>, %arg7: memref<32768xi32, #tpu.memory_space<vmem>>, %arg8: memref<!tpu.dma_semaphore, #tpu.memory_space<semaphore_mem>>) attributes {dimension_semantics = [#tpu.dimension_semantics<core_parallel>, #tpu.dimension_semantics<subcore_parallel>], iteration_bounds = array<i64: 2, 16>, scalar_prefetch = 0 : i64, scratch_operands = 4 : i64, tpu.core_type = #tpu.core_type<sc_vector_subcore>, window_params = [{transform_indices = #map}, {transform_indices = #map}, {transform_indices = #map}]} {
    %mul3A = arith.constant 2 : i32
    %mul3A_0 = arith.muli %arg1, %mul3A : i32
    %add3A = arith.addi %mul3A_0, %arg0 : i32
    %mul3A_1 = arith.constant 32768 : i32
    %mul3A_2 = arith.muli %add3A, %mul3A_1 : i32
    %broadcast_in_dim3A = arith.constant 0 : i32
    %broadcast_in_dim3A_3 = vector.broadcast %broadcast_in_dim3A : i32 to vector<16xi32>
    %while3A = arith.constant 0 : i32
    %while3A_4 = arith.constant 0 : i32
    %while3A_5 = arith.constant 2048 : i32
    %while3A_6 = arith.subi %while3A_5, %while3A_4 : i32
    %while3A_7 = arith.addi %while3A_4, %while3A_6 : i32
    %while3A_8 = arith.constant 1 : i32
    %while3A_9 = arith.divsi %while3A_6, %while3A_8 : i32
    %while3A_10 = arith.muli %while3A_9, %while3A_8 : i32
    %while3A_11 = arith.addi %while3A_4, %while3A_10 : i32
    %while3A_12 = arith.constant 1 : i32
    scf.for %while3A_35 = %while3A_4 to %while3A_11 step %while3A_12  : i32 {
      %mul3A_36 = arith.constant 16 : i32
      %mul3A_37 = arith.muli %while3A_35, %mul3A_36 : i32
      %swap3A = arith.index_cast %mul3A_37 : i32 to index
      %swap3A_38 = tpu.vector_load %arg7[%swap3A] {strides = array<i32>} : memref<32768xi32, #tpu.memory_space<vmem>>, vector<16xi32>,
      tpu.vector_store %arg7[%swap3A], %broadcast_in_dim3A_3 {strides = array<i32>} : memref<32768xi32, #tpu.memory_space<vmem>>, vector<16xi32>,
    }
    %while3A_13 = arith.constant 1 : i32
    scf.for %while3A_35 = %while3A_11 to %while3A_7 step %while3A_13  : i32 {
      %mul3A_36 = arith.constant 16 : i32
      %mul3A_37 = arith.muli %while3A_35, %mul3A_36 : i32
      %swap3A = arith.index_cast %mul3A_37 : i32 to index
      %swap3A_38 = tpu.vector_load %arg7[%swap3A] {strides = array<i32>} : memref<32768xi32, #tpu.memory_space<vmem>>, vector<16xi32>,
      tpu.vector_store %arg7[%swap3A], %broadcast_in_dim3A_3 {strides = array<i32>} : memref<32768xi32, #tpu.memory_space<vmem>>, vector<16xi32>,
    }
    %mul3A_14 = arith.constant 32768 : i32
    %mul3A_15 = arith.muli %add3A, %mul3A_14 : i32
    %dma_start3A = tpu.memref_slice %arg2[%mul3A_15] : memref<1048576xi32, #tpu.memory_space<hbm>> -> memref<32768xi32, #tpu.memory_space<hbm>>
    %dma_start3A_16 = tpu.memref_slice %arg2[%mul3A_15] : memref<1048576xi32, #tpu.memory_space<hbm>> -> memref<32768xi32, #tpu.memory_space<hbm>>
    tpu.enqueue_dma source(%dma_start3A_16 : memref<32768xi32, #tpu.memory_space<hbm>>) target(%arg5 : memref<32768xi32, #tpu.memory_space<vmem>>) target_semaphore(%arg8 : memref<!tpu.dma_semaphore, #tpu.memory_space<semaphore_mem>>)
    %dma_start3A_17 = tpu.memref_slice %arg3[%mul3A_15] : memref<1048576xi32, #tpu.memory_space<hbm>> -> memref<32768xi32, #tpu.memory_space<hbm>>
    %dma_start3A_18 = tpu.memref_slice %arg3[%mul3A_15] : memref<1048576xi32, #tpu.memory_space<hbm>> -> memref<32768xi32, #tpu.memory_space<hbm>>
    tpu.enqueue_dma source(%dma_start3A_18 : memref<32768xi32, #tpu.memory_space<hbm>>) target(%arg6 : memref<32768xi32, #tpu.memory_space<vmem>>) target_semaphore(%arg8 : memref<!tpu.dma_semaphore, #tpu.memory_space<semaphore_mem>>)
    %dma_wait3A = tpu.memref_slice %arg2[%mul3A_15] : memref<1048576xi32, #tpu.memory_space<hbm>> -> memref<32768xi32, #tpu.memory_space<hbm>>
    %dma_wait3A_19 = tpu.memref_slice %arg2[%mul3A_15] : memref<1048576xi32, #tpu.memory_space<hbm>> -> memref<32768xi32, #tpu.memory_space<hbm>>
    tpu.wait_dma2 semaphore(%arg8 : memref<!tpu.dma_semaphore, #tpu.memory_space<semaphore_mem>>) src(%dma_wait3A_19 : memref<32768xi32, #tpu.memory_space<hbm>>) dst(%arg5 : memref<32768xi32, #tpu.memory_space<vmem>>)
    %dma_wait3A_20 = tpu.memref_slice %arg3[%mul3A_15] : memref<1048576xi32, #tpu.memory_space<hbm>> -> memref<32768xi32, #tpu.memory_space<hbm>>
    %dma_wait3A_21 = tpu.memref_slice %arg3[%mul3A_15] : memref<1048576xi32, #tpu.memory_space<hbm>> -> memref<32768xi32, #tpu.memory_space<hbm>>
    tpu.wait_dma2 semaphore(%arg8 : memref<!tpu.dma_semaphore, #tpu.memory_space<semaphore_mem>>) src(%dma_wait3A_21 : memref<32768xi32, #tpu.memory_space<hbm>>) dst(%arg6 : memref<32768xi32, #tpu.memory_space<vmem>>)
    %broadcast_in_dim3A_22 = arith.constant 32768 : i32
    %broadcast_in_dim3A_23 = vector.broadcast %broadcast_in_dim3A_22 : i32 to vector<16xi32>
    %while3A_24 = arith.constant 0 : i32
    %while3A_25 = arith.constant 0 : i32
    %while3A_26 = arith.constant 256 : i32
    %while3A_27 = arith.subi %while3A_26, %while3A_25 : i32
    %while3A_28 = arith.addi %while3A_25, %while3A_27 : i32
    %while3A_29 = arith.constant 1 : i32
    %while3A_30 = arith.divsi %while3A_27, %while3A_29 : i32
    %while3A_31 = arith.muli %while3A_30, %while3A_29 : i32
    %while3A_32 = arith.addi %while3A_25, %while3A_31 : i32
    %while3A_33 = arith.constant 1 : i32
    scf.for %while3A_35 = %while3A_25 to %while3A_32 step %while3A_33  : i32 {
      %mul3A_36 = arith.constant 128 : i32
      %mul3A_37 = arith.muli %while3A_35, %mul3A_36 : i32
      %add3A_38 = arith.constant 0 : i32
      %add3A_39 = arith.addi %mul3A_37, %add3A_38 : i32
      %get3A = arith.index_cast %add3A_39 : i32 to index
      %get3A_40 = tpu.vector_load %arg5[%get3A] {strides = array<i32>} : memref<32768xi32, #tpu.memory_space<vmem>>, vector<16xi32>,
      %sub3A = vector.broadcast %mul3A_2 : i32 to vector<16xi32>
      %sub3A_41 = arith.subi %get3A_40, %sub3A : vector<16xi32>
      %bitcast3A = vector.bitcast %sub3A_41 : vector<16xi32> to vector<16xi32>
      %lt3A = arith.cmpi ult, %bitcast3A, %broadcast_in_dim3A_23 : vector<16xi32>
      %jit3A = arith.constant 0 : i32
      %broadcast_in_dim3A_42 = vector.broadcast %jit3A : i32 to vector<16xi32>
      %select_n3A = arith.select %lt3A, %sub3A_41, %broadcast_in_dim3A_42 : vector<16xi1>, vector<16xi32>
      %get3A_43 = arith.index_cast %add3A_39 : i32 to index
      %get3A_44 = tpu.vector_load %arg6[%get3A_43] {strides = array<i32>} : memref<32768xi32, #tpu.memory_space<vmem>>, vector<16xi32>,
      tpu.vector_store_idx %arg7[%select_n3A], %get3A_44 masked %lt3A : memref<32768xi32, #tpu.memory_space<vmem>>[vector<16xi32>], vector<16xi32>, vector<16xi1>
      %add3A_45 = arith.constant 16 : i32
      %add3A_46 = arith.addi %mul3A_37, %add3A_45 : i32
      %get3A_47 = arith.index_cast %add3A_46 : i32 to index
      %get3A_48 = tpu.vector_load %arg5[%get3A_47] {strides = array<i32>} : memref<32768xi32, #tpu.memory_space<vmem>>, vector<16xi32>,
      %sub3A_49 = vector.broadcast %mul3A_2 : i32 to vector<16xi32>
      %sub3A_50 = arith.subi %get3A_48, %sub3A_49 : vector<16xi32>
      %bitcast3A_51 = vector.bitcast %sub3A_50 : vector<16xi32> to vector<16xi32>
      %lt3A_52 = arith.cmpi ult, %bitcast3A_51, %broadcast_in_dim3A_23 : vector<16xi32>
      %jit3A_53 = arith.constant 0 : i32
      %broadcast_in_dim3A_54 = vector.broadcast %jit3A_53 : i32 to vector<16xi32>
      %select_n3A_55 = arith.select %lt3A_52, %sub3A_50, %broadcast_in_dim3A_54 : vector<16xi1>, vector<16xi32>
      %get3A_56 = arith.index_cast %add3A_46 : i32 to index
      %get3A_57 = tpu.vector_load %arg6[%get3A_56] {strides = array<i32>} : memref<32768xi32, #tpu.memory_space<vmem>>, vector<16xi32>,
      tpu.vector_store_idx %arg7[%select_n3A_55], %get3A_57 masked %lt3A_52 : memref<32768xi32, #tpu.memory_space<vmem>>[vector<16xi32>], vector<16xi32>, vector<16xi1>
      %add3A_58 = arith.constant 32 : i32
      %add3A_59 = arith.addi %mul3A_37, %add3A_58 : i32
      %get3A_60 = arith.index_cast %add3A_59 : i32 to index
      %get3A_61 = tpu.vector_load %arg5[%get3A_60] {strides = array<i32>} : memref<32768xi32, #tpu.memory_space<vmem>>, vector<16xi32>,
      %sub3A_62 = vector.broadcast %mul3A_2 : i32 to vector<16xi32>
      %sub3A_63 = arith.subi %get3A_61, %sub3A_62 : vector<16xi32>
      %bitcast3A_64 = vector.bitcast %sub3A_63 : vector<16xi32> to vector<16xi32>
      %lt3A_65 = arith.cmpi ult, %bitcast3A_64, %broadcast_in_dim3A_23 : vector<16xi32>
      %jit3A_66 = arith.constant 0 : i32
      %broadcast_in_dim3A_67 = vector.broadcast %jit3A_66 : i32 to vector<16xi32>
      %select_n3A_68 = arith.select %lt3A_65, %sub3A_63, %broadcast_in_dim3A_67 : vector<16xi1>, vector<16xi32>
      %get3A_69 = arith.index_cast %add3A_59 : i32 to index
      %get3A_70 = tpu.vector_load %arg6[%get3A_69] {strides = array<i32>} : memref<32768xi32, #tpu.memory_space<vmem>>, vector<16xi32>,
      tpu.vector_store_idx %arg7[%select_n3A_68], %get3A_70 masked %lt3A_65 : memref<32768xi32, #tpu.memory_space<vmem>>[vector<16xi32>], vector<16xi32>, vector<16xi1>
      %add3A_71 = arith.constant 48 : i32
      %add3A_72 = arith.addi %mul3A_37, %add3A_71 : i32
      %get3A_73 = arith.index_cast %add3A_72 : i32 to index
      %get3A_74 = tpu.vector_load %arg5[%get3A_73] {strides = array<i32>} : memref<32768xi32, #tpu.memory_space<vmem>>, vector<16xi32>,
      %sub3A_75 = vector.broadcast %mul3A_2 : i32 to vector<16xi32>
      %sub3A_76 = arith.subi %get3A_74, %sub3A_75 : vector<16xi32>
      %bitcast3A_77 = vector.bitcast %sub3A_76 : vector<16xi32> to vector<16xi32>
      %lt3A_78 = arith.cmpi ult, %bitcast3A_77, %broadcast_in_dim3A_23 : vector<16xi32>
      %jit3A_79 = arith.constant 0 : i32
      %broadcast_in_dim3A_80 = vector.broadcast %jit3A_79 : i32 to vector<16xi32>
      %select_n3A_81 = arith.select %lt3A_78, %sub3A_76, %broadcast_in_dim3A_80 : vector<16xi1>, vector<16xi32>
      %get3A_82 = arith.index_cast %add3A_72 : i32 to index
      %get3A_83 = tpu.vector_load %arg6[%get3A_82] {strides = array<i32>} : memref<32768xi32, #tpu.memory_space<vmem>>, vector<16xi32>,
      tpu.vector_store_idx %arg7[%select_n3A_81], %get3A_83 masked %lt3A_78 : memref<32768xi32, #tpu.memory_space<vmem>>[vector<16xi32>], vector<16xi32>, vector<16xi1>
      %add3A_84 = arith.constant 64 : i32
      %add3A_85 = arith.addi %mul3A_37, %add3A_84 : i32
      %get3A_86 = arith.index_cast %add3A_85 : i32 to index
      %get3A_87 = tpu.vector_load %arg5[%get3A_86] {strides = array<i32>} : memref<32768xi32, #tpu.memory_space<vmem>>, vector<16xi32>,
      %sub3A_88 = vector.broadcast %mul3A_2 : i32 to vector<16xi32>
      %sub3A_89 = arith.subi %get3A_87, %sub3A_88 : vector<16xi32>
      %bitcast3A_90 = vector.bitcast %sub3A_89 : vector<16xi32> to vector<16xi32>
      %lt3A_91 = arith.cmpi ult, %bitcast3A_90, %broadcast_in_dim3A_23 : vector<16xi32>
      %jit3A_92 = arith.constant 0 : i32
      %broadcast_in_dim3A_93 = vector.broadcast %jit3A_92 : i32 to vector<16xi32>
      %select_n3A_94 = arith.select %lt3A_91, %sub3A_89, %broadcast_in_dim3A_93 : vector<16xi1>, vector<16xi32>
      %get3A_95 = arith.index_cast %add3A_85 : i32 to index
      %get3A_96 = tpu.vector_load %arg6[%get3A_95] {strides = array<i32>} : memref<32768xi32, #tpu.memory_space<vmem>>, vector<16xi32>,
      tpu.vector_store_idx %arg7[%select_n3A_94], %get3A_96 masked %lt3A_91 : memref<32768xi32, #tpu.memory_space<vmem>>[vector<16xi32>], vector<16xi32>, vector<16xi1>
      %add3A_97 = arith.constant 80 : i32
      %add3A_98 = arith.addi %mul3A_37, %add3A_97 : i32
      %get3A_99 = arith.index_cast %add3A_98 : i32 to index
      %get3A_100 = tpu.vector_load %arg5[%get3A_99] {strides = array<i32>} : memref<32768xi32, #tpu.memory_space<vmem>>, vector<16xi32>,
      %sub3A_101 = vector.broadcast %mul3A_2 : i32 to vector<16xi32>
      %sub3A_102 = arith.subi %get3A_100, %sub3A_101 : vector<16xi32>
      %bitcast3A_103 = vector.bitcast %sub3A_102 : vector<16xi32> to vector<16xi32>
      %lt3A_104 = arith.cmpi ult, %bitcast3A_103, %broadcast_in_dim3A_23 : vector<16xi32>
      %jit3A_105 = arith.constant 0 : i32
      %broadcast_in_dim3A_106 = vector.broadcast %jit3A_105 : i32 to vector<16xi32>
      %select_n3A_107 = arith.select %lt3A_104, %sub3A_102, %broadcast_in_dim3A_106 : vector<16xi1>, vector<16xi32>
      %get3A_108 = arith.index_cast %add3A_98 : i32 to index
      %get3A_109 = tpu.vector_load %arg6[%get3A_108] {strides = array<i32>} : memref<32768xi32, #tpu.memory_space<vmem>>, vector<16xi32>,
      tpu.vector_store_idx %arg7[%select_n3A_107], %get3A_109 masked %lt3A_104 : memref<32768xi32, #tpu.memory_space<vmem>>[vector<16xi32>], vector<16xi32>, vector<16xi1>
      %add3A_110 = arith.constant 96 : i32
      %add3A_111 = arith.addi %mul3A_37, %add3A_110 : i32
      %get3A_112 = arith.index_cast %add3A_111 : i32 to index
      %get3A_113 = tpu.vector_load %arg5[%get3A_112] {strides = array<i32>} : memref<32768xi32, #tpu.memory_space<vmem>>, vector<16xi32>,
      %sub3A_114 = vector.broadcast %mul3A_2 : i32 to vector<16xi32>
      %sub3A_115 = arith.subi %get3A_113, %sub3A_114 : vector<16xi32>
      %bitcast3A_116 = vector.bitcast %sub3A_115 : vector<16xi32> to vector<16xi32>
      %lt3A_117 = arith.cmpi ult, %bitcast3A_116, %broadcast_in_dim3A_23 : vector<16xi32>
      %jit3A_118 = arith.constant 0 : i32
      %broadcast_in_dim3A_119 = vector.broadcast %jit3A_118 : i32 to vector<16xi32>
      %select_n3A_120 = arith.select %lt3A_117, %sub3A_115, %broadcast_in_dim3A_119 : vector<16xi1>, vector<16xi32>
      %get3A_121 = arith.index_cast %add3A_111 : i32 to index
      %get3A_122 = tpu.vector_load %arg6[%get3A_121] {strides = array<i32>} : memref<32768xi32, #tpu.memory_space<vmem>>, vector<16xi32>,
      tpu.vector_store_idx %arg7[%select_n3A_120], %get3A_122 masked %lt3A_117 : memref<32768xi32, #tpu.memory_space<vmem>>[vector<16xi32>], vector<16xi32>, vector<16xi1>
      %add3A_123 = arith.constant 112 : i32
      %add3A_124 = arith.addi %mul3A_37, %add3A_123 : i32
      %get3A_125 = arith.index_cast %add3A_124 : i32 to index
      %get3A_126 = tpu.vector_load %arg5[%get3A_125] {strides = array<i32>} : memref<32768xi32, #tpu.memory_space<vmem>>, vector<16xi32>,
      %sub3A_127 = vector.broadcast %mul3A_2 : i32 to vector<16xi32>
      %sub3A_128 = arith.subi %get3A_126, %sub3A_127 : vector<16xi32>
      %bitcast3A_129 = vector.bitcast %sub3A_128 : vector<16xi32> to vector<16xi32>
      %lt3A_130 = arith.cmpi ult, %bitcast3A_129, %broadcast_in_dim3A_23 : vector<16xi32>
      %jit3A_131 = arith.constant 0 : i32
      %broadcast_in_dim3A_132 = vector.broadcast %jit3A_131 : i32 to vector<16xi32>
      %select_n3A_133 = arith.select %lt3A_130, %sub3A_128, %broadcast_in_dim3A_132 : vector<16xi1>, vector<16xi32>
      %get3A_134 = arith.index_cast %add3A_124 : i32 to index
      %get3A_135 = tpu.vector_load %arg6[%get3A_134] {strides = array<i32>} : memref<32768xi32, #tpu.memory_space<vmem>>, vector<16xi32>,
      tpu.vector_store_idx %arg7[%select_n3A_133], %get3A_135 masked %lt3A_130 : memref<32768xi32, #tpu.memory_space<vmem>>[vector<16xi32>], vector<16xi32>, vector<16xi1>
    }
    %while3A_34 = arith.constant 1 : i32
    scf.for %while3A_35 = %while3A_32 to %while3A_28 step %while3A_34  : i32 {
      %mul3A_36 = arith.constant 128 : i32
      %mul3A_37 = arith.muli %while3A_35, %mul3A_36 : i32
      %add3A_38 = arith.constant 0 : i32
      %add3A_39 = arith.addi %mul3A_37, %add3A_38 : i32
      %get3A = arith.index_cast %add3A_39 : i32 to index
      %get3A_40 = tpu.vector_load %arg5[%get3A] {strides = array<i32>} : memref<32768xi32, #tpu.memory_space<vmem>>, vector<16xi32>,
      %sub3A = vector.broadcast %mul3A_2 : i32 to vector<16xi32>
      %sub3A_41 = arith.subi %get3A_40, %sub3A : vector<16xi32>
      %bitcast3A = vector.bitcast %sub3A_41 : vector<16xi32> to vector<16xi32>
      %lt3A = arith.cmpi ult, %bitcast3A, %broadcast_in_dim3A_23 : vector<16xi32>
      %jit3A = arith.constant 0 : i32
      %broadcast_in_dim3A_42 = vector.broadcast %jit3A : i32 to vector<16xi32>
      %select_n3A = arith.select %lt3A, %sub3A_41, %broadcast_in_dim3A_42 : vector<16xi1>, vector<16xi32>
      %get3A_43 = arith.index_cast %add3A_39 : i32 to index
      %get3A_44 = tpu.vector_load %arg6[%get3A_43] {strides = array<i32>} : memref<32768xi32, #tpu.memory_space<vmem>>, vector<16xi32>,
      tpu.vector_store_idx %arg7[%select_n3A], %get3A_44 masked %lt3A : memref<32768xi32, #tpu.memory_space<vmem>>[vector<16xi32>], vector<16xi32>, vector<16xi1>
      %add3A_45 = arith.constant 16 : i32
      %add3A_46 = arith.addi %mul3A_37, %add3A_45 : i32
      %get3A_47 = arith.index_cast %add3A_46 : i32 to index
      %get3A_48 = tpu.vector_load %arg5[%get3A_47] {strides = array<i32>} : memref<32768xi32, #tpu.memory_space<vmem>>, vector<16xi32>,
      %sub3A_49 = vector.broadcast %mul3A_2 : i32 to vector<16xi32>
      %sub3A_50 = arith.subi %get3A_48, %sub3A_49 : vector<16xi32>
      %bitcast3A_51 = vector.bitcast %sub3A_50 : vector<16xi32> to vector<16xi32>
      %lt3A_52 = arith.cmpi ult, %bitcast3A_51, %broadcast_in_dim3A_23 : vector<16xi32>
      %jit3A_53 = arith.constant 0 : i32
      %broadcast_in_dim3A_54 = vector.broadcast %jit3A_53 : i32 to vector<16xi32>
      %select_n3A_55 = arith.select %lt3A_52, %sub3A_50, %broadcast_in_dim3A_54 : vector<16xi1>, vector<16xi32>
      %get3A_56 = arith.index_cast %add3A_46 : i32 to index
      %get3A_57 = tpu.vector_load %arg6[%get3A_56] {strides = array<i32>} : memref<32768xi32, #tpu.memory_space<vmem>>, vector<16xi32>,
      tpu.vector_store_idx %arg7[%select_n3A_55], %get3A_57 masked %lt3A_52 : memref<32768xi32, #tpu.memory_space<vmem>>[vector<16xi32>], vector<16xi32>, vector<16xi1>
      %add3A_58 = arith.constant 32 : i32
      %add3A_59 = arith.addi %mul3A_37, %add3A_58 : i32
      %get3A_60 = arith.index_cast %add3A_59 : i32 to index
      %get3A_61 = tpu.vector_load %arg5[%get3A_60] {strides = array<i32>} : memref<32768xi32, #tpu.memory_space<vmem>>, vector<16xi32>,
      %sub3A_62 = vector.broadcast %mul3A_2 : i32 to vector<16xi32>
      %sub3A_63 = arith.subi %get3A_61, %sub3A_62 : vector<16xi32>
      %bitcast3A_64 = vector.bitcast %sub3A_63 : vector<16xi32> to vector<16xi32>
      %lt3A_65 = arith.cmpi ult, %bitcast3A_64, %broadcast_in_dim3A_23 : vector<16xi32>
      %jit3A_66 = arith.constant 0 : i32
      %broadcast_in_dim3A_67 = vector.broadcast %jit3A_66 : i32 to vector<16xi32>
      %select_n3A_68 = arith.select %lt3A_65, %sub3A_63, %broadcast_in_dim3A_67 : vector<16xi1>, vector<16xi32>
      %get3A_69 = arith.index_cast %add3A_59 : i32 to index
      %get3A_70 = tpu.vector_load %arg6[%get3A_69] {strides = array<i32>} : memref<32768xi32, #tpu.memory_space<vmem>>, vector<16xi32>,
      tpu.vector_store_idx %arg7[%select_n3A_68], %get3A_70 masked %lt3A_65 : memref<32768xi32, #tpu.memory_space<vmem>>[vector<16xi32>], vector<16xi32>, vector<16xi1>
      %add3A_71 = arith.constant 48 : i32
      %add3A_72 = arith.addi %mul3A_37, %add3A_71 : i32
      %get3A_73 = arith.index_cast %add3A_72 : i32 to index
      %get3A_74 = tpu.vector_load %arg5[%get3A_73] {strides = array<i32>} : memref<32768xi32, #tpu.memory_space<vmem>>, vector<16xi32>,
      %sub3A_75 = vector.broadcast %mul3A_2 : i32 to vector<16xi32>
      %sub3A_76 = arith.subi %get3A_74, %sub3A_75 : vector<16xi32>
      %bitcast3A_77 = vector.bitcast %sub3A_76 : vector<16xi32> to vector<16xi32>
      %lt3A_78 = arith.cmpi ult, %bitcast3A_77, %broadcast_in_dim3A_23 : vector<16xi32>
      %jit3A_79 = arith.constant 0 : i32
      %broadcast_in_dim3A_80 = vector.broadcast %jit3A_79 : i32 to vector<16xi32>
      %select_n3A_81 = arith.select %lt3A_78, %sub3A_76, %broadcast_in_dim3A_80 : vector<16xi1>, vector<16xi32>
      %get3A_82 = arith.index_cast %add3A_72 : i32 to index
      %get3A_83 = tpu.vector_load %arg6[%get3A_82] {strides = array<i32>} : memref<32768xi32, #tpu.memory_space<vmem>>, vector<16xi32>,
      tpu.vector_store_idx %arg7[%select_n3A_81], %get3A_83 masked %lt3A_78 : memref<32768xi32, #tpu.memory_space<vmem>>[vector<16xi32>], vector<16xi32>, vector<16xi1>
      %add3A_84 = arith.constant 64 : i32
      %add3A_85 = arith.addi %mul3A_37, %add3A_84 : i32
      %get3A_86 = arith.index_cast %add3A_85 : i32 to index
      %get3A_87 = tpu.vector_load %arg5[%get3A_86] {strides = array<i32>} : memref<32768xi32, #tpu.memory_space<vmem>>, vector<16xi32>,
      %sub3A_88 = vector.broadcast %mul3A_2 : i32 to vector<16xi32>
      %sub3A_89 = arith.subi %get3A_87, %sub3A_88 : vector<16xi32>
      %bitcast3A_90 = vector.bitcast %sub3A_89 : vector<16xi32> to vector<16xi32>
      %lt3A_91 = arith.cmpi ult, %bitcast3A_90, %broadcast_in_dim3A_23 : vector<16xi32>
      %jit3A_92 = arith.constant 0 : i32
      %broadcast_in_dim3A_93 = vector.broadcast %jit3A_92 : i32 to vector<16xi32>
      %select_n3A_94 = arith.select %lt3A_91, %sub3A_89, %broadcast_in_dim3A_93 : vector<16xi1>, vector<16xi32>
      %get3A_95 = arith.index_cast %add3A_85 : i32 to index
      %get3A_96 = tpu.vector_load %arg6[%get3A_95] {strides = array<i32>} : memref<32768xi32, #tpu.memory_space<vmem>>, vector<16xi32>,
      tpu.vector_store_idx %arg7[%select_n3A_94], %get3A_96 masked %lt3A_91 : memref<32768xi32, #tpu.memory_space<vmem>>[vector<16xi32>], vector<16xi32>, vector<16xi1>
      %add3A_97 = arith.constant 80 : i32
      %add3A_98 = arith.addi %mul3A_37, %add3A_97 : i32
      %get3A_99 = arith.index_cast %add3A_98 : i32 to index
      %get3A_100 = tpu.vector_load %arg5[%get3A_99] {strides = array<i32>} : memref<32768xi32, #tpu.memory_space<vmem>>, vector<16xi32>,
      %sub3A_101 = vector.broadcast %mul3A_2 : i32 to vector<16xi32>
      %sub3A_102 = arith.subi %get3A_100, %sub3A_101 : vector<16xi32>
      %bitcast3A_103 = vector.bitcast %sub3A_102 : vector<16xi32> to vector<16xi32>
      %lt3A_104 = arith.cmpi ult, %bitcast3A_103, %broadcast_in_dim3A_23 : vector<16xi32>
      %jit3A_105 = arith.constant 0 : i32
      %broadcast_in_dim3A_106 = vector.broadcast %jit3A_105 : i32 to vector<16xi32>
      %select_n3A_107 = arith.select %lt3A_104, %sub3A_102, %broadcast_in_dim3A_106 : vector<16xi1>, vector<16xi32>
      %get3A_108 = arith.index_cast %add3A_98 : i32 to index
      %get3A_109 = tpu.vector_load %arg6[%get3A_108] {strides = array<i32>} : memref<32768xi32, #tpu.memory_space<vmem>>, vector<16xi32>,
      tpu.vector_store_idx %arg7[%select_n3A_107], %get3A_109 masked %lt3A_104 : memref<32768xi32, #tpu.memory_space<vmem>>[vector<16xi32>], vector<16xi32>, vector<16xi1>
      %add3A_110 = arith.constant 96 : i32
      %add3A_111 = arith.addi %mul3A_37, %add3A_110 : i32
      %get3A_112 = arith.index_cast %add3A_111 : i32 to index
      %get3A_113 = tpu.vector_load %arg5[%get3A_112] {strides = array<i32>} : memref<32768xi32, #tpu.memory_space<vmem>>, vector<16xi32>,
      %sub3A_114 = vector.broadcast %mul3A_2 : i32 to vector<16xi32>
      %sub3A_115 = arith.subi %get3A_113, %sub3A_114 : vector<16xi32>
      %bitcast3A_116 = vector.bitcast %sub3A_115 : vector<16xi32> to vector<16xi32>
      %lt3A_117 = arith.cmpi ult, %bitcast3A_116, %broadcast_in_dim3A_23 : vector<16xi32>
      %jit3A_118 = arith.constant 0 : i32
      %broadcast_in_dim3A_119 = vector.broadcast %jit3A_118 : i32 to vector<16xi32>
      %select_n3A_120 = arith.select %lt3A_117, %sub3A_115, %broadcast_in_dim3A_119 : vector<16xi1>, vector<16xi32>
      %get3A_121 = arith.index_cast %add3A_111 : i32 to index
      %get3A_122 = tpu.vector_load %arg6[%get3A_121] {strides = array<i32>} : memref<32768xi32, #tpu.memory_space<vmem>>, vector<16xi32>,
      tpu.vector_store_idx %arg7[%select_n3A_120], %get3A_122 masked %lt3A_117 : memref<32768xi32, #tpu.memory_space<vmem>>[vector<16xi32>], vector<16xi32>, vector<16xi1>
      %add3A_123 = arith.constant 112 : i32
      %add3A_124 = arith.addi %mul3A_37, %add3A_123 : i32
      %get3A_125 = arith.index_cast %add3A_124 : i32 to index
      %get3A_126 = tpu.vector_load %arg5[%get3A_125] {strides = array<i32>} : memref<32768xi32, #tpu.memory_space<vmem>>, vector<16xi32>,
      %sub3A_127 = vector.broadcast %mul3A_2 : i32 to vector<16xi32>
      %sub3A_128 = arith.subi %get3A_126, %sub3A_127 : vector<16xi32>
      %bitcast3A_129 = vector.bitcast %sub3A_128 : vector<16xi32> to vector<16xi32>
      %lt3A_130 = arith.cmpi ult, %bitcast3A_129, %broadcast_in_dim3A_23 : vector<16xi32>
      %jit3A_131 = arith.constant 0 : i32
      %broadcast_in_dim3A_132 = vector.broadcast %jit3A_131 : i32 to vector<16xi32>
      %select_n3A_133 = arith.select %lt3A_130, %sub3A_128, %broadcast_in_dim3A_132 : vector<16xi1>, vector<16xi32>
      %get3A_134 = arith.index_cast %add3A_124 : i32 to index
      %get3A_135 = tpu.vector_load %arg6[%get3A_134] {strides = array<i32>} : memref<32768xi32, #tpu.memory_space<vmem>>, vector<16xi32>,
      tpu.vector_store_idx %arg7[%select_n3A_133], %get3A_135 masked %lt3A_130 : memref<32768xi32, #tpu.memory_space<vmem>>[vector<16xi32>], vector<16xi32>, vector<16xi1>
    }
    "tpu.region"() ({
      %run_scoped3A = tpu.sem_alloc : memref<!tpu.dma_semaphore, #tpu.memory_space<semaphore_mem>>
      %dma_start3A_35 = tpu.memref_slice %arg4[%mul3A_2] : memref<1048576xi32, #tpu.memory_space<hbm>> -> memref<32768xi32, #tpu.memory_space<hbm>>
      %dma_start3A_36 = tpu.memref_slice %arg4[%mul3A_2] : memref<1048576xi32, #tpu.memory_space<hbm>> -> memref<32768xi32, #tpu.memory_space<hbm>>
      tpu.enqueue_dma source(%arg7 : memref<32768xi32, #tpu.memory_space<vmem>>) target(%dma_start3A_36 : memref<32768xi32, #tpu.memory_space<hbm>>) target_semaphore(%run_scoped3A : memref<!tpu.dma_semaphore, #tpu.memory_space<semaphore_mem>>)
      %dma_wait3A_37 = tpu.memref_slice %arg4[%mul3A_2] : memref<1048576xi32, #tpu.memory_space<hbm>> -> memref<32768xi32, #tpu.memory_space<hbm>>
      %dma_wait3A_38 = tpu.memref_slice %arg4[%mul3A_2] : memref<1048576xi32, #tpu.memory_space<hbm>> -> memref<32768xi32, #tpu.memory_space<hbm>>
      tpu.wait_dma2 semaphore(%run_scoped3A : memref<!tpu.dma_semaphore, #tpu.memory_space<semaphore_mem>>) src(%arg7 : memref<32768xi32, #tpu.memory_space<vmem>>) dst(%dma_wait3A_38 : memref<32768xi32, #tpu.memory_space<hbm>>)
      tpu.yield
    }) : () -> ()
    return
  }
}

</mosaic_0001>

<sc_bundles>
// kernel: kernel.11.cloned.1.call-start
scs
__scs_entry_jumppad:
0x0: {  	(pc) =	sbr.rel $0x88, $3  }
0x1: {  	(tag) =	ssettag $0x0;
	lr =	simm.s32 $0x1  }
0x2: {  	[smem:$0x3F9F] =	sst lr;
	_ =	strace $0xD0000000  }
0x3: {  	_ = 	snop  }
0x4: {  	_ = 	snop  }
0x5: {  	_ = 	snop  }
0x6: {  	_ = 	snop  }
0x7: {  	_ = 	snop  }
__scs_overlays_trampoline_lowered:
0x8: {  	[smem:$0x3FAE] =	sst s0  }
0x9: {  	[smem:$0x3FAF] =	sst s1  }
0xa: {  	[smem:$0x3FB0] =	sst s2  }
0xb: {  	[smem:$0x3FB1] =	sst s3  }
0xc: {  	[smem:$0x3FB2] =	sst s4  }
0xd: {  	[smem:$0x3FB3] =	sst s5  }
0xe: {  	[smem:$0x3FB4] =	sst s6  }
0xf: {  	[smem:$0x3FB5] =	sst s7  }
0x10: {  	[smem:$0x3FB6] =	sst s8  }
0x11: {  	[smem:$0x3FB7] =	sst s9;
	s0 =	simm.s32 @!p0 $0x0  }
0x12: {  	s1 =	sld [smem:$0x3F9D];
	s0 =	simm.s32 @p0 $0x1  }
0x13: {  	[smem:$0x3FB8] =	sst s0;
	s0 =	simm.s32 @!p1 $0x0  }
0x14: {  	s2 =	sld [smem:$0x3F9C];
	s0 =	simm.s32 @p1 $0x1  }
0x15: {  	[smem:$0x3FB9] =	sst s0;
	s0 =	simm.s32 @!p2 $0x0  }
0x16: {  	s3 =	sld [smem:$0x3FDB];
	s0 =	simm.s32 @p2 $0x1  }
0x17: {  	s4 =	simm.s32 $0x1BF5;
	[smem:$0x3FBB] =	sst s0  }
0x18: {  	s0 =	sld [smem:$0x3F9E];
	_ =	swait.ge [sflag:s4], $0x0  }
0x19: {  	s7 =	sld [smem:$0x3F9F]  }
0x1a: {  	s8 =	sadd.s32 $0xFFFFE003, lr  }
0x1b: {  	s9 =	sadd.s32 $0xFFFFFEF7, lr;
	s5 =	simm.s32 $0xFFFFFFFF;
	p2 =	slt.u32 s8, $0xFFFFF086  }
0x1c: {  	p1 =	slt.u32 s9, $0xF7A;
	s5 =	simm.s32 @!p2 $0x0  }
0x1d: {  	s5 =	simm.s32 @p1 $0x1;
	p0 =	seq.s32 s7, s2  }
0x1e: {  	s7 =	smul.u32 @!p0 $0xF7A, s2;
	p2 =	seq.s32 @!p0 s5, $0x0  }
0x1f: {  	s9 =	smul.u32 $0xF7A, s1;
	s8 =	simm.s32 @!p0 $0x1BF5;
	p2 =	por !p2, p0  }
0x20: {  	[sflag:s8] =	ssyncset.s32 @!p0 $0xFFFFF086;
	s6 =	sadd.s32 @!p0 s3, s7;
	s7 =	simm.s32 @!p0 $0x108  }
0x21: {  	s3 =	sadd.s32 s3, s9;
	s6 =	sadd.s32 @!p0 $0x88, s6;
	s7 =	simm.s32 @p2 $0x1082  }
0x22: {  	[simem:s7], [sflag:s8] =	dma.local @!p0 [hbm:s6], $0xF7A  }
0x23: {  	s9 =	sor.u32 $0xD0000000, s2;
	s6 =	simm.s32 $0x108;
	_ =	swait.ge @!p0 [sflag:s8], $0x0  }
0x24: {  	s3 =	sadd.s32 $0x88, s3;
	s6 =	simm.s32 @!p1 $0x1082;
	[sflag:s4] =	ssyncset.s32 $0xFFFFF086  }
0x25: {  	[simem:s6], [sflag:s4] =	dma.local [hbm:s3], $0xF7A  }
0x26: {  	[smem:$0x3F9F] =	sst s1;
	(tag) =	ssettag s2;
	_ =	strace s9  }
0x27: {  	s1 =	sld [smem:$0x3FAF]  }
0x28: {  	s2 =	sld [smem:$0x3FB0]  }
0x29: {  	s4 =	sld [smem:$0x3FB2]  }
0x2a: {  	p0 =	seq.s32 s5, $0x0;
	s5 =	sld [smem:$0x3FB3]  }
0x2b: {  	s6 =	sld [smem:$0x3FB4]  }
0x2c: {  	s7 =	sld [smem:$0x3FB5]  }
0x2d: {  	s3 =	simm.s32 $0x108;
	s8 =	sld [smem:$0x3FB6]  }
0x2e: {  	s3 =	simm.s32 @!p0 $0x1082;
	s9 =	sld [smem:$0x3FB7]  }
0x2f: {  	lr =	sadd.s32 s0, s3;
	s0 =	sld [smem:$0x3FAE]  }
0x30: {  	s3 =	sld [smem:$0x3FB1]  }
0x31: {  	[smem:$0x3FBA] =	sst s10  }
0x32: {  	s10 =	sld [smem:$0x3FB8];
	_ =	sdelay $0x3  }
0x33: {  	p0 =	seq.s32 s10, $0x1;
	s10 =	sld [smem:$0x3FBA];
	_ =	sdelay $0x3  }
0x34: {  	[smem:$0x3FBA] =	sst s10  }
0x35: {  	s10 =	sld [smem:$0x3FB9];
	_ =	sdelay $0x3  }
0x36: {  	p1 =	seq.s32 s10, $0x1;
	s10 =	sld [smem:$0x3FBA];
	_ =	sdelay $0x3  }
0x37: {  	[smem:$0x3FBA] =	sst s10  }
0x38: {  	s10 =	sld [smem:$0x3FBB]  }
0x39: {  	_ = 	snop;
	(pc) =	sbr.ind lr, $3  }
0x3a: {  	_ = 	snop  }
0x3b: {  	_ = 	snop  }
0x3c: {  	p2 =	seq.s32 s10, $0x1;
	s10 =	sld [smem:$0x3FBA]  }
0x3d: {  	_ =	shalt  }
0x3e: {  	_ =	shalt  }
0x3f: {  	_ =	shalt  }
0x40: {  	_ =	shalt  }
0x41: {  	_ =	shalt  }
0x42: {  	_ =	shalt  }
0x43: {  	_ =	shalt  }
0x44: {  	_ =	shalt  }
0x45: {  	_ =	shalt  }
0x46: {  	_ =	shalt  }
0x47: {  	_ =	shalt  }
0x48: {  	_ =	shalt  }
0x49: {  	_ =	shalt  }
0x4a: {  	_ =	shalt  }
0x4b: {  	_ =	shalt  }
0x4c: {  	_ =	shalt  }
0x4d: {  	_ =	shalt  }
0x4e: {  	_ =	shalt  }
0x4f: {  	_ =	shalt  }
0x50: {  	_ =	shalt  }
0x51: {  	_ =	shalt  }
0x52: {  	_ =	shalt  }
0x53: {  	_ =	shalt  }
0x54: {  	_ =	shalt  }
0x55: {  	_ =	shalt  }
0x56: {  	_ =	shalt  }
0x57: {  	_ =	shalt  }
0x58: {  	_ =	shalt  }
0x59: {  	_ =	shalt  }
0x5a: {  	_ =	shalt  }
0x5b: {  	_ =	shalt  }
0x5c: {  	_ =	shalt  }
0x5d: {  	_ =	shalt  }
0x5e: {  	_ =	shalt  }
0x5f: {  	_ =	shalt  }
0x60: {  	_ =	shalt  }
0x61: {  	_ =	shalt  }
0x62: {  	_ =	shalt  }
0x63: {  	_ =	shalt  }
0x64: {  	_ =	shalt  }
0x65: {  	_ =	shalt  }
0x66: {  	_ =	shalt  }
0x67: {  	_ =	shalt  }
0x68: {  	_ =	shalt  }
0x69: {  	_ =	shalt  }
0x6a: {  	_ =	shalt  }
0x6b: {  	_ =	shalt  }
0x6c: {  	_ =	shalt  }
0x6d: {  	_ =	shalt  }
0x6e: {  	_ =	shalt  }
0x6f: {  	_ =	shalt  }
0x70: {  	_ =	shalt  }
0x71: {  	_ =	shalt  }
0x72: {  	_ =	shalt  }
0x73: {  	_ =	shalt  }
0x74: {  	_ =	shalt  }
0x75: {  	_ =	shalt  }
0x76: {  	_ =	shalt  }
0x77: {  	_ =	shalt  }
0x78: {  	_ =	shalt  }
0x79: {  	_ =	shalt  }
0x7a: {  	_ =	shalt  }
0x7b: {  	_ =	shalt  }
0x7c: {  	_ =	shalt  }
0x7d: {  	_ =	shalt  }
0x7e: {  	_ =	shalt  }
0x7f: {  	_ =	shalt  }
0x80: {  	_ =	shalt  }
0x81: {  	_ =	shalt  }
0x82: {  	_ =	shalt  }
0x83: {  	_ =	shalt  }
0x84: {  	_ =	shalt  }
0x85: {  	_ =	shalt  }
0x86: {  	_ =	shalt  }
0x87: {  	_ =	shalt  }
.Lfunc_end0:
.L_simem_size_0:
called_computation.2_lowered:
.L_overlay_start_0:
0x88: {  	s2 =	sld [smem:$0x3FD9]  }
0x89: {  	s3 =	sld [smem:$0x3FFE];
	_ =	sdelay $0x1  }
0x8a: {  	s1 =	srdreg.scid  }
0x8b: {  	s0 =	sand.u32 $0x1, s1  }
0x8c: {  	s17 =	sshll.u32 s0, $0xA;
	s2 =	sadd.s32 s3, s2  }
0x8d: {  	s2 =	sadd.s32 s2, s17  }
0x8e: {  	[smem:$0x3FC6] =	sst s2  }
0x8f: {  	_ = 	snop  }
0x90: {  	s2 =	sld [smem:$0x3FD0];
	(tm) =	ssettm $0x1  }
0x91: {  	s18 =	sld [smem:$0x3FFB];
	_ =	sdelay $0x3  }
0x92: {  	_ =	strace s18  }
0x93: {  	s3 =	sld [smem:$0x3FFC];
	_ =	sdelay $0x3  }
0x94: {  	_ =	strace s3  }
0x95: {  	s3 =	sld [smem:$0x3FFD];
	_ =	sdelay $0x3  }
0x96: {  	_ =	strace s3  }
0x97: {  	_ =	strace $0x8FFFFFFF  }
0x98: {  	s19 =	sld [smem:$0x3FDB];
	_ =	sdelay $0x1  }
0x99: {  	s4 =	simm.s32 $_scs_section_size  }
0x9a: {  	s5 =	simm.s32 $_size__tile_overlayer_lowered;
	s6 =	simm.s32 $_tile_overlayer_lowered  }
0x9b: {  	s22 =	simm.s32 $0x1BFF;
	s21 =	sshll.u32 s6, $0x1;
	s3 =	sadd.s32 s4, s19  }
0x9c: {  	s7 =	simm.s32 $0x0;
	s20 =	sshll.u32 s5, $0x1;
	s5 =	sadd.s32 s21, s3  }
0x9d: {  	[timem:s7], [sflag:s22] =	dma.local [hbm:s5], s20  }
0x9e: {  	_ =	swait.ge [sflag:s22], s20  }
0x9f: {  	s4 =	ssub.s32 $0x0, s20;
	[sflag:s22] =	ssyncset.done $0x0  }
0xa0: {  	[sflag:s22] =	ssyncadd.s32 s4;
	_ =	sdelay $0x1  }
0xa1: {  	s23 =	simm.s32 $0x1B8B  }
0xa2: {  	_ =	swait.ge [sflag:s23], $0x1  }
0xa3: {  	[sflag:s23] =	ssyncset.done $0x0  }
0xa4: {  	s25 =	simm.s32 $0x1B8E;
	s24 =	sld [smem:$0x3FFE];
	[sflag:s23] =	ssyncadd.s32 $0xFFFFFFFF  }
0xa5: {  	s26 =	simm.s32 $execute0_lowered;
	[smem:$0x3FD2] =	sst s25  }
0xa6: {  	s5 =	sshll.u32 s26, $0x1;
	_ =	strace $0x8000004C;
	[dreg:$0x1] =	wrdreg $0xFFFFFFFF  }
0xa7: {  	s28 =	simm.s32 $_size_execute0_lowered;
	s3 =	sadd.s32 s3, s5;
	[dreg:$0x0] =	wrdreg $0x0  }
0xa8: {  	s5 =	sshll.u32 s28, $0x1;
	[dreg:$0x2] =	wrdreg s3  }
0xa9: {  	[dreg:$0x3] =	wrdreg s5  }
0xaa: {  	[dreg:$0x4] =	wrdreg $0xC0  }
0xab: {  	_ =	task [dreg:s7], $0x5FFFF  }
0xac: {  	[dreg:$0x1] =	wrdreg $0xFFFFFFFF  }
0xad: {  	[dreg:$0x0] =	wrdreg $0x60  }
0xae: {  	[dreg:$0x2] =	wrdreg s24  }
0xaf: {  	[dreg:$0x3] =	wrdreg s2  }
0xb0: {  	[dreg:$0x4] =	wrdreg $0x9  }
0xb1: {  	_ =	task.clear_ibuf [dreg:s7], $0x5FFFF;
	_ =	strace $0x9000004C  }
0xb2: {  	s29 =	simm.s32 $0x9;
	_ =	strace $0x8000004E  }
0xb3: {  	_ =	swait.ge [sflag:s29], $0x1  }
0xb4: {  	[sflag:s29] =	ssyncadd.s32 $0xFFFFFFFF  }
0xb5: {  	_ =	strace $0x9000004E  }
0xb6: {  	_ =	sfence  }
0xb7: {  	s30 =	sld [smem:$0x0];
	_ =	sdelay $0x2  }
0xb8: {  	s31 =	sshll.u32 s1, $0xD;
	s1 =	sshrl.u32 s1, $0x2  }
0xb9: {  	s3 =	sand.u32 $0x4000, s31;
	s1 =	sadd.s32 s1, s30  }
0xba: {  	s0 =	sor.u32 s3, s0;
	s1 =	sshll.u32 s1, $0x11  }
0xbb: {  	s0 =	sor.u32 s1, s0  }
0xbc: {  	s0 =	sadd.s32 $0x8F2B, s0  }
0xbd: {  	[sflag:s0] =	ssyncadd.remote.s32 $0x1  }
0xbe: {  	_ =	sfence.sel $0xFFFF  }
0xbf: {  	[dreg:$0x0] =	wrdreg $0xFFFFFFFF;
	(pc) =	sbr.abs _section_cstart, $3  }
0xc0: {  	[dreg:$0x1] =	wrdreg $0xFFFFFFFF  }
0xc1: {  	_ =	task.clear_ibuf [dreg:s7], $0x2FFFF;
	_ =	strace $0x9FFFFFFF  }
0xc2: {  	(tm) =	ssettm $0x7FFFFFFF  }
0xc3: {  	_ =	shalt  }
tec
execute0_lowered:
.L_overlay_start_1:
0x0: {  	(tag) =	ssettag $0x1  }
0x1: {  	s1 =	srdreg.scid  }
0x2: {  	s0 =	stileid.u32;
	s5 =	rddreg [dreg:$0x0]  }
0x3: {  	s2 =	rddreg [dreg:$0x1];
	s7 =	sand.u32 $0x1, s1;
	s25 =	sshll.u32 s0, $0x1  }
0x4: {  	s3 =	simm.s32 $0x0;
	s12 =	smul.u32 $0xF440, s0;
	s1 =	sor.u32 s7, s25  }
0x5: {  	[smem:$0x7FF] =	sst s3;
	s6 =	smul.u32 $0x3D10, s1  }
0x6: {  	s9 =	sadd.s32 $0x43000, s5;
	s10 =	sadd.s32 $0x72600, s5;
	s28 =	smul.u32 $0x7A20, s0  }
0x7: {  	s26 =	ssub.s32 $0x2, s7;
	s13 =	smul.u32 $0x3D10, s7;
	s4 =	ssub.s32 $0x7A120, s6  }
0x8: {  	s14 =	smul.u32 $0x7A20, s7;
	s1 =	rddreg [dreg:$0x2];
	s8 =	smin.u32 s4, $0x3D10  }
0x9: {  	_ =	strace $0x8000004D;
	s11 =	sshrl.u32 s26, $0x1;
	s8 =	sadd.s32 $0xFFFFF800, s8  }
0xa: {  	s30 =	sadd.s32 s12, s10;
	s12 =	simm.s32 $0x1;
	p0 =	slt.s32 s8, $0x3800  }
0xb: {  	s4 =	sadd.s32 $0x52600, s5;
	s5 =	ssub.s32 s26, s11;
	s8 =	simm.s32 @!p0 $0x3800  }
0xc: {  	s11 =	sadd.s32 s13, s28;
	s13 =	simm.s32 $0x1000;
	s8 =	sadd.s32 s6, s8  }
0xd: {  	s5 =	smax.u32 s5, $0x1;
	s31 =	sshrl.u32 s11, $0x3;
	s6 =	sshrl.u32 s8, $0x3  }
0xe: {  	s11 =	simm.s32 $0x800;
	s8 =	sshll.u32 s8, $0x1;
	s6 =	sadd.s32 s9, s6  }
0xf: {  	s29 =	sand.u32 $0x1FFFFFFE, s8;
	s8 =	sadd.s32 s14, s30;
	s9 =	sadd.s32 s31, s9  }
0x10: {  	s14 =	simm.s32 $0x0;
	s7 =	sadd.s32 s10, s29;
	s10 =	simm.s32 $0x2  }
.LBB2_1:
0x11: {  	s15 =	sadd.s32 $0x0, s9  }
0x12: {  	[tilespmem:s3], [sflag:$0x2] =	stream.linear.gather [hbm4b:s15+s3], $0x800, $0x38;
	[tilespmem:$0x9000] =	vst v63  }
0x13: {  	_ =	swait.ge [sflag:s10], $0x800  }
0x14: {  	[sflag:s10] =	ssyncset.done $0x0  }
0x15: {  	[sflag:s10] =	ssyncadd.s32 $0xFFFFF800  }
0x16: {  	[tilespmem:s11], [sflag:$0x1] =	stream.indirect.gather [hbm4b:s4+s11], $0x1, s3, s11, $0xb8;
	[tilespmem:$0x9000] =	vst v63  }
0x17: {  	_ =	swait.ge [sflag:s12], $0x800  }
0x18: {  	[sflag:s12] =	ssyncset.done $0x0  }
0x19: {  	[sflag:s12] =	ssyncadd.s32 $0xFFFFF800  }
0x1a: {  	[tilespmem:s13], [sflag:$0x1] =	stream.indirect.gather [hbm4b:s2+s11], $0x10, s11, s11, $0xb8;
	[tilespmem:$0x9000] =	vst v63  }
0x1b: {  	_ =	swait.ge [sflag:s12], $0x8000  }
0x1c: {  	[sflag:s12] =	ssyncset.done $0x0  }
0x1d: {  	[sflag:s12] =	ssyncadd.s32 $0xFFFF8000  }
0x1e: {  	[hbm4b:s8+s3] =	stream.linear.scatter [tilespmem:s13], [sflag:$0x2], $0x8000, $0x38;
	[tilespmem:$0x9000] =	vst v63  }
0x1f: {  	s16 =	simm.s32 $0x100;
	_ =	swait.ge [sflag:s10], $0x8000  }
0x20: {  	s17 =	simm.s32 $0x200;
	s15 =	sadd.s32 $0x1000, s8;
	[sflag:s10] =	ssyncset.done $0x0  }
.LBB2_2:
0x21: {  	s18 =	sadd.s32 s16, s9  }
0x22: {  	[sflag:s10] =	ssyncadd.s32 $0xFFFF8000;
	s16 =	smov.u32 s17;
	s19 =	sadd.s32 $0x100, s17  }
0x23: {  	[tilespmem:s3], [sflag:$0x2] =	stream.linear.gather [hbm4b:s18+s3], $0x800, $0x38;
	[tilespmem:$0x9000] =	vst v63  }
0x24: {  	p0 =	sne.s32 s17, $0x600;
	_ =	swait.ge [sflag:s10], $0x800  }
0x25: {  	[sflag:s10] =	ssyncset.done $0x0  }
0x26: {  	[sflag:s10] =	ssyncadd.s32 $0xFFFFF800  }
0x27: {  	[tilespmem:s11], [sflag:$0x1] =	stream.indirect.gather [hbm4b:s4+s11], $0x1, s3, s11, $0xb8;
	[tilespmem:$0x9000] =	vst v63  }
0x28: {  	_ =	swait.ge [sflag:s12], $0x800  }
0x29: {  	[sflag:s12] =	ssyncset.done $0x0  }
0x2a: {  	[sflag:s12] =	ssyncadd.s32 $0xFFFFF800  }
0x2b: {  	[tilespmem:s13], [sflag:$0x1] =	stream.indirect.gather [hbm4b:s2+s11], $0x10, s11, s11, $0xb8;
	[tilespmem:$0x9000] =	vst v63  }
0x2c: {  	_ =	swait.ge [sflag:s12], $0x8000  }
.Ltmp0:
0x2d: {  	[sflag:s12] =	ssyncset.done $0x0;
	(pc) =	sbr.rel @p0 .LBB2_2-.Ltmp0, $4  }
0x2e: {  	[sflag:s12] =	ssyncadd.s32 $0xFFFF8000  }
0x2f: {  	[hbm4b:s15+s3] =	stream.linear.scatter [tilespmem:s13], [sflag:$0x2], $0x8000, $0x38;
	[tilespmem:$0x9000] =	vst v63  }
0x30: {  	_ =	swait.ge [sflag:s10], $0x8000  }
0x31: {  	s17 =	smov.u32 s19;
	s15 =	sadd.s32 $0x1000, s15;
	[sflag:s10] =	ssyncset.done $0x0  }
0x32: {  	s16 =	sadd.s32 s16, s9;
	[sflag:s10] =	ssyncadd.s32 $0xFFFF8000  }
0x33: {  	[tilespmem:s3], [sflag:$0x2] =	stream.linear.gather [hbm4b:s16+s3], $0x800, $0x38;
	[tilespmem:$0x9000] =	vst v63  }
0x34: {  	_ =	swait.ge [sflag:s10], $0x800  }
0x35: {  	[sflag:s10] =	ssyncset.done $0x0  }
0x36: {  	[sflag:s10] =	ssyncadd.s32 $0xFFFFF800  }
0x37: {  	[tilespmem:s11], [sflag:$0x1] =	stream.indirect.gather [hbm4b:s4+s11], $0x1, s3, s11, $0xb8;
	[tilespmem:$0x9000] =	vst v63  }
0x38: {  	_ =	swait.ge [sflag:s12], $0x800  }
0x39: {  	[sflag:s12] =	ssyncset.done $0x0  }
0x3a: {  	[sflag:s12] =	ssyncadd.s32 $0xFFFFF800  }
0x3b: {  	[tilespmem:s13], [sflag:$0x1] =	stream.indirect.gather [hbm4b:s2+s11], $0x10, s11, s11, $0xb8;
	[tilespmem:$0x9000] =	vst v63  }
0x3c: {  	_ =	swait.ge [sflag:s12], $0x8000  }
0x3d: {  	[sflag:s12] =	ssyncset.done $0x0  }
0x3e: {  	[sflag:s12] =	ssyncadd.s32 $0xFFFF8000  }
0x3f: {  	[hbm4b:s15+s3] =	stream.linear.scatter [tilespmem:s13], [sflag:$0x2], $0x8000, $0x38;
	[tilespmem:$0x9000] =	vst v63  }
0x40: {  	_ =	swait.ge [sflag:s10], $0x8000  }
0x41: {  	[sflag:s10] =	ssyncset.done $0x0  }
0x42: {  	[sflag:s10] =	ssyncadd.s32 $0xFFFF8000  }
0x43: {  	[tilespmem:s3], [sflag:$0x2] =	stream.linear.gather [hbm4b:s6+s3], $0x800, $0x38;
	[tilespmem:$0x9000] =	vst v63  }
0x44: {  	_ =	swait.ge [sflag:s10], $0x800  }
0x45: {  	[sflag:s10] =	ssyncset.done $0x0  }
0x46: {  	[sflag:s10] =	ssyncadd.s32 $0xFFFFF800  }
0x47: {  	[tilespmem:s11], [sflag:$0x1] =	stream.indirect.gather [hbm4b:s4+s11], $0x1, s3, s11, $0xb8;
	[tilespmem:$0x9000] =	vst v63  }
0x48: {  	_ =	swait.ge [sflag:s12], $0x800  }
0x49: {  	[sflag:s12] =	ssyncset.done $0x0  }
0x4a: {  	[sflag:s12] =	ssyncadd.s32 $0xFFFFF800  }
0x4b: {  	[tilespmem:s13], [sflag:$0x1] =	stream.indirect.gather [hbm4b:s2+s11], $0x10, s11, s11, $0xb8;
	[tilespmem:$0x9000] =	vst v63  }
0x4c: {  	s14 =	sadd.s32 $0x1, s14;
	_ =	swait.ge [sflag:s12], $0x8000  }
0x4d: {  	p0 =	sne.s32 s14, s5;
	[sflag:s12] =	ssyncset.done $0x0  }
.Ltmp1:
0x4e: {  	[sflag:s12] =	ssyncadd.s32 $0xFFFF8000;
	(pc) =	sbr.rel @p0 .LBB2_1-.Ltmp1, $4  }
0x4f: {  	[hbm4b:s7+s3] =	stream.linear.scatter [tilespmem:s13], [sflag:$0x2], $0x8000, $0x38;
	[tilespmem:$0x9000] =	vst v63  }
0x50: {  	_ =	swait.ge [sflag:s10], $0x8000  }
0x51: {  	[sflag:s10] =	ssyncset.done $0x0  }
0x52: {  	[sflag:s10] =	ssyncadd.s32 $0xFFFF8000  }
0x53: {  	_ =	sfence.sel $0x180000  }
0x54: {  	[bflag:$0x0] =	sbarrier.arrive $0xFFFF  }
0x55: {  	p0 =	sne.s32 s0, $0x0;
	_ =	strace $0x9000004D  }
0x56: {  	s0 =	sadd.s32 @!p0 $0x100000, s1;
	[bflag:$0x2] =	sbarrier.arrive $0xFFFF  }
0x57: {  	[sflag:s0] =	ssyncadd.tile.s32 @!p0 $0x1;
	_ =	shalt  }
.Lfunc_end2:
_tile_overlayer_lowered:
.L_overlay_start_2:
0x58: {  	(tag) =	ssettag $0x2  }
0x59: {  	s0 =	rddreg [dreg:$0x0];
	s2 =	stileid.u32  }
0x5a: {  	s1 =	rddreg [dreg:$0x1];
	p0 =	sne.s32 s2, $0x0  }
0x5b: {  	s3 =	rddreg [dreg:$0x2];
	[bflag:$0x3] =	sbarrier.arrive $0xFFFF;
	s2 =	simm.s32 @!p0 $0x1C02  }
0x5c: {  	[timem:s3], [sflag:s2] =	dma.local @!p0 [hbm:s0], s1  }
0x5d: {  	s0 =	simm.s32 @!p0 $0x2  }
0x5e: {  	_ =	swait.ge @!p0 [sflag:s0], s1  }
0x5f: {  	s1 =	ssub.s32 @!p0 $0x0, s1;
	[sflag:s0] =	ssyncset.done @!p0 $0x0  }
0x60: {  	[sflag:s0] =	ssyncadd.s32 @!p0 s1  }
0x61: {  	[bflag:$0x3] =	sbarrier.arrive $0xFFFF  }
0x62: {  	_ =	shalt  }

// kernel: kernel.5.cloned.1.call-start
scs
__scs_entry_jumppad:
0x0: {  	(pc) =	sbr.rel $0x88, $3  }
0x1: {  	(tag) =	ssettag $0x0;
	lr =	simm.s32 $0x1  }
0x2: {  	[smem:$0x3F9F] =	sst lr;
	_ =	strace $0xD0000000  }
0x3: {  	_ = 	snop  }
0x4: {  	_ = 	snop  }
0x5: {  	_ = 	snop  }
0x6: {  	_ = 	snop  }
0x7: {  	_ = 	snop  }
__scs_overlays_trampoline_lowered:
0x8: {  	[smem:$0x3FAE] =	sst s0  }
0x9: {  	[smem:$0x3FAF] =	sst s1  }
0xa: {  	[smem:$0x3FB0] =	sst s2  }
0xb: {  	[smem:$0x3FB1] =	sst s3  }
0xc: {  	[smem:$0x3FB2] =	sst s4  }
0xd: {  	[smem:$0x3FB3] =	sst s5  }
0xe: {  	[smem:$0x3FB4] =	sst s6  }
0xf: {  	[smem:$0x3FB5] =	sst s7  }
0x10: {  	[smem:$0x3FB6] =	sst s8  }
0x11: {  	[smem:$0x3FB7] =	sst s9;
	s0 =	simm.s32 @!p0 $0x0  }
0x12: {  	s1 =	sld [smem:$0x3F9D];
	s0 =	simm.s32 @p0 $0x1  }
0x13: {  	[smem:$0x3FB8] =	sst s0;
	s0 =	simm.s32 @!p1 $0x0  }
0x14: {  	s2 =	sld [smem:$0x3F9C];
	s0 =	simm.s32 @p1 $0x1  }
0x15: {  	[smem:$0x3FB9] =	sst s0;
	s0 =	simm.s32 @!p2 $0x0  }
0x16: {  	s3 =	sld [smem:$0x3FDB];
	s0 =	simm.s32 @p2 $0x1  }
0x17: {  	s4 =	simm.s32 $0x1BF5;
	[smem:$0x3FBB] =	sst s0  }
0x18: {  	s0 =	sld [smem:$0x3F9E];
	_ =	swait.ge [sflag:s4], $0x0  }
0x19: {  	s7 =	sld [smem:$0x3F9F]  }
0x1a: {  	s8 =	sadd.s32 $0xFFFFE003, lr  }
0x1b: {  	s9 =	sadd.s32 $0xFFFFFEF7, lr;
	s5 =	simm.s32 $0xFFFFFFFF;
	p2 =	slt.u32 s8, $0xFFFFF086  }
0x1c: {  	p1 =	slt.u32 s9, $0xF7A;
	s5 =	simm.s32 @!p2 $0x0  }
0x1d: {  	s5 =	simm.s32 @p1 $0x1;
	p0 =	seq.s32 s7, s2  }
0x1e: {  	s7 =	smul.u32 @!p0 $0xF7A, s2;
	p2 =	seq.s32 @!p0 s5, $0x0  }
0x1f: {  	s9 =	smul.u32 $0xF7A, s1;
	s8 =	simm.s32 @!p0 $0x1BF5;
	p2 =	por !p2, p0  }
0x20: {  	[sflag:s8] =	ssyncset.s32 @!p0 $0xFFFFF086;
	s6 =	sadd.s32 @!p0 s3, s7;
	s7 =	simm.s32 @!p0 $0x108  }
0x21: {  	s3 =	sadd.s32 s3, s9;
	s6 =	sadd.s32 @!p0 $0x88, s6;
	s7 =	simm.s32 @p2 $0x1082  }
0x22: {  	[simem:s7], [sflag:s8] =	dma.local @!p0 [hbm:s6], $0xF7A  }
0x23: {  	s9 =	sor.u32 $0xD0000000, s2;
	s6 =	simm.s32 $0x108;
	_ =	swait.ge @!p0 [sflag:s8], $0x0  }
0x24: {  	s3 =	sadd.s32 $0x88, s3;
	s6 =	simm.s32 @!p1 $0x1082;
	[sflag:s4] =	ssyncset.s32 $0xFFFFF086  }
0x25: {  	[simem:s6], [sflag:s4] =	dma.local [hbm:s3], $0xF7A  }
0x26: {  	[smem:$0x3F9F] =	sst s1;
	(tag) =	ssettag s2;
	_ =	strace s9  }
0x27: {  	s1 =	sld [smem:$0x3FAF]  }
0x28: {  	s2 =	sld [smem:$0x3FB0]  }
0x29: {  	s4 =	sld [smem:$0x3FB2]  }
0x2a: {  	p0 =	seq.s32 s5, $0x0;
	s5 =	sld [smem:$0x3FB3]  }
0x2b: {  	s6 =	sld [smem:$0x3FB4]  }
0x2c: {  	s7 =	sld [smem:$0x3FB5]  }
0x2d: {  	s3 =	simm.s32 $0x108;
	s8 =	sld [smem:$0x3FB6]  }
0x2e: {  	s3 =	simm.s32 @!p0 $0x1082;
	s9 =	sld [smem:$0x3FB7]  }
0x2f: {  	lr =	sadd.s32 s0, s3;
	s0 =	sld [smem:$0x3FAE]  }
0x30: {  	s3 =	sld [smem:$0x3FB1]  }
0x31: {  	[smem:$0x3FBA] =	sst s10  }
0x32: {  	s10 =	sld [smem:$0x3FB8];
	_ =	sdelay $0x3  }
0x33: {  	p0 =	seq.s32 s10, $0x1;
	s10 =	sld [smem:$0x3FBA];
	_ =	sdelay $0x3  }
0x34: {  	[smem:$0x3FBA] =	sst s10  }
0x35: {  	s10 =	sld [smem:$0x3FB9];
	_ =	sdelay $0x3  }
0x36: {  	p1 =	seq.s32 s10, $0x1;
	s10 =	sld [smem:$0x3FBA];
	_ =	sdelay $0x3  }
0x37: {  	[smem:$0x3FBA] =	sst s10  }
0x38: {  	s10 =	sld [smem:$0x3FBB]  }
0x39: {  	_ = 	snop;
	(pc) =	sbr.ind lr, $3  }
0x3a: {  	_ = 	snop  }
0x3b: {  	_ = 	snop  }
0x3c: {  	p2 =	seq.s32 s10, $0x1;
	s10 =	sld [smem:$0x3FBA]  }
0x3d: {  	_ =	shalt  }
0x3e: {  	_ =	shalt  }
0x3f: {  	_ =	shalt  }
0x40: {  	_ =	shalt  }
0x41: {  	_ =	shalt  }
0x42: {  	_ =	shalt  }
0x43: {  	_ =	shalt  }
0x44: {  	_ =	shalt  }
0x45: {  	_ =	shalt  }
0x46: {  	_ =	shalt  }
0x47: {  	_ =	shalt  }
0x48: {  	_ =	shalt  }
0x49: {  	_ =	shalt  }
0x4a: {  	_ =	shalt  }
0x4b: {  	_ =	shalt  }
0x4c: {  	_ =	shalt  }
0x4d: {  	_ =	shalt  }
0x4e: {  	_ =	shalt  }
0x4f: {  	_ =	shalt  }
0x50: {  	_ =	shalt  }
0x51: {  	_ =	shalt  }
0x52: {  	_ =	shalt  }
0x53: {  	_ =	shalt  }
0x54: {  	_ =	shalt  }
0x55: {  	_ =	shalt  }
0x56: {  	_ =	shalt  }
0x57: {  	_ =	shalt  }
0x58: {  	_ =	shalt  }
0x59: {  	_ =	shalt  }
0x5a: {  	_ =	shalt  }
0x5b: {  	_ =	shalt  }
0x5c: {  	_ =	shalt  }
0x5d: {  	_ =	shalt  }
0x5e: {  	_ =	shalt  }
0x5f: {  	_ =	shalt  }
0x60: {  	_ =	shalt  }
0x61: {  	_ =	shalt  }
0x62: {  	_ =	shalt  }
0x63: {  	_ =	shalt  }
0x64: {  	_ =	shalt  }
0x65: {  	_ =	shalt  }
0x66: {  	_ =	shalt  }
0x67: {  	_ =	shalt  }
0x68: {  	_ =	shalt  }
0x69: {  	_ =	shalt  }
0x6a: {  	_ =	shalt  }
0x6b: {  	_ =	shalt  }
0x6c: {  	_ =	shalt  }
0x6d: {  	_ =	shalt  }
0x6e: {  	_ =	shalt  }
0x6f: {  	_ =	shalt  }
0x70: {  	_ =	shalt  }
0x71: {  	_ =	shalt  }
0x72: {  	_ =	shalt  }
0x73: {  	_ =	shalt  }
0x74: {  	_ =	shalt  }
0x75: {  	_ =	shalt  }
0x76: {  	_ =	shalt  }
0x77: {  	_ =	shalt  }
0x78: {  	_ =	shalt  }
0x79: {  	_ =	shalt  }
0x7a: {  	_ =	shalt  }
0x7b: {  	_ =	shalt  }
0x7c: {  	_ =	shalt  }
0x7d: {  	_ =	shalt  }
0x7e: {  	_ =	shalt  }
0x7f: {  	_ =	shalt  }
0x80: {  	_ =	shalt  }
0x81: {  	_ =	shalt  }
0x82: {  	_ =	shalt  }
0x83: {  	_ =	shalt  }
0x84: {  	_ =	shalt  }
0x85: {  	_ =	shalt  }
0x86: {  	_ =	shalt  }
0x87: {  	_ =	shalt  }
.Lfunc_end0:
.L_simem_size_0:
called_computation_lowered:
.L_overlay_start_0:
0x88: {  	s2 =	sld [smem:$0x3FD9]  }
0x89: {  	s3 =	sld [smem:$0x3FFE];
	_ =	sdelay $0x1  }
0x8a: {  	s1 =	srdreg.scid  }
0x8b: {  	s0 =	sand.u32 $0x1, s1  }
0x8c: {  	s17 =	sshll.u32 s0, $0xA;
	s2 =	sadd.s32 s3, s2  }
0x8d: {  	s2 =	sadd.s32 s2, s17  }
0x8e: {  	[smem:$0x3FC6] =	sst s2  }
0x8f: {  	_ = 	snop  }
0x90: {  	s2 =	sld [smem:$0x3FD0];
	(tm) =	ssettm $0x1  }
0x91: {  	s18 =	sld [smem:$0x3FFB];
	_ =	sdelay $0x3  }
0x92: {  	_ =	strace s18  }
0x93: {  	s3 =	sld [smem:$0x3FFC];
	_ =	sdelay $0x3  }
0x94: {  	_ =	strace s3  }
0x95: {  	s3 =	sld [smem:$0x3FFD];
	_ =	sdelay $0x3  }
0x96: {  	_ =	strace s3  }
0x97: {  	_ =	strace $0x8FFFFFFF  }
0x98: {  	s19 =	sld [smem:$0x3FDB];
	_ =	sdelay $0x1  }
0x99: {  	s4 =	simm.s32 $_scs_section_size  }
0x9a: {  	s5 =	simm.s32 $_size__tile_overlayer_lowered;
	s6 =	simm.s32 $_tile_overlayer_lowered  }
0x9b: {  	s22 =	simm.s32 $0x1BFF;
	s21 =	sshll.u32 s6, $0x1;
	s3 =	sadd.s32 s4, s19  }
0x9c: {  	s7 =	simm.s32 $0x0;
	s20 =	sshll.u32 s5, $0x1;
	s5 =	sadd.s32 s21, s3  }
0x9d: {  	[timem:s7], [sflag:s22] =	dma.local [hbm:s5], s20  }
0x9e: {  	_ =	swait.ge [sflag:s22], s20  }
0x9f: {  	s4 =	ssub.s32 $0x0, s20;
	[sflag:s22] =	ssyncset.done $0x0  }
0xa0: {  	[sflag:s22] =	ssyncadd.s32 s4;
	_ =	sdelay $0x1  }
0xa1: {  	s23 =	simm.s32 $0x1B8B  }
0xa2: {  	_ =	swait.ge [sflag:s23], $0x1  }
0xa3: {  	[sflag:s23] =	ssyncset.done $0x0  }
0xa4: {  	s25 =	simm.s32 $0x1B8E;
	s24 =	sld [smem:$0x3FFE];
	[sflag:s23] =	ssyncadd.s32 $0xFFFFFFFF  }
0xa5: {  	s26 =	simm.s32 $execute0_lowered;
	[smem:$0x3FD2] =	sst s25  }
0xa6: {  	s5 =	sshll.u32 s26, $0x1;
	_ =	strace $0x80000046;
	[dreg:$0x1] =	wrdreg $0xFFFFFFFF  }
0xa7: {  	s28 =	simm.s32 $_size_execute0_lowered;
	s3 =	sadd.s32 s3, s5;
	[dreg:$0x0] =	wrdreg $0x0  }
0xa8: {  	s5 =	sshll.u32 s28, $0x1;
	[dreg:$0x2] =	wrdreg s3  }
0xa9: {  	[dreg:$0x3] =	wrdreg s5  }
0xaa: {  	[dreg:$0x4] =	wrdreg $0xC0  }
0xab: {  	_ =	task [dreg:s7], $0x5FFFF  }
0xac: {  	[dreg:$0x1] =	wrdreg $0xFFFFFFFF  }
0xad: {  	[dreg:$0x0] =	wrdreg $0x60  }
0xae: {  	[dreg:$0x2] =	wrdreg s2  }
0xaf: {  	[dreg:$0x3] =	wrdreg s24  }
0xb0: {  	[dreg:$0x4] =	wrdreg $0x9  }
0xb1: {  	_ =	task.clear_ibuf [dreg:s7], $0x5FFFF;
	_ =	strace $0x90000046  }
0xb2: {  	s29 =	simm.s32 $0x9;
	_ =	strace $0x80000048  }
0xb3: {  	_ =	swait.ge [sflag:s29], $0x1  }
0xb4: {  	[sflag:s29] =	ssyncadd.s32 $0xFFFFFFFF  }
0xb5: {  	_ =	strace $0x90000048  }
0xb6: {  	_ =	sfence  }
0xb7: {  	s30 =	sld [smem:$0x0];
	_ =	sdelay $0x2  }
0xb8: {  	s31 =	sshll.u32 s1, $0xD;
	s1 =	sshrl.u32 s1, $0x2  }
0xb9: {  	s3 =	sand.u32 $0x4000, s31;
	s1 =	sadd.s32 s1, s30  }
0xba: {  	s0 =	sor.u32 s3, s0;
	s1 =	sshll.u32 s1, $0x11  }
0xbb: {  	s0 =	sor.u32 s1, s0  }
0xbc: {  	s0 =	sadd.s32 $0x8F2B, s0  }
0xbd: {  	[sflag:s0] =	ssyncadd.remote.s32 $0x1  }
0xbe: {  	_ =	sfence.sel $0xFFFF  }
0xbf: {  	[dreg:$0x0] =	wrdreg $0xFFFFFFFF;
	(pc) =	sbr.abs _section_cstart, $3  }
0xc0: {  	[dreg:$0x1] =	wrdreg $0xFFFFFFFF  }
0xc1: {  	_ =	task.clear_ibuf [dreg:s7], $0x2FFFF;
	_ =	strace $0x9FFFFFFF  }
0xc2: {  	(tm) =	ssettm $0x7FFFFFFF  }
0xc3: {  	_ =	shalt  }
tec
execute0_lowered:
.L_overlay_start_1:
0x0: {  	(tag) =	ssettag $0x1  }
0x1: {  	s0 =	srdreg.scid;
	s14 =	stileid.u32  }
0x2: {  	s5 =	sand.u32 $0x1, s0;
	s4 =	sshll.u32 s14, $0x1  }
0x3: {  	s11 =	rddreg [dreg:$0x1];
	s1 =	simm.s32 $0x0;
	s0 =	sor.u32 s5, s4  }
0x4: {  	[smem:$0x7FF] =	sst s1;
	s2 =	ssub.s32 $0x2, s5;
	s7 =	sshll.u32 s0, $0x7  }
0x5: {  	s8 =	sadd.s32 $0x3000, s11;
	s3 =	sshrl.u32 s2, $0x1;
	s6 =	sor.u32 $0x1000, s7  }
0x6: {  	s9 =	sadd.s32 $0x23000, s11;
	s13 =	ssub.s32 s2, s3;
	s10 =	sadd.s32 s8, s6  }
0x7: {  	s12 =	sor.u32 $0x2000, s7;
	s3 =	sadd.s32 s9, s6;
	[dreg:$0x3] =	wrdreg s10  }
0x8: {  	s2 =	smul.u32 $0x3D10, s0;
	s15 =	sadd.s32 s8, s12;
	[dreg:$0x4] =	wrdreg s3  }
0x9: {  	s16 =	sor.u32 $0x3000, s7;
	s0 =	sadd.s32 s9, s12;
	[dreg:$0x5] =	wrdreg s15  }
0xa: {  	s18 =	sor.u32 $0x4000, s7;
	s17 =	sadd.s32 s8, s16;
	[dreg:$0x6] =	wrdreg s0  }
0xb: {  	s20 =	sor.u32 $0x5000, s7;
	s19 =	sadd.s32 s8, s18;
	[dreg:$0x7] =	wrdreg s17  }
0xc: {  	s22 =	sor.u32 $0x6000, s7;
	s21 =	sadd.s32 s8, s20;
	[dreg:$0x9] =	wrdreg s19  }
0xd: {  	s24 =	sor.u32 $0x7000, s7;
	s23 =	sadd.s32 s8, s22;
	[dreg:$0xb] =	wrdreg s21  }
0xe: {  	s26 =	sor.u32 $0x8000, s7;
	s25 =	sadd.s32 s8, s24;
	[dreg:$0xd] =	wrdreg s23  }
0xf: {  	s29 =	sor.u32 $0x9000, s7;
	s28 =	sadd.s32 s8, s26;
	[dreg:$0xf] =	wrdreg s25  }
0x10: {  	s31 =	sor.u32 $0xA000, s7;
	s30 =	sadd.s32 s8, s29;
	[dreg:$0x11] =	wrdreg s28  }
0x11: {  	s4 =	sadd.s32 s8, s31;
	[dreg:$0x13] =	wrdreg s30  }
0x12: {  	s3 =	sadd.s32 s9, s16;
	[dreg:$0x15] =	wrdreg s4  }
0x13: {  	s6 =	sor.u32 $0xB000, s7;
	s0 =	sadd.s32 s9, s18;
	[dreg:$0x8] =	wrdreg s3  }
0x14: {  	s12 =	sor.u32 $0xC000, s7;
	s10 =	sadd.s32 s8, s6;
	[dreg:$0xa] =	wrdreg s0  }
0x15: {  	s15 =	sadd.s32 s8, s12;
	[dreg:$0x17] =	wrdreg s10  }
0x16: {  	s3 =	sadd.s32 s9, s20;
	[dreg:$0x19] =	wrdreg s15  }
0x17: {  	s16 =	sor.u32 $0xD000, s7;
	s0 =	sadd.s32 s9, s22;
	[dreg:$0xc] =	wrdreg s3  }
0x18: {  	s18 =	sor.u32 $0xE000, s7;
	s17 =	sadd.s32 s8, s16;
	[dreg:$0xe] =	wrdreg s0  }
0x19: {  	s19 =	sadd.s32 s8, s18;
	[dreg:$0x1b] =	wrdreg s17  }
0x1a: {  	s3 =	sadd.s32 s9, s24;
	[dreg:$0x1d] =	wrdreg s19  }
0x1b: {  	s20 =	sor.u32 $0xF000, s7;
	s0 =	sadd.s32 s9, s26;
	[dreg:$0x10] =	wrdreg s3  }
0x1c: {  	s22 =	sor.u32 $0x10000, s7;
	s21 =	sadd.s32 s8, s20;
	[dreg:$0x12] =	wrdreg s0  }
0x1d: {  	s23 =	sadd.s32 s8, s22;
	[dreg:$0x1f] =	wrdreg s21  }
0x1e: {  	s3 =	sadd.s32 s9, s29;
	[smem:$0x7E3] =	sst s23  }
0x1f: {  	s24 =	sor.u32 $0x11000, s7;
	s0 =	sadd.s32 s9, s31;
	[dreg:$0x14] =	wrdreg s3  }
0x20: {  	s26 =	sor.u32 $0x12000, s7;
	s25 =	sadd.s32 s8, s24;
	[dreg:$0x16] =	wrdreg s0  }
0x21: {  	s28 =	sadd.s32 s8, s26;
	[smem:$0x7E5] =	sst s25  }
0x22: {  	s3 =	sadd.s32 s9, s6;
	[smem:$0x7E7] =	sst s28  }
0x23: {  	s29 =	sor.u32 $0x13000, s7;
	s0 =	sadd.s32 s9, s12;
	[dreg:$0x18] =	wrdreg s3  }
0x24: {  	s31 =	sor.u32 $0x14000, s7;
	s30 =	sadd.s32 s8, s29;
	[dreg:$0x1a] =	wrdreg s0  }
0x25: {  	s14 =	smul.u32 $0x7A20, s14;
	s4 =	sadd.s32 s8, s31;
	[smem:$0x7E9] =	sst s30  }
0x26: {  	s11 =	sadd.s32 $0x43000, s11;
	s3 =	sadd.s32 s9, s16;
	[smem:$0x7EB] =	sst s4  }
0x27: {  	s6 =	sor.u32 $0x15000, s7;
	s0 =	sadd.s32 s9, s18;
	[dreg:$0x1c] =	wrdreg s3  }
0x28: {  	s12 =	sor.u32 $0x16000, s7;
	s10 =	sadd.s32 s8, s6;
	[dreg:$0x1e] =	wrdreg s0  }
0x29: {  	s13 =	smax.u32 s13, $0x1;
	s15 =	sadd.s32 s8, s12;
	[smem:$0x7ED] =	sst s10  }
0x2a: {  	s16 =	sor.u32 $0x17000, s7;
	s3 =	sadd.s32 s9, s20;
	[smem:$0x7EF] =	sst s15  }
0x2b: {  	s18 =	sor.u32 $0x18000, s7;
	s0 =	sadd.s32 s9, s22;
	[smem:$0x7E2] =	sst s3  }
0x2c: {  	s4 =	sor.u32 $0x1E000, s7;
	s17 =	sadd.s32 s8, s16;
	[smem:$0x7E4] =	sst s0  }
0x2d: {  	s19 =	sadd.s32 s8, s18;
	s20 =	sor.u32 $0x19000, s7;
	[smem:$0x7F1] =	sst s17  }
0x2e: {  	s22 =	sor.u32 $0x1A000, s7;
	s3 =	sadd.s32 s9, s24;
	[smem:$0x7F3] =	sst s19  }
0x2f: {  	s10 =	smul.u32 $0x3D10, s5;
	s0 =	sadd.s32 s9, s26;
	[smem:$0x7E6] =	sst s3  }
0x30: {  	s5 =	sadd.s32 s8, s7;
	s21 =	sadd.s32 s8, s20;
	[smem:$0x7E8] =	sst s0  }
0x31: {  	s15 =	simm.s32 $0x2;
	s23 =	sadd.s32 s8, s22;
	[smem:$0x7F5] =	sst s21  }
0x32: {  	s24 =	sor.u32 $0x1B000, s7;
	s3 =	sadd.s32 s9, s29;
	[smem:$0x7F7] =	sst s23  }
0x33: {  	s26 =	sor.u32 $0x1C000, s7;
	s0 =	sadd.s32 s9, s31;
	[smem:$0x7EA] =	sst s3  }
0x34: {  	s17 =	simm.s32 $0x1000;
	s25 =	sadd.s32 s8, s24;
	[smem:$0x7EC] =	sst s0  }
0x35: {  	s28 =	sadd.s32 s8, s26;
	s29 =	sor.u32 $0x1D000, s7;
	[smem:$0x7F9] =	sst s25  }
0x36: {  	s3 =	sadd.s32 s9, s6;
	s0 =	sadd.s32 s9, s12;
	[smem:$0x7FB] =	sst s28  }
0x37: {  	s6 =	sadd.s32 s9, s7;
	s12 =	sor.u32 $0x1F000, s7;
	s7 =	rddreg [dreg:$0x0]  }
0x38: {  	s19 =	simm.s32 $0x2000;
	s10 =	sadd.s32 s10, s14;
	[smem:$0x7EE] =	sst s3  }
0x39: {  	s31 =	ssub.s32 $0x7A120, s2;
	s30 =	sadd.s32 s8, s29;
	[smem:$0x7F0] =	sst s0  }
0x3a: {  	s21 =	simm.s32 $0x1800;
	s3 =	sadd.s32 s9, s16;
	[smem:$0x7FD] =	sst s30  }
0x3b: {  	s23 =	simm.s32 $0x0;
	s0 =	sadd.s32 s9, s18;
	[smem:$0x7F2] =	sst s3  }
0x3c: {  	v0 =	vimm.s32 $0x65432100;
	s14 =	ssub.s32 $0x7A120, s10;
	[smem:$0x7F4] =	sst s0;
	s3 =	sadd.s32 s9, s20  }
0x3d: {  	v1 =	vimm.s32 $0xEDCBA987;
	v2 =	vimm.s32 $0xFFEDCBA9;
	s14 =	smin.u32 s14, $0x3D10;
	s0 =	sadd.s32 s9, s22;
	[smem:$0x7F6] =	sst s3  }
0x3e: {  	v3 =	vimm.s32 $0x87654321;
	v1 =	vunpack.c.l.s4.s8 v1;
	v4 =	vunpack.c.l.s4.s8 v0;
	s16 =	simm.s32 $0x800;
	[smem:$0x7F8] =	sst s0;
	s3 =	sadd.s32 s9, s24  }
0x3f: {  	vm0 =	vcmask $0x3F3C;
	v2 =	vunpack.c.l.s4.s8 v2;
	v3 =	vunpack.c.l.s4.s8 v3;
	s18 =	simm.s32 $0x13000;
	s0 =	sadd.s32 s9, s26;
	[smem:$0x7FA] =	sst s3  }
0x40: {  	v0 =	vimm.s32 $0x7FFFFFFF;
	v5 =	vunpack.c.0.s8.s32 v1;
	v4 =	vunpack.c.0.s8.s32 v4;
	s14 =	sadd.s32 $0xFFFFF800, s14;
	s20 =	simm.s32 $0xA800;
	[smem:$0x7FC] =	sst s0  }
0x41: {  	v6 =	vunpack.c.0.s8.s32 v2;
	v7 =	vunpack.c.0.s8.s32 v3;
	v2 =	vlaneseq.u32;
	s0 =	sadd.s32 s9, s29;
	s3 =	sadd.s32 s8, s4;
	s4 =	sadd.s32 s9, s4  }
0x42: {  	v1 =	vimm.s32 $0x0;
	v3 =	vand.u32 $0xF, v5;
	v5 =	vor.u32 $0x80000000, v2;
	s8 =	sadd.s32 s8, s12;
	s9 =	sadd.s32 s9, s12;
	s12 =	smin.u32 s31, $0x3D10  }
0x43: {  	v3 =	vcombine.low v4, v3;
	v4 =	vcombine.low v7, v6;
	v6 =	vadd.s32 $0x1, v2;
	s22 =	simm.s32 $0x1;
	_ =	strace $0x80000047;
	s12 =	sadd.s32 $0xFFFFF800, s12  }
.LBB2_1:
0x44: {  	s24 =	simm.s32 $0x40;
	s25 =	simm.s32 $0x0  }
.LBB2_2:
0x45: {  	p0 =	sne.s32 s24, $0x21FC0;
	[tilespmem:s25+$0x2000] =	vst v0;
	s25 =	smov.u32 s24;
	s24 =	sadd.s32 $0x40, s24  }
.Ltmp0:
0x46: {  	(pc) =	sbr.rel @p0 .LBB2_2-.Ltmp0, $2  }
0x47: {  	_ =	sdelay $0x2  }
0x48: {  	s25 =	sshra.s32 s25, $0x2  }
0x49: {  	[tilespmem:s25+$0x2000] =	vst v0  }
0x4a: {  	[tilespmem:$0x13000] =	vst v1  }
0x4b: {  	s24 =	simm.s32 $0x0;
	s25 =	simm.s32 $0x0;
	s26 =	simm.s32 $0x0;
	[tilespmem:$0x13010] =	vst v1  }
.LBB2_4:
0x4c: {  	s28 =	sshll.u32 s26, $0xB  }
0x4d: {  	s29 =	smov.u32 s12;
	p0 =	slt.s32 s28, s12  }
0x4e: {  	s29 =	smov.u32 @p0 s28  }
0x4f: {  	s29 =	sadd.s32 s2, s29  }
0x50: {  	s28 =	sshrl.u32 s29, $0x3  }
0x51: {  	s30 =	sadd.s32 s7, s28  }
0x52: {  	[tilespmem:s24], [sflag:$0x2] =	stream.linear.gather [hbm4b:s30+s24], $0x800, $0x38;
	[tilespmem:$0x13020] =	vst v63  }
0x53: {  	s30 =	sadd.s32 $0x7A120, s29;
	_ =	swait.ge [sflag:s15], $0x800  }
0x54: {  	s30 =	sshrl.u32 s30, $0x3;
	[sflag:s15] =	ssyncset.done $0x0  }
0x55: {  	s30 =	sadd.s32 s7, s30;
	[sflag:s15] =	ssyncadd.s32 $0xFFFFF800  }
0x56: {  	[tilespmem:s16], [sflag:$0x2] =	stream.linear.gather [hbm4b:s30+s24], $0x800, $0x38;
	[tilespmem:$0x13020] =	vst v63  }
0x57: {  	s29 =	sadd.s32 $0xF4240, s29;
	_ =	swait.ge [sflag:s15], $0x800  }
0x58: {  	s29 =	sshrl.u32 s29, $0x3;
	[sflag:s15] =	ssyncset.done $0x0  }
0x59: {  	s29 =	sadd.s32 s7, s29;
	[sflag:s15] =	ssyncadd.s32 $0xFFFFF800  }
0x5a: {  	[tilespmem:s17], [sflag:$0x2] =	stream.linear.gather [hbm4b:s29+s24], $0x800, $0x38;
	[tilespmem:$0x13020] =	vst v63  }
0x5b: {  	_ =	swait.ge [sflag:s15], $0x800  }
0x5c: {  	[sflag:s15] =	ssyncset.done $0x0  }
0x5d: {  	s29 =	simm.s32 $0x0;
	[sflag:s15] =	ssyncadd.s32 $0xFFFFF800  }
0x5e: {  	v7 =	vld [tilespmem:s29+$0x0]  }
0x5f: {  	v8 =	vld [tilespmem:s29+$0x800]  }
0x60: {  	v9 =	vld [tilespmem:s29+$0x1000];
	_ =	sdelay $0x3  }
0x61: {  	v7 =	vmul.u32 $0x6F45D, v7;
	v8 =	vmul.u32 $0x7409F, v8  }
0x62: {  	v9 =	vmul.u32 $0x9FFB7, v9  }
0x63: {  	v7 =	vadd.s32 v7, v8  }
0x64: {  	v7 =	vadd.s32 v9, v7  }
0x65: {  	v7 =	vand.u32 $0xFFFFF, v7  }
0x66: {  	v8 =	vshll.u32 v7, $0x4  }
0x67: {  	v8 =	vor.u32 v2, v8  }
0x68: {  	(xrf1) =	vsort.ascd.msk.u32 $0xffff, v8, v8;
	_ =	sdelay $0xd  }
0x69: {  	v8, _, _ =	vpop (xrf1)  }
0x6a: {  	v9 =	vperm.xlane v8, v3;
	_ =	sdelay $0x1  }
0x6b: {  	v10 =	vshra.s32 v8, $0x13;
	v9 =	vshra.s32 v9, $0x13  }
0x6c: {  	vm1 =	veq.s32 v10, v9  }
0x6d: {  	v9 =	vsel vm1, $0x80000000, v5  }
0x6e: {  	(xrf0) =	vmax.scan.msk.u32 $0xffff, v9  }
0x6f: {  	[tilespmem:s29+$0x1800] =	vst v7  }
0x70: {  	v7 =	vld.idx.msk [tilespmem:v10+s18+$0x0], $0xffff;
	_ =	sdelay $0x3  }
0x71: {  	v11 =	vshll.u32 v10, $0xA;
	v9 =	vperm.xlane v8, v4;
	v12, _, _ =	vpop (xrf0)  }
0x72: {  	v7 =	vadd.s32 v11, v7;
	v12 =	vxor.u32 $0x80000000, v12  }
0x73: {  	v9 =	vshra.s32 v9, $0x13;
	v7 =	vsub.s32 v7, v12  }
0x74: {  	vm1 =	vne.s32 v10, v9;
	v7 =	vadd.s32 v2, v7  }
0x75: {  	vm1 =	vmor vm1, vm0  }
0x76: {  	p0 =	slt.s32 s25, s14;
	s29 =	smov.u32 s14  }
0x77: {  	s29 =	smov.u32 @p0 s25  }
0x78: {  	s29 =	sadd.s32 s29, s10;
	v9 =	vshra.s32 v8, $0x4;
	v8 =	vand.u32 $0xF, v8  }
0x79: {  	v8 =	vadd.s32 s29, v8;
	[tilespmem:v7+s19+$0x0] =	vst.idx.msk $0xffff, v9  }
0x7a: {  	[tilespmem:v7+s20+$0x0] =	vst.idx.msk $0xffff, v8;
	v7 =	vsub.s32 v6, v12  }
0x7b: {  	s31 =	simm.s32 $0x10;
	[tilespmem:v10+s18+$0x0] =	vst.idx.add.s32.msk vm1, v7  }
0x7c: {  	v7 =	vld [tilespmem:s31+$0x0]  }
0x7d: {  	v8 =	vld [tilespmem:s31+$0x800]  }
0x7e: {  	s30 =	simm.s32 $0x80;
	v9 =	vld [tilespmem:s31+$0x1000]  }
.LBB2_5:
0x7f: {  	p0 =	sne.s32 s30, $0x1FC0;
	_ =	sdelay $0x2  }
0x80: {  	v7 =	vmul.u32 $0x6F45D, v7;
	v8 =	vmul.u32 $0x7409F, v8  }
0x81: {  	v9 =	vmul.u32 $0x9FFB7, v9  }
0x82: {  	v7 =	vadd.s32 v7, v8  }
0x83: {  	v7 =	vadd.s32 v9, v7  }
0x84: {  	v7 =	vand.u32 $0xFFFFF, v7  }
0x85: {  	v8 =	vshll.u32 v7, $0x4  }
0x86: {  	v8 =	vor.u32 v2, v8  }
0x87: {  	(xrf1) =	vsort.ascd.msk.u32 $0xffff, v8, v8;
	_ =	sdelay $0xd  }
0x88: {  	v8, _, _ =	vpop (xrf1)  }
0x89: {  	v9 =	vperm.xlane v8, v3  }
0x8a: {  	v10 =	vshra.s32 v8, $0x13  }
0x8b: {  	v9 =	vshra.s32 v9, $0x13  }
0x8c: {  	vm1 =	veq.s32 v10, v9  }
0x8d: {  	v9 =	vsel vm1, $0x80000000, v5  }
0x8e: {  	[tilespmem:s31+$0x1800] =	vst v7;
	(xrf0) =	vmax.scan.msk.u32 $0xffff, v9  }
0x8f: {  	v7 =	vld.idx.msk [tilespmem:v10+s18+$0x0], $0xffff;
	_ =	sdelay $0x4  }
0x90: {  	v11 =	vshll.u32 v10, $0xA;
	v9 =	vperm.xlane v8, v4;
	v12, _, _ =	vpop (xrf0)  }
0x91: {  	v7 =	vadd.s32 v11, v7;
	v12 =	vxor.u32 $0x80000000, v12  }
0x92: {  	v9 =	vshra.s32 v9, $0x13;
	v7 =	vsub.s32 v7, v12  }
0x93: {  	vm1 =	vne.s32 v10, v9;
	v7 =	vadd.s32 v2, v7  }
0x94: {  	vm1 =	vmor vm1, vm0;
	_ =	sdelay $0x2  }
0x95: {  	s29 =	sadd.s32 $0x10, s29;
	v9 =	vshra.s32 v8, $0x4;
	v8 =	vand.u32 $0xF, v8  }
0x96: {  	v8 =	vadd.s32 s29, v8;
	[tilespmem:v7+s19+$0x0] =	vst.idx.msk $0xffff, v9  }
.Ltmp1:
0x97: {  	[tilespmem:v7+s20+$0x0] =	vst.idx.msk $0xffff, v8;
	v7 =	vsub.s32 v6, v12;
	(pc) =	sbr.rel @p0 .LBB2_5-.Ltmp1, $4  }
0x98: {  	s31 =	sshra.s32 s30, $0x2;
	[tilespmem:v10+s18+$0x0] =	vst.idx.add.s32.msk vm1, v7  }
0x99: {  	v7 =	vld [tilespmem:s31+$0x0]  }
0x9a: {  	v8 =	vld [tilespmem:s31+$0x800]  }
0x9b: {  	s30 =	sadd.s32 $0x40, s30;
	v9 =	vld [tilespmem:s31+$0x1000]  }
0x9c: {  	_ =	sdelay $0x2  }
0x9d: {  	v7 =	vmul.u32 $0x6F45D, v7;
	v8 =	vmul.u32 $0x7409F, v8  }
0x9e: {  	v9 =	vmul.u32 $0x9FFB7, v9  }
0x9f: {  	v7 =	vadd.s32 v7, v8  }
0xa0: {  	v7 =	vadd.s32 v9, v7  }
0xa1: {  	v7 =	vand.u32 $0xFFFFF, v7  }
0xa2: {  	v8 =	vshll.u32 v7, $0x4  }
0xa3: {  	v8 =	vor.u32 v2, v8  }
0xa4: {  	(xrf1) =	vsort.ascd.msk.u32 $0xffff, v8, v8;
	_ =	sdelay $0xd  }
0xa5: {  	v8, _, _ =	vpop (xrf1)  }
0xa6: {  	v61 =	vperm.xlane v8, v3;
	_ =	sdelay $0x1  }
0xa7: {  	v10 =	vshra.s32 v8, $0x13;
	v9 =	vshra.s32 v61, $0x13  }
0xa8: {  	vm1 =	veq.s32 v10, v9  }
0xa9: {  	v9 =	vsel vm1, $0x80000000, v5  }
0xaa: {  	(xrf0) =	vmax.scan.msk.u32 $0xffff, v9  }
0xab: {  	[tilespmem:s31+$0x1800] =	vst v7  }
0xac: {  	v7 =	vld.idx.msk [tilespmem:v10+s18+$0x0], $0xffff;
	_ =	sdelay $0x3  }
0xad: {  	v62 =	vperm.xlane v8, v4;
	v11 =	vshll.u32 v10, $0xA;
	v12, _, _ =	vpop (xrf0)  }
0xae: {  	v7 =	vadd.s32 v11, v7;
	v12 =	vxor.u32 $0x80000000, v12  }
0xaf: {  	v9 =	vshra.s32 v62, $0x13;
	v7 =	vsub.s32 v7, v12  }
0xb0: {  	vm1 =	vne.s32 v10, v9;
	v7 =	vadd.s32 v2, v7  }
0xb1: {  	vm1 =	vmor vm1, vm0;
	_ =	sdelay $0x2  }
0xb2: {  	s29 =	sadd.s32 $0x10, s29;
	v63 =	vshra.s32 v8, $0x4;
	v8 =	vand.u32 $0xF, v8  }
0xb3: {  	s26 =	sadd.s32 $0x1, s26;
	v8 =	vadd.s32 s29, v8;
	[tilespmem:v7+s19+$0x0] =	vst.idx.msk $0xffff, v63  }
0xb4: {  	p0 =	sne.s32 s26, $0x8;
	[tilespmem:v7+s20+$0x0] =	vst.idx.msk $0xffff, v8;
	v7 =	vsub.s32 v6, v12  }
.Ltmp2:
0xb5: {  	s28 =	sadd.s32 s11, s28;
	[tilespmem:v10+s18+$0x0] =	vst.idx.add.s32.msk vm1, v7;
	(pc) =	sbr.rel @p0 .LBB2_4-.Ltmp2, $4  }
0xb6: {  	[hbm4b:s28+s1] =	stream.linear.scatter [tilespmem:s21], [sflag:$0x2], $0x800, $0x38;
	[tilespmem:$0x13020] =	vst v63  }
0xb7: {  	_ =	swait.ge [sflag:s15], $0x800  }
0xb8: {  	[sflag:s15] =	ssyncset.done $0x0  }
0xb9: {  	s25 =	sadd.s32 $0x800, s25;
	[sflag:s15] =	ssyncadd.s32 $0xFFFFF800  }
0xba: {  	[hbm4b:s5+s1] =	stream.linear.scatter [tilespmem:s19], [sflag:$0x1], $0x400, $0x38;
	[tilespmem:$0x13020] =	vst v63  }
0xbb: {  	s24 =	rddreg [dreg:$0x3]  }
0xbc: {  	[hbm4b:s6+s1] =	stream.linear.scatter [tilespmem:s20], [sflag:$0x1], $0x400, $0x38;
	[tilespmem:$0x13020] =	vst v63  }
0xbd: {  	s25 =	simm.s32 $0x2400;
	s28 =	rddreg [dreg:$0x4]  }
0xbe: {  	[hbm4b:s24+s1] =	stream.linear.scatter [tilespmem:s25], [sflag:$0x1], $0x400, $0x38;
	[tilespmem:$0x13020] =	vst v63  }
0xbf: {  	s29 =	simm.s32 $0xAC00;
	s30 =	rddreg [dreg:$0x5]  }
0xc0: {  	[hbm4b:s28+s1] =	stream.linear.scatter [tilespmem:s29], [sflag:$0x1], $0x400, $0x38;
	[tilespmem:$0x13020] =	vst v63  }
0xc1: {  	s31 =	simm.s32 $0x2800;
	s25 =	rddreg [dreg:$0x6]  }
0xc2: {  	[hbm4b:s30+s1] =	stream.linear.scatter [tilespmem:s31], [sflag:$0x1], $0x400, $0x38;
	[tilespmem:$0x13020] =	vst v63  }
0xc3: {  	s26 =	simm.s32 $0xB000;
	s28 =	rddreg [dreg:$0x7]  }
0xc4: {  	[hbm4b:s25+s1] =	stream.linear.scatter [tilespmem:s26], [sflag:$0x1], $0x400, $0x38;
	[tilespmem:$0x13020] =	vst v63  }
0xc5: {  	s29 =	simm.s32 $0x2C00;
	s30 =	rddreg [dreg:$0x8]  }
0xc6: {  	[hbm4b:s28+s1] =	stream.linear.scatter [tilespmem:s29], [sflag:$0x1], $0x400, $0x38;
	[tilespmem:$0x13020] =	vst v63  }
0xc7: {  	s31 =	simm.s32 $0xB400;
	s25 =	rddreg [dreg:$0x9]  }
0xc8: {  	[hbm4b:s30+s1] =	stream.linear.scatter [tilespmem:s31], [sflag:$0x1], $0x400, $0x38;
	[tilespmem:$0x13020] =	vst v63  }
0xc9: {  	s26 =	simm.s32 $0x3000;
	s28 =	rddreg [dreg:$0xa]  }
0xca: {  	[hbm4b:s25+s1] =	stream.linear.scatter [tilespmem:s26], [sflag:$0x1], $0x400, $0x38;
	[tilespmem:$0x13020] =	vst v63  }
0xcb: {  	s29 =	simm.s32 $0xB800;
	s30 =	rddreg [dreg:$0xb]  }
0xcc: {  	[hbm4b:s28+s1] =	stream.linear.scatter [tilespmem:s29], [sflag:$0x1], $0x400, $0x38;
	[tilespmem:$0x13020] =	vst v63  }
0xcd: {  	s31 =	simm.s32 $0x3400;
	s25 =	rddreg [dreg:$0xc]  }
0xce: {  	[hbm4b:s30+s1] =	stream.linear.scatter [tilespmem:s31], [sflag:$0x1], $0x400, $0x38;
	[tilespmem:$0x13020] =	vst v63  }
0xcf: {  	s26 =	simm.s32 $0xBC00;
	s28 =	rddreg [dreg:$0xd]  }
0xd0: {  	[hbm4b:s25+s1] =	stream.linear.scatter [tilespmem:s26], [sflag:$0x1], $0x400, $0x38;
	[tilespmem:$0x13020] =	vst v63  }
0xd1: {  	s29 =	simm.s32 $0x3800;
	s30 =	rddreg [dreg:$0xe]  }
0xd2: {  	[hbm4b:s28+s1] =	stream.linear.scatter [tilespmem:s29], [sflag:$0x1], $0x400, $0x38;
	[tilespmem:$0x13020] =	vst v63  }
0xd3: {  	s31 =	simm.s32 $0xC000;
	s25 =	rddreg [dreg:$0xf]  }
0xd4: {  	[hbm4b:s30+s1] =	stream.linear.scatter [tilespmem:s31], [sflag:$0x1], $0x400, $0x38;
	[tilespmem:$0x13020] =	vst v63  }
0xd5: {  	s26 =	simm.s32 $0x3C00;
	s28 =	rddreg [dreg:$0x10]  }
0xd6: {  	[hbm4b:s25+s1] =	stream.linear.scatter [tilespmem:s26], [sflag:$0x1], $0x400, $0x38;
	[tilespmem:$0x13020] =	vst v63  }
0xd7: {  	s29 =	simm.s32 $0xC400;
	s30 =	rddreg [dreg:$0x11]  }
0xd8: {  	[hbm4b:s28+s1] =	stream.linear.scatter [tilespmem:s29], [sflag:$0x1], $0x400, $0x38;
	[tilespmem:$0x13020] =	vst v63  }
0xd9: {  	s31 =	simm.s32 $0x4000;
	s25 =	rddreg [dreg:$0x12]  }
0xda: {  	[hbm4b:s30+s1] =	stream.linear.scatter [tilespmem:s31], [sflag:$0x1], $0x400, $0x38;
	[tilespmem:$0x13020] =	vst v63  }
0xdb: {  	s26 =	simm.s32 $0xC800;
	s28 =	rddreg [dreg:$0x13]  }
0xdc: {  	[hbm4b:s25+s1] =	stream.linear.scatter [tilespmem:s26], [sflag:$0x1], $0x400, $0x38;
	[tilespmem:$0x13020] =	vst v63  }
0xdd: {  	s29 =	simm.s32 $0x4400;
	s30 =	rddreg [dreg:$0x14]  }
0xde: {  	[hbm4b:s28+s1] =	stream.linear.scatter [tilespmem:s29], [sflag:$0x1], $0x400, $0x38;
	[tilespmem:$0x13020] =	vst v63  }
0xdf: {  	s31 =	simm.s32 $0xCC00;
	s25 =	rddreg [dreg:$0x15]  }
0xe0: {  	[hbm4b:s30+s1] =	stream.linear.scatter [tilespmem:s31], [sflag:$0x1], $0x400, $0x38;
	[tilespmem:$0x13020] =	vst v63  }
0xe1: {  	s26 =	simm.s32 $0x4800;
	s28 =	rddreg [dreg:$0x16]  }
0xe2: {  	[hbm4b:s25+s1] =	stream.linear.scatter [tilespmem:s26], [sflag:$0x1], $0x400, $0x38;
	[tilespmem:$0x13020] =	vst v63  }
0xe3: {  	s29 =	simm.s32 $0xD000;
	s30 =	rddreg [dreg:$0x17]  }
0xe4: {  	[hbm4b:s28+s1] =	stream.linear.scatter [tilespmem:s29], [sflag:$0x1], $0x400, $0x38;
	[tilespmem:$0x13020] =	vst v63  }
0xe5: {  	s31 =	simm.s32 $0x4C00;
	s25 =	rddreg [dreg:$0x18]  }
0xe6: {  	[hbm4b:s30+s1] =	stream.linear.scatter [tilespmem:s31], [sflag:$0x1], $0x400, $0x38;
	[tilespmem:$0x13020] =	vst v63  }
0xe7: {  	s26 =	simm.s32 $0xD400;
	s28 =	rddreg [dreg:$0x19]  }
0xe8: {  	[hbm4b:s25+s1] =	stream.linear.scatter [tilespmem:s26], [sflag:$0x1], $0x400, $0x38;
	[tilespmem:$0x13020] =	vst v63  }
0xe9: {  	s29 =	simm.s32 $0x5000;
	s30 =	rddreg [dreg:$0x1a]  }
0xea: {  	[hbm4b:s28+s1] =	stream.linear.scatter [tilespmem:s29], [sflag:$0x1], $0x400, $0x38;
	[tilespmem:$0x13020] =	vst v63  }
0xeb: {  	s31 =	simm.s32 $0xD800;
	s25 =	rddreg [dreg:$0x1b]  }
0xec: {  	[hbm4b:s30+s1] =	stream.linear.scatter [tilespmem:s31], [sflag:$0x1], $0x400, $0x38;
	[tilespmem:$0x13020] =	vst v63  }
0xed: {  	s26 =	simm.s32 $0x5400;
	s28 =	rddreg [dreg:$0x1c]  }
0xee: {  	[hbm4b:s25+s1] =	stream.linear.scatter [tilespmem:s26], [sflag:$0x1], $0x400, $0x38;
	[tilespmem:$0x13020] =	vst v63  }
0xef: {  	s29 =	simm.s32 $0xDC00;
	s30 =	rddreg [dreg:$0x1d]  }
0xf0: {  	[hbm4b:s28+s1] =	stream.linear.scatter [tilespmem:s29], [sflag:$0x1], $0x400, $0x38;
	[tilespmem:$0x13020] =	vst v63  }
0xf1: {  	s31 =	simm.s32 $0x5800;
	s25 =	rddreg [dreg:$0x1e]  }
0xf2: {  	[hbm4b:s30+s1] =	stream.linear.scatter [tilespmem:s31], [sflag:$0x1], $0x400, $0x38;
	[tilespmem:$0x13020] =	vst v63  }
0xf3: {  	s26 =	simm.s32 $0xE000;
	s28 =	rddreg [dreg:$0x1f]  }
0xf4: {  	[hbm4b:s25+s1] =	stream.linear.scatter [tilespmem:s26], [sflag:$0x1], $0x400, $0x38;
	[tilespmem:$0x13020] =	vst v63  }
0xf5: {  	s29 =	simm.s32 $0x5C00;
	s30 =	sld [smem:$0x7E2]  }
0xf6: {  	[hbm4b:s28+s1] =	stream.linear.scatter [tilespmem:s29], [sflag:$0x1], $0x400, $0x38;
	[tilespmem:$0x13020] =	vst v63  }
0xf7: {  	s31 =	simm.s32 $0xE400;
	s25 =	sld [smem:$0x7E3]  }
0xf8: {  	[hbm4b:s30+s1] =	stream.linear.scatter [tilespmem:s31], [sflag:$0x1], $0x400, $0x38;
	[tilespmem:$0x13020] =	vst v63  }
0xf9: {  	s26 =	simm.s32 $0x6000;
	s28 =	sld [smem:$0x7E4]  }
0xfa: {  	[hbm4b:s25+s1] =	stream.linear.scatter [tilespmem:s26], [sflag:$0x1], $0x400, $0x38;
	[tilespmem:$0x13020] =	vst v63  }
0xfb: {  	s29 =	simm.s32 $0xE800;
	s30 =	sld [smem:$0x7E5]  }
0xfc: {  	[hbm4b:s28+s1] =	stream.linear.scatter [tilespmem:s29], [sflag:$0x1], $0x400, $0x38;
	[tilespmem:$0x13020] =	vst v63  }
0xfd: {  	s31 =	simm.s32 $0x6400;
	s25 =	sld [smem:$0x7E6]  }
0xfe: {  	[hbm4b:s30+s1] =	stream.linear.scatter [tilespmem:s31], [sflag:$0x1], $0x400, $0x38;
	[tilespmem:$0x13020] =	vst v63  }
0xff: {  	s26 =	simm.s32 $0xEC00;
	s28 =	sld [smem:$0x7E7]  }
0x100: {  	[hbm4b:s25+s1] =	stream.linear.scatter [tilespmem:s26], [sflag:$0x1], $0x400, $0x38;
	[tilespmem:$0x13020] =	vst v63  }
0x101: {  	s29 =	simm.s32 $0x6800;
	s30 =	sld [smem:$0x7E8]  }
0x102: {  	[hbm4b:s28+s1] =	stream.linear.scatter [tilespmem:s29], [sflag:$0x1], $0x400, $0x38;
	[tilespmem:$0x13020] =	vst v63  }
0x103: {  	s31 =	simm.s32 $0xF000;
	s25 =	sld [smem:$0x7E9]  }
0x104: {  	[hbm4b:s30+s1] =	stream.linear.scatter [tilespmem:s31], [sflag:$0x1], $0x400, $0x38;
	[tilespmem:$0x13020] =	vst v63  }
0x105: {  	s26 =	simm.s32 $0x6C00;
	s28 =	sld [smem:$0x7EA]  }
0x106: {  	[hbm4b:s25+s1] =	stream.linear.scatter [tilespmem:s26], [sflag:$0x1], $0x400, $0x38;
	[tilespmem:$0x13020] =	vst v63  }
0x107: {  	s29 =	simm.s32 $0xF400;
	s30 =	sld [smem:$0x7EB]  }
0x108: {  	[hbm4b:s28+s1] =	stream.linear.scatter [tilespmem:s29], [sflag:$0x1], $0x400, $0x38;
	[tilespmem:$0x13020] =	vst v63  }
0x109: {  	s31 =	simm.s32 $0x7000;
	s25 =	sld [smem:$0x7EC]  }
0x10a: {  	[hbm4b:s30+s1] =	stream.linear.scatter [tilespmem:s31], [sflag:$0x1], $0x400, $0x38;
	[tilespmem:$0x13020] =	vst v63  }
0x10b: {  	s26 =	simm.s32 $0xF800;
	s28 =	sld [smem:$0x7ED]  }
0x10c: {  	[hbm4b:s25+s1] =	stream.linear.scatter [tilespmem:s26], [sflag:$0x1], $0x400, $0x38;
	[tilespmem:$0x13020] =	vst v63  }
0x10d: {  	s29 =	simm.s32 $0x7400;
	s30 =	sld [smem:$0x7EE]  }
0x10e: {  	[hbm4b:s28+s1] =	stream.linear.scatter [tilespmem:s29], [sflag:$0x1], $0x400, $0x38;
	[tilespmem:$0x13020] =	vst v63  }
0x10f: {  	s31 =	simm.s32 $0xFC00;
	s25 =	sld [smem:$0x7EF]  }
0x110: {  	[hbm4b:s30+s1] =	stream.linear.scatter [tilespmem:s31], [sflag:$0x1], $0x400, $0x38;
	[tilespmem:$0x13020] =	vst v63  }
0x111: {  	s26 =	simm.s32 $0x7800;
	s28 =	sld [smem:$0x7F0]  }
0x112: {  	[hbm4b:s25+s1] =	stream.linear.scatter [tilespmem:s26], [sflag:$0x1], $0x400, $0x38;
	[tilespmem:$0x13020] =	vst v63  }
0x113: {  	s29 =	simm.s32 $0x10000;
	s30 =	sld [smem:$0x7F1]  }
0x114: {  	[hbm4b:s28+s1] =	stream.linear.scatter [tilespmem:s29], [sflag:$0x1], $0x400, $0x38;
	[tilespmem:$0x13020] =	vst v63  }
0x115: {  	s31 =	simm.s32 $0x7C00;
	s25 =	sld [smem:$0x7F2]  }
0x116: {  	[hbm4b:s30+s1] =	stream.linear.scatter [tilespmem:s31], [sflag:$0x1], $0x400, $0x38;
	[tilespmem:$0x13020] =	vst v63  }
0x117: {  	s26 =	simm.s32 $0x10400;
	s28 =	sld [smem:$0x7F3]  }
0x118: {  	[hbm4b:s25+s1] =	stream.linear.scatter [tilespmem:s26], [sflag:$0x1], $0x400, $0x38;
	[tilespmem:$0x13020] =	vst v63  }
0x119: {  	s29 =	simm.s32 $0x8000;
	s30 =	sld [smem:$0x7F4]  }
0x11a: {  	[hbm4b:s28+s1] =	stream.linear.scatter [tilespmem:s29], [sflag:$0x1], $0x400, $0x38;
	[tilespmem:$0x13020] =	vst v63  }
0x11b: {  	s31 =	simm.s32 $0x10800;
	s25 =	sld [smem:$0x7F5]  }
0x11c: {  	[hbm4b:s30+s1] =	stream.linear.scatter [tilespmem:s31], [sflag:$0x1], $0x400, $0x38;
	[tilespmem:$0x13020] =	vst v63  }
0x11d: {  	s26 =	simm.s32 $0x8400;
	s28 =	sld [smem:$0x7F6]  }
0x11e: {  	[hbm4b:s25+s1] =	stream.linear.scatter [tilespmem:s26], [sflag:$0x1], $0x400, $0x38;
	[tilespmem:$0x13020] =	vst v63  }
0x11f: {  	s29 =	simm.s32 $0x10C00;
	s30 =	sld [smem:$0x7F7]  }
0x120: {  	[hbm4b:s28+s1] =	stream.linear.scatter [tilespmem:s29], [sflag:$0x1], $0x400, $0x38;
	[tilespmem:$0x13020] =	vst v63  }
0x121: {  	s31 =	simm.s32 $0x8800;
	s25 =	sld [smem:$0x7F8]  }
0x122: {  	[hbm4b:s30+s1] =	stream.linear.scatter [tilespmem:s31], [sflag:$0x1], $0x400, $0x38;
	[tilespmem:$0x13020] =	vst v63  }
0x123: {  	s26 =	simm.s32 $0x11000;
	s28 =	sld [smem:$0x7F9]  }
0x124: {  	[hbm4b:s25+s1] =	stream.linear.scatter [tilespmem:s26], [sflag:$0x1], $0x400, $0x38;
	[tilespmem:$0x13020] =	vst v63  }
0x125: {  	s29 =	simm.s32 $0x8C00;
	s30 =	sld [smem:$0x7FA]  }
0x126: {  	[hbm4b:s28+s1] =	stream.linear.scatter [tilespmem:s29], [sflag:$0x1], $0x400, $0x38;
	[tilespmem:$0x13020] =	vst v63  }
0x127: {  	s31 =	simm.s32 $0x11400;
	s25 =	sld [smem:$0x7FB]  }
0x128: {  	[hbm4b:s30+s1] =	stream.linear.scatter [tilespmem:s31], [sflag:$0x1], $0x400, $0x38;
	[tilespmem:$0x13020] =	vst v63  }
0x129: {  	s26 =	simm.s32 $0x9000;
	s28 =	sld [smem:$0x7FC]  }
0x12a: {  	[hbm4b:s25+s1] =	stream.linear.scatter [tilespmem:s26], [sflag:$0x1], $0x400, $0x38;
	[tilespmem:$0x13020] =	vst v63  }
0x12b: {  	s29 =	simm.s32 $0x11800;
	s30 =	sld [smem:$0x7FD]  }
0x12c: {  	[hbm4b:s28+s1] =	stream.linear.scatter [tilespmem:s29], [sflag:$0x1], $0x400, $0x38;
	[tilespmem:$0x13020] =	vst v63  }
0x12d: {  	s31 =	simm.s32 $0x9400  }
0x12e: {  	[hbm4b:s30+s1] =	stream.linear.scatter [tilespmem:s31], [sflag:$0x1], $0x400, $0x38;
	[tilespmem:$0x13020] =	vst v63  }
0x12f: {  	s26 =	simm.s32 $0x11C00  }
0x130: {  	[hbm4b:s0+s1] =	stream.linear.scatter [tilespmem:s26], [sflag:$0x1], $0x400, $0x38;
	[tilespmem:$0x13020] =	vst v63  }
0x131: {  	s28 =	simm.s32 $0x9800  }
0x132: {  	[hbm4b:s3+s1] =	stream.linear.scatter [tilespmem:s28], [sflag:$0x1], $0x400, $0x38;
	[tilespmem:$0x13020] =	vst v63  }
0x133: {  	s29 =	simm.s32 $0x12000  }
0x134: {  	[hbm4b:s4+s1] =	stream.linear.scatter [tilespmem:s29], [sflag:$0x1], $0x400, $0x38;
	[tilespmem:$0x13020] =	vst v63  }
0x135: {  	s30 =	simm.s32 $0x9C00  }
0x136: {  	[hbm4b:s8+s1] =	stream.linear.scatter [tilespmem:s30], [sflag:$0x1], $0x400, $0x38;
	[tilespmem:$0x13020] =	vst v63  }
0x137: {  	s31 =	simm.s32 $0x12400  }
0x138: {  	[hbm4b:s9+s1] =	stream.linear.scatter [tilespmem:s31], [sflag:$0x1], $0x400, $0x38;
	[tilespmem:$0x13020] =	vst v63  }
0x139: {  	_ =	swait.ge [sflag:s22], $0x400  }
0x13a: {  	[sflag:s22] =	ssyncset.done $0x0  }
0x13b: {  	[sflag:s22] =	ssyncadd.s32 $0xFFFFFC00  }
0x13c: {  	_ =	swait.ge [sflag:s22], $0x400  }
0x13d: {  	[sflag:s22] =	ssyncset.done $0x0  }
0x13e: {  	[sflag:s22] =	ssyncadd.s32 $0xFFFFFC00  }
0x13f: {  	_ =	swait.ge [sflag:s22], $0x400  }
0x140: {  	[sflag:s22] =	ssyncset.done $0x0  }
0x141: {  	[sflag:s22] =	ssyncadd.s32 $0xFFFFFC00  }
0x142: {  	_ =	swait.ge [sflag:s22], $0x400  }
0x143: {  	[sflag:s22] =	ssyncset.done $0x0  }
0x144: {  	[sflag:s22] =	ssyncadd.s32 $0xFFFFFC00  }
0x145: {  	_ =	swait.ge [sflag:s22], $0x400  }
0x146: {  	[sflag:s22] =	ssyncset.done $0x0  }
0x147: {  	[sflag:s22] =	ssyncadd.s32 $0xFFFFFC00  }
0x148: {  	_ =	swait.ge [sflag:s22], $0x400  }
0x149: {  	[sflag:s22] =	ssyncset.done $0x0  }
0x14a: {  	[sflag:s22] =	ssyncadd.s32 $0xFFFFFC00  }
0x14b: {  	_ =	swait.ge [sflag:s22], $0x400  }
0x14c: {  	[sflag:s22] =	ssyncset.done $0x0  }
0x14d: {  	[sflag:s22] =	ssyncadd.s32 $0xFFFFFC00  }
0x14e: {  	_ =	swait.ge [sflag:s22], $0x400  }
0x14f: {  	[sflag:s22] =	ssyncset.done $0x0  }
0x150: {  	[sflag:s22] =	ssyncadd.s32 $0xFFFFFC00  }
0x151: {  	_ =	swait.ge [sflag:s22], $0x400  }
0x152: {  	[sflag:s22] =	ssyncset.done $0x0  }
0x153: {  	[sflag:s22] =	ssyncadd.s32 $0xFFFFFC00  }
0x154: {  	_ =	swait.ge [sflag:s22], $0x400  }
0x155: {  	[sflag:s22] =	ssyncset.done $0x0  }
0x156: {  	[sflag:s22] =	ssyncadd.s32 $0xFFFFFC00  }
0x157: {  	_ =	swait.ge [sflag:s22], $0x400  }
0x158: {  	[sflag:s22] =	ssyncset.done $0x0  }
0x159: {  	[sflag:s22] =	ssyncadd.s32 $0xFFFFFC00  }
0x15a: {  	_ =	swait.ge [sflag:s22], $0x400  }
0x15b: {  	[sflag:s22] =	ssyncset.done $0x0  }
0x15c: {  	[sflag:s22] =	ssyncadd.s32 $0xFFFFFC00  }
0x15d: {  	_ =	swait.ge [sflag:s22], $0x400  }
0x15e: {  	[sflag:s22] =	ssyncset.done $0x0  }
0x15f: {  	[sflag:s22] =	ssyncadd.s32 $0xFFFFFC00  }
0x160: {  	_ =	swait.ge [sflag:s22], $0x400  }
0x161: {  	[sflag:s22] =	ssyncset.done $0x0  }
0x162: {  	[sflag:s22] =	ssyncadd.s32 $0xFFFFFC00  }
0x163: {  	_ =	swait.ge [sflag:s22], $0x400  }
0x164: {  	[sflag:s22] =	ssyncset.done $0x0  }
0x165: {  	[sflag:s22] =	ssyncadd.s32 $0xFFFFFC00  }
0x166: {  	_ =	swait.ge [sflag:s22], $0x400  }
0x167: {  	[sflag:s22] =	ssyncset.done $0x0  }
0x168: {  	[sflag:s22] =	ssyncadd.s32 $0xFFFFFC00  }
0x169: {  	_ =	swait.ge [sflag:s22], $0x400  }
0x16a: {  	[sflag:s22] =	ssyncset.done $0x0  }
0x16b: {  	[sflag:s22] =	ssyncadd.s32 $0xFFFFFC00  }
0x16c: {  	_ =	swait.ge [sflag:s22], $0x400  }
0x16d: {  	[sflag:s22] =	ssyncset.done $0x0  }
0x16e: {  	[sflag:s22] =	ssyncadd.s32 $0xFFFFFC00  }
0x16f: {  	_ =	swait.ge [sflag:s22], $0x400  }
0x170: {  	[sflag:s22] =	ssyncset.done $0x0  }
0x171: {  	[sflag:s22] =	ssyncadd.s32 $0xFFFFFC00  }
0x172: {  	_ =	swait.ge [sflag:s22], $0x400  }
0x173: {  	[sflag:s22] =	ssyncset.done $0x0  }
0x174: {  	[sflag:s22] =	ssyncadd.s32 $0xFFFFFC00  }
0x175: {  	_ =	swait.ge [sflag:s22], $0x400  }
0x176: {  	[sflag:s22] =	ssyncset.done $0x0  }
0x177: {  	[sflag:s22] =	ssyncadd.s32 $0xFFFFFC00  }
0x178: {  	_ =	swait.ge [sflag:s22], $0x400  }
0x179: {  	[sflag:s22] =	ssyncset.done $0x0  }
0x17a: {  	[sflag:s22] =	ssyncadd.s32 $0xFFFFFC00  }
0x17b: {  	_ =	swait.ge [sflag:s22], $0x400  }
0x17c: {  	[sflag:s22] =	ssyncset.done $0x0  }
0x17d: {  	[sflag:s22] =	ssyncadd.s32 $0xFFFFFC00  }
0x17e: {  	_ =	swait.ge [sflag:s22], $0x400  }
0x17f: {  	[sflag:s22] =	ssyncset.done $0x0  }
0x180: {  	[sflag:s22] =	ssyncadd.s32 $0xFFFFFC00  }
0x181: {  	_ =	swait.ge [sflag:s22], $0x400  }
0x182: {  	[sflag:s22] =	ssyncset.done $0x0  }
0x183: {  	[sflag:s22] =	ssyncadd.s32 $0xFFFFFC00  }
0x184: {  	_ =	swait.ge [sflag:s22], $0x400  }
0x185: {  	[sflag:s22] =	ssyncset.done $0x0  }
0x186: {  	[sflag:s22] =	ssyncadd.s32 $0xFFFFFC00  }
0x187: {  	_ =	swait.ge [sflag:s22], $0x400  }
0x188: {  	[sflag:s22] =	ssyncset.done $0x0  }
0x189: {  	[sflag:s22] =	ssyncadd.s32 $0xFFFFFC00  }
0x18a: {  	_ =	swait.ge [sflag:s22], $0x400  }
0x18b: {  	[sflag:s22] =	ssyncset.done $0x0  }
0x18c: {  	[sflag:s22] =	ssyncadd.s32 $0xFFFFFC00  }
0x18d: {  	_ =	swait.ge [sflag:s22], $0x400  }
0x18e: {  	[sflag:s22] =	ssyncset.done $0x0  }
0x18f: {  	[sflag:s22] =	ssyncadd.s32 $0xFFFFFC00  }
0x190: {  	_ =	swait.ge [sflag:s22], $0x400  }
0x191: {  	[sflag:s22] =	ssyncset.done $0x0  }
0x192: {  	[sflag:s22] =	ssyncadd.s32 $0xFFFFFC00  }
0x193: {  	_ =	swait.ge [sflag:s22], $0x400  }
0x194: {  	[sflag:s22] =	ssyncset.done $0x0  }
0x195: {  	[sflag:s22] =	ssyncadd.s32 $0xFFFFFC00  }
0x196: {  	_ =	swait.ge [sflag:s22], $0x400  }
0x197: {  	[sflag:s22] =	ssyncset.done $0x0  }
0x198: {  	[sflag:s22] =	ssyncadd.s32 $0xFFFFFC00  }
0x199: {  	_ =	swait.ge [sflag:s22], $0x400  }
0x19a: {  	[sflag:s22] =	ssyncset.done $0x0  }
0x19b: {  	[sflag:s22] =	ssyncadd.s32 $0xFFFFFC00  }
0x19c: {  	_ =	swait.ge [sflag:s22], $0x400  }
0x19d: {  	[sflag:s22] =	ssyncset.done $0x0  }
0x19e: {  	[sflag:s22] =	ssyncadd.s32 $0xFFFFFC00  }
0x19f: {  	_ =	swait.ge [sflag:s22], $0x400  }
0x1a0: {  	[sflag:s22] =	ssyncset.done $0x0  }
0x1a1: {  	[sflag:s22] =	ssyncadd.s32 $0xFFFFFC00  }
0x1a2: {  	_ =	swait.ge [sflag:s22], $0x400  }
0x1a3: {  	[sflag:s22] =	ssyncset.done $0x0  }
0x1a4: {  	[sflag:s22] =	ssyncadd.s32 $0xFFFFFC00  }
0x1a5: {  	_ =	swait.ge [sflag:s22], $0x400  }
0x1a6: {  	[sflag:s22] =	ssyncset.done $0x0  }
0x1a7: {  	[sflag:s22] =	ssyncadd.s32 $0xFFFFFC00  }
0x1a8: {  	_ =	swait.ge [sflag:s22], $0x400  }
0x1a9: {  	[sflag:s22] =	ssyncset.done $0x0  }
0x1aa: {  	[sflag:s22] =	ssyncadd.s32 $0xFFFFFC00  }
0x1ab: {  	_ =	swait.ge [sflag:s22], $0x400  }
0x1ac: {  	[sflag:s22] =	ssyncset.done $0x0  }
0x1ad: {  	[sflag:s22] =	ssyncadd.s32 $0xFFFFFC00  }
0x1ae: {  	_ =	swait.ge [sflag:s22], $0x400  }
0x1af: {  	[sflag:s22] =	ssyncset.done $0x0  }
0x1b0: {  	[sflag:s22] =	ssyncadd.s32 $0xFFFFFC00  }
0x1b1: {  	_ =	swait.ge [sflag:s22], $0x400  }
0x1b2: {  	[sflag:s22] =	ssyncset.done $0x0  }
0x1b3: {  	[sflag:s22] =	ssyncadd.s32 $0xFFFFFC00  }
0x1b4: {  	_ =	swait.ge [sflag:s22], $0x400  }
0x1b5: {  	[sflag:s22] =	ssyncset.done $0x0  }
0x1b6: {  	[sflag:s22] =	ssyncadd.s32 $0xFFFFFC00  }
0x1b7: {  	_ =	swait.ge [sflag:s22], $0x400  }
0x1b8: {  	[sflag:s22] =	ssyncset.done $0x0  }
0x1b9: {  	[sflag:s22] =	ssyncadd.s32 $0xFFFFFC00  }
0x1ba: {  	_ =	swait.ge [sflag:s22], $0x400  }
0x1bb: {  	[sflag:s22] =	ssyncset.done $0x0  }
0x1bc: {  	[sflag:s22] =	ssyncadd.s32 $0xFFFFFC00  }
0x1bd: {  	_ =	swait.ge [sflag:s22], $0x400  }
0x1be: {  	[sflag:s22] =	ssyncset.done $0x0  }
0x1bf: {  	[sflag:s22] =	ssyncadd.s32 $0xFFFFFC00  }
0x1c0: {  	_ =	swait.ge [sflag:s22], $0x400  }
0x1c1: {  	[sflag:s22] =	ssyncset.done $0x0  }
0x1c2: {  	[sflag:s22] =	ssyncadd.s32 $0xFFFFFC00  }
0x1c3: {  	_ =	swait.ge [sflag:s22], $0x400  }
0x1c4: {  	[sflag:s22] =	ssyncset.done $0x0  }
0x1c5: {  	[sflag:s22] =	ssyncadd.s32 $0xFFFFFC00  }
0x1c6: {  	_ =	swait.ge [sflag:s22], $0x400  }
0x1c7: {  	[sflag:s22] =	ssyncset.done $0x0  }
0x1c8: {  	[sflag:s22] =	ssyncadd.s32 $0xFFFFFC00  }
0x1c9: {  	_ =	swait.ge [sflag:s22], $0x400  }
0x1ca: {  	[sflag:s22] =	ssyncset.done $0x0  }
0x1cb: {  	[sflag:s22] =	ssyncadd.s32 $0xFFFFFC00  }
0x1cc: {  	_ =	swait.ge [sflag:s22], $0x400  }
0x1cd: {  	[sflag:s22] =	ssyncset.done $0x0  }
0x1ce: {  	[sflag:s22] =	ssyncadd.s32 $0xFFFFFC00  }
0x1cf: {  	_ =	swait.ge [sflag:s22], $0x400  }
0x1d0: {  	[sflag:s22] =	ssyncset.done $0x0  }
0x1d1: {  	[sflag:s22] =	ssyncadd.s32 $0xFFFFFC00  }
0x1d2: {  	_ =	swait.ge [sflag:s22], $0x400  }
0x1d3: {  	[sflag:s22] =	ssyncset.done $0x0  }
0x1d4: {  	[sflag:s22] =	ssyncadd.s32 $0xFFFFFC00  }
0x1d5: {  	_ =	swait.ge [sflag:s22], $0x400  }
0x1d6: {  	[sflag:s22] =	ssyncset.done $0x0  }
0x1d7: {  	[sflag:s22] =	ssyncadd.s32 $0xFFFFFC00  }
0x1d8: {  	_ =	swait.ge [sflag:s22], $0x400  }
0x1d9: {  	[sflag:s22] =	ssyncset.done $0x0  }
0x1da: {  	[sflag:s22] =	ssyncadd.s32 $0xFFFFFC00  }
0x1db: {  	_ =	swait.ge [sflag:s22], $0x400  }
0x1dc: {  	[sflag:s22] =	ssyncset.done $0x0  }
0x1dd: {  	[sflag:s22] =	ssyncadd.s32 $0xFFFFFC00  }
0x1de: {  	_ =	swait.ge [sflag:s22], $0x400  }
0x1df: {  	[sflag:s22] =	ssyncset.done $0x0  }
0x1e0: {  	[sflag:s22] =	ssyncadd.s32 $0xFFFFFC00  }
0x1e1: {  	_ =	swait.ge [sflag:s22], $0x400  }
0x1e2: {  	[sflag:s22] =	ssyncset.done $0x0  }
0x1e3: {  	[sflag:s22] =	ssyncadd.s32 $0xFFFFFC00  }
0x1e4: {  	_ =	swait.ge [sflag:s22], $0x400  }
0x1e5: {  	[sflag:s22] =	ssyncset.done $0x0  }
0x1e6: {  	[sflag:s22] =	ssyncadd.s32 $0xFFFFFC00  }
0x1e7: {  	_ =	swait.ge [sflag:s22], $0x400  }
0x1e8: {  	[sflag:s22] =	ssyncset.done $0x0  }
0x1e9: {  	[sflag:s22] =	ssyncadd.s32 $0xFFFFFC00  }
0x1ea: {  	_ =	swait.ge [sflag:s22], $0x400  }
0x1eb: {  	[sflag:s22] =	ssyncset.done $0x0  }
0x1ec: {  	[sflag:s22] =	ssyncadd.s32 $0xFFFFFC00  }
0x1ed: {  	_ =	swait.ge [sflag:s22], $0x400  }
0x1ee: {  	[sflag:s22] =	ssyncset.done $0x0  }
0x1ef: {  	[sflag:s22] =	ssyncadd.s32 $0xFFFFFC00  }
0x1f0: {  	_ =	swait.ge [sflag:s22], $0x400  }
0x1f1: {  	[sflag:s22] =	ssyncset.done $0x0  }
0x1f2: {  	s23 =	sadd.s32 $0x1, s23;
	[sflag:s22] =	ssyncadd.s32 $0xFFFFFC00  }
0x1f3: {  	p0 =	sne.s32 s23, s13;
	_ =	swait.ge [sflag:s22], $0x400  }
.Ltmp3:
0x1f4: {  	[sflag:s22] =	ssyncset.done $0x0;
	(pc) =	sbr.rel @p0 .LBB2_1-.Ltmp3, $4  }
0x1f5: {  	[sflag:s22] =	ssyncadd.s32 $0xFFFFFC00  }
0x1f6: {  	_ =	swait.ge [sflag:s22], $0x400  }
0x1f7: {  	[sflag:s22] =	ssyncset.done $0x0  }
0x1f8: {  	[sflag:s22] =	ssyncadd.s32 $0xFFFFFC00  }
0x1f9: {  	_ =	sfence.sel $0x180000  }
0x1fa: {  	[bflag:$0x0] =	sbarrier.arrive $0xFFFF  }
0x1fb: {  	_ =	strace $0x90000047  }
0x1fc: {  	s0 =	stileid.u32;
	[bflag:$0x2] =	sbarrier.arrive $0xFFFF  }
0x1fd: {  	p0 =	sne.s32 s0, $0x0;
	s0 =	rddreg [dreg:$0x2]  }
0x1fe: {  	s0 =	sadd.s32 @!p0 $0x100000, s0  }
0x1ff: {  	[sflag:s0] =	ssyncadd.tile.s32 @!p0 $0x1;
	_ =	shalt  }
.Lfunc_end2:
_tile_overlayer_lowered:
.L_overlay_start_2:
0x200: {  	(tag) =	ssettag $0x2  }
0x201: {  	s0 =	rddreg [dreg:$0x0];
	s2 =	stileid.u32  }
0x202: {  	s1 =	rddreg [dreg:$0x1];
	p0 =	sne.s32 s2, $0x0  }
0x203: {  	s3 =	rddreg [dreg:$0x2];
	[bflag:$0x3] =	sbarrier.arrive $0xFFFF;
	s2 =	simm.s32 @!p0 $0x1C02  }
0x204: {  	[timem:s3], [sflag:s2] =	dma.local @!p0 [hbm:s0], s1  }
0x205: {  	s0 =	simm.s32 @!p0 $0x2  }
0x206: {  	_ =	swait.ge @!p0 [sflag:s0], s1  }
0x207: {  	s1 =	ssub.s32 @!p0 $0x0, s1;
	[sflag:s0] =	ssyncset.done @!p0 $0x0  }
0x208: {  	[sflag:s0] =	ssyncadd.s32 @!p0 s1  }
0x209: {  	[bflag:$0x3] =	sbarrier.arrive $0xFFFF  }
0x20a: {  	_ =	shalt  }

// kernel: kernel.8.cloned.1.call-start
scs
__scs_entry_jumppad:
0x0: {  	(pc) =	sbr.rel $0x88, $3  }
0x1: {  	(tag) =	ssettag $0x0;
	lr =	simm.s32 $0x1  }
0x2: {  	[smem:$0x3F9F] =	sst lr;
	_ =	strace $0xD0000000  }
0x3: {  	_ = 	snop  }
0x4: {  	_ = 	snop  }
0x5: {  	_ = 	snop  }
0x6: {  	_ = 	snop  }
0x7: {  	_ = 	snop  }
__scs_overlays_trampoline_lowered:
0x8: {  	[smem:$0x3FAE] =	sst s0  }
0x9: {  	[smem:$0x3FAF] =	sst s1  }
0xa: {  	[smem:$0x3FB0] =	sst s2  }
0xb: {  	[smem:$0x3FB1] =	sst s3  }
0xc: {  	[smem:$0x3FB2] =	sst s4  }
0xd: {  	[smem:$0x3FB3] =	sst s5  }
0xe: {  	[smem:$0x3FB4] =	sst s6  }
0xf: {  	[smem:$0x3FB5] =	sst s7  }
0x10: {  	[smem:$0x3FB6] =	sst s8  }
0x11: {  	[smem:$0x3FB7] =	sst s9;
	s0 =	simm.s32 @!p0 $0x0  }
0x12: {  	s1 =	sld [smem:$0x3F9D];
	s0 =	simm.s32 @p0 $0x1  }
0x13: {  	[smem:$0x3FB8] =	sst s0;
	s0 =	simm.s32 @!p1 $0x0  }
0x14: {  	s2 =	sld [smem:$0x3F9C];
	s0 =	simm.s32 @p1 $0x1  }
0x15: {  	[smem:$0x3FB9] =	sst s0;
	s0 =	simm.s32 @!p2 $0x0  }
0x16: {  	s3 =	sld [smem:$0x3FDB];
	s0 =	simm.s32 @p2 $0x1  }
0x17: {  	s4 =	simm.s32 $0x1BF5;
	[smem:$0x3FBB] =	sst s0  }
0x18: {  	s0 =	sld [smem:$0x3F9E];
	_ =	swait.ge [sflag:s4], $0x0  }
0x19: {  	s7 =	sld [smem:$0x3F9F]  }
0x1a: {  	s8 =	sadd.s32 $0xFFFFE003, lr  }
0x1b: {  	s9 =	sadd.s32 $0xFFFFFEF7, lr;
	s5 =	simm.s32 $0xFFFFFFFF;
	p2 =	slt.u32 s8, $0xFFFFF086  }
0x1c: {  	p1 =	slt.u32 s9, $0xF7A;
	s5 =	simm.s32 @!p2 $0x0  }
0x1d: {  	s5 =	simm.s32 @p1 $0x1;
	p0 =	seq.s32 s7, s2  }
0x1e: {  	s7 =	smul.u32 @!p0 $0xF7A, s2;
	p2 =	seq.s32 @!p0 s5, $0x0  }
0x1f: {  	s9 =	smul.u32 $0xF7A, s1;
	s8 =	simm.s32 @!p0 $0x1BF5;
	p2 =	por !p2, p0  }
0x20: {  	[sflag:s8] =	ssyncset.s32 @!p0 $0xFFFFF086;
	s6 =	sadd.s32 @!p0 s3, s7;
	s7 =	simm.s32 @!p0 $0x108  }
0x21: {  	s3 =	sadd.s32 s3, s9;
	s6 =	sadd.s32 @!p0 $0x88, s6;
	s7 =	simm.s32 @p2 $0x1082  }
0x22: {  	[simem:s7], [sflag:s8] =	dma.local @!p0 [hbm:s6], $0xF7A  }
0x23: {  	s9 =	sor.u32 $0xD0000000, s2;
	s6 =	simm.s32 $0x108;
	_ =	swait.ge @!p0 [sflag:s8], $0x0  }
0x24: {  	s3 =	sadd.s32 $0x88, s3;
	s6 =	simm.s32 @!p1 $0x1082;
	[sflag:s4] =	ssyncset.s32 $0xFFFFF086  }
0x25: {  	[simem:s6], [sflag:s4] =	dma.local [hbm:s3], $0xF7A  }
0x26: {  	[smem:$0x3F9F] =	sst s1;
	(tag) =	ssettag s2;
	_ =	strace s9  }
0x27: {  	s1 =	sld [smem:$0x3FAF]  }
0x28: {  	s2 =	sld [smem:$0x3FB0]  }
0x29: {  	s4 =	sld [smem:$0x3FB2]  }
0x2a: {  	p0 =	seq.s32 s5, $0x0;
	s5 =	sld [smem:$0x3FB3]  }
0x2b: {  	s6 =	sld [smem:$0x3FB4]  }
0x2c: {  	s7 =	sld [smem:$0x3FB5]  }
0x2d: {  	s3 =	simm.s32 $0x108;
	s8 =	sld [smem:$0x3FB6]  }
0x2e: {  	s3 =	simm.s32 @!p0 $0x1082;
	s9 =	sld [smem:$0x3FB7]  }
0x2f: {  	lr =	sadd.s32 s0, s3;
	s0 =	sld [smem:$0x3FAE]  }
0x30: {  	s3 =	sld [smem:$0x3FB1]  }
0x31: {  	[smem:$0x3FBA] =	sst s10  }
0x32: {  	s10 =	sld [smem:$0x3FB8];
	_ =	sdelay $0x3  }
0x33: {  	p0 =	seq.s32 s10, $0x1;
	s10 =	sld [smem:$0x3FBA];
	_ =	sdelay $0x3  }
0x34: {  	[smem:$0x3FBA] =	sst s10  }
0x35: {  	s10 =	sld [smem:$0x3FB9];
	_ =	sdelay $0x3  }
0x36: {  	p1 =	seq.s32 s10, $0x1;
	s10 =	sld [smem:$0x3FBA];
	_ =	sdelay $0x3  }
0x37: {  	[smem:$0x3FBA] =	sst s10  }
0x38: {  	s10 =	sld [smem:$0x3FBB]  }
0x39: {  	_ = 	snop;
	(pc) =	sbr.ind lr, $3  }
0x3a: {  	_ = 	snop  }
0x3b: {  	_ = 	snop  }
0x3c: {  	p2 =	seq.s32 s10, $0x1;
	s10 =	sld [smem:$0x3FBA]  }
0x3d: {  	_ =	shalt  }
0x3e: {  	_ =	shalt  }
0x3f: {  	_ =	shalt  }
0x40: {  	_ =	shalt  }
0x41: {  	_ =	shalt  }
0x42: {  	_ =	shalt  }
0x43: {  	_ =	shalt  }
0x44: {  	_ =	shalt  }
0x45: {  	_ =	shalt  }
0x46: {  	_ =	shalt  }
0x47: {  	_ =	shalt  }
0x48: {  	_ =	shalt  }
0x49: {  	_ =	shalt  }
0x4a: {  	_ =	shalt  }
0x4b: {  	_ =	shalt  }
0x4c: {  	_ =	shalt  }
0x4d: {  	_ =	shalt  }
0x4e: {  	_ =	shalt  }
0x4f: {  	_ =	shalt  }
0x50: {  	_ =	shalt  }
0x51: {  	_ =	shalt  }
0x52: {  	_ =	shalt  }
0x53: {  	_ =	shalt  }
0x54: {  	_ =	shalt  }
0x55: {  	_ =	shalt  }
0x56: {  	_ =	shalt  }
0x57: {  	_ =	shalt  }
0x58: {  	_ =	shalt  }
0x59: {  	_ =	shalt  }
0x5a: {  	_ =	shalt  }
0x5b: {  	_ =	shalt  }
0x5c: {  	_ =	shalt  }
0x5d: {  	_ =	shalt  }
0x5e: {  	_ =	shalt  }
0x5f: {  	_ =	shalt  }
0x60: {  	_ =	shalt  }
0x61: {  	_ =	shalt  }
0x62: {  	_ =	shalt  }
0x63: {  	_ =	shalt  }
0x64: {  	_ =	shalt  }
0x65: {  	_ =	shalt  }
0x66: {  	_ =	shalt  }
0x67: {  	_ =	shalt  }
0x68: {  	_ =	shalt  }
0x69: {  	_ =	shalt  }
0x6a: {  	_ =	shalt  }
0x6b: {  	_ =	shalt  }
0x6c: {  	_ =	shalt  }
0x6d: {  	_ =	shalt  }
0x6e: {  	_ =	shalt  }
0x6f: {  	_ =	shalt  }
0x70: {  	_ =	shalt  }
0x71: {  	_ =	shalt  }
0x72: {  	_ =	shalt  }
0x73: {  	_ =	shalt  }
0x74: {  	_ =	shalt  }
0x75: {  	_ =	shalt  }
0x76: {  	_ =	shalt  }
0x77: {  	_ =	shalt  }
0x78: {  	_ =	shalt  }
0x79: {  	_ =	shalt  }
0x7a: {  	_ =	shalt  }
0x7b: {  	_ =	shalt  }
0x7c: {  	_ =	shalt  }
0x7d: {  	_ =	shalt  }
0x7e: {  	_ =	shalt  }
0x7f: {  	_ =	shalt  }
0x80: {  	_ =	shalt  }
0x81: {  	_ =	shalt  }
0x82: {  	_ =	shalt  }
0x83: {  	_ =	shalt  }
0x84: {  	_ =	shalt  }
0x85: {  	_ =	shalt  }
0x86: {  	_ =	shalt  }
0x87: {  	_ =	shalt  }
.Lfunc_end0:
.L_simem_size_0:
called_computation.1_lowered:
.L_overlay_start_0:
0x88: {  	s2 =	sld [smem:$0x3FD9]  }
0x89: {  	s3 =	sld [smem:$0x3FFE];
	_ =	sdelay $0x1  }
0x8a: {  	s1 =	srdreg.scid  }
0x8b: {  	s0 =	sand.u32 $0x1, s1  }
0x8c: {  	s16 =	sshll.u32 s0, $0xA;
	s2 =	sadd.s32 s3, s2  }
0x8d: {  	s2 =	sadd.s32 s2, s16  }
0x8e: {  	[smem:$0x3FC6] =	sst s2  }
0x8f: {  	_ = 	snop  }
0x90: {  	(tm) =	ssettm $0x1  }
0x91: {  	s17 =	sld [smem:$0x3FFB];
	_ =	sdelay $0x3  }
0x92: {  	_ =	strace s17  }
0x93: {  	s2 =	sld [smem:$0x3FFC];
	_ =	sdelay $0x3  }
0x94: {  	_ =	strace s2  }
0x95: {  	s2 =	sld [smem:$0x3FFD];
	_ =	sdelay $0x3  }
0x96: {  	_ =	strace s2  }
0x97: {  	_ =	strace $0x8FFFFFFF  }
0x98: {  	s18 =	sld [smem:$0x3FDB];
	_ =	sdelay $0x1  }
0x99: {  	s19 =	simm.s32 $_scs_section_size  }
0x9a: {  	s4 =	simm.s32 $_size__tile_overlayer_lowered;
	s5 =	simm.s32 $_tile_overlayer_lowered  }
0x9b: {  	s22 =	simm.s32 $0x1BFF;
	s21 =	sshll.u32 s5, $0x1;
	s2 =	sadd.s32 s19, s18  }
0x9c: {  	s6 =	simm.s32 $0x0;
	s20 =	sshll.u32 s4, $0x1;
	s4 =	sadd.s32 s21, s2  }
0x9d: {  	[timem:s6], [sflag:s22] =	dma.local [hbm:s4], s20  }
0x9e: {  	_ =	swait.ge [sflag:s22], s20  }
0x9f: {  	s3 =	ssub.s32 $0x0, s20;
	[sflag:s22] =	ssyncset.done $0x0  }
0xa0: {  	[sflag:s22] =	ssyncadd.s32 s3;
	_ =	sdelay $0x1  }
0xa1: {  	s23 =	simm.s32 $0x1B8B  }
0xa2: {  	_ =	swait.ge [sflag:s23], $0x1  }
0xa3: {  	[sflag:s23] =	ssyncset.done $0x0  }
0xa4: {  	s25 =	simm.s32 $0x1B8E;
	s24 =	sld [smem:$0x3FFE];
	[sflag:s23] =	ssyncadd.s32 $0xFFFFFFFF  }
0xa5: {  	s26 =	simm.s32 $execute0_lowered;
	[smem:$0x3FD2] =	sst s25  }
0xa6: {  	s4 =	sshll.u32 s26, $0x1;
	_ =	strace $0x80000049;
	[dreg:$0x1] =	wrdreg $0xFFFFFFFF  }
0xa7: {  	s28 =	simm.s32 $_size_execute0_lowered;
	s2 =	sadd.s32 s2, s4;
	[dreg:$0x0] =	wrdreg $0x0  }
0xa8: {  	s4 =	sshll.u32 s28, $0x1;
	[dreg:$0x2] =	wrdreg s2  }
0xa9: {  	[dreg:$0x3] =	wrdreg s4  }
0xaa: {  	[dreg:$0x4] =	wrdreg $0xC0  }
0xab: {  	_ =	task [dreg:s6], $0x5FFFF  }
0xac: {  	[dreg:$0x1] =	wrdreg $0xFFFFFFFF  }
0xad: {  	[dreg:$0x0] =	wrdreg $0x60  }
0xae: {  	[dreg:$0x2] =	wrdreg s24  }
0xaf: {  	[dreg:$0x3] =	wrdreg $0x9  }
0xb0: {  	_ =	task.clear_ibuf [dreg:s6], $0x4FFFF;
	_ =	strace $0x90000049  }
0xb1: {  	s29 =	simm.s32 $0x9;
	_ =	strace $0x8000004B  }
0xb2: {  	_ =	swait.ge [sflag:s29], $0x1  }
0xb3: {  	[sflag:s29] =	ssyncadd.s32 $0xFFFFFFFF  }
0xb4: {  	_ =	strace $0x9000004B  }
0xb5: {  	_ =	sfence  }
0xb6: {  	s30 =	sld [smem:$0x0];
	_ =	sdelay $0x2  }
0xb7: {  	s31 =	sshll.u32 s1, $0xD;
	s1 =	sshrl.u32 s1, $0x2  }
0xb8: {  	s3 =	sand.u32 $0x4000, s31;
	s1 =	sadd.s32 s1, s30  }
0xb9: {  	s0 =	sor.u32 s3, s0;
	s1 =	sshll.u32 s1, $0x11  }
0xba: {  	s0 =	sor.u32 s1, s0  }
0xbb: {  	s0 =	sadd.s32 $0x8F2B, s0  }
0xbc: {  	[sflag:s0] =	ssyncadd.remote.s32 $0x1  }
0xbd: {  	_ =	sfence.sel $0xFFFF  }
0xbe: {  	[dreg:$0x0] =	wrdreg $0xFFFFFFFF;
	(pc) =	sbr.abs _section_cstart, $3  }
0xbf: {  	[dreg:$0x1] =	wrdreg $0xFFFFFFFF  }
0xc0: {  	_ =	task.clear_ibuf [dreg:s6], $0x2FFFF;
	_ =	strace $0x9FFFFFFF  }
0xc1: {  	(tm) =	ssettm $0x7FFFFFFF  }
tec
execute0_lowered:
.L_overlay_start_1:
0x0: {  	(tag) =	ssettag $0x1  }
0x1: {  	s0 =	srdreg.scid  }
0x2: {  	s3 =	rddreg [dreg:$0x0];
	s1 =	stileid.u32;
	s2 =	simm.s32 $0x0  }
0x3: {  	s7 =	simm.s32 $0x8000;
	s8 =	simm.s32 $0x1;
	s10 =	simm.s32 $0x2  }
0x4: {  	s11 =	simm.s32 $0x0;
	s4 =	sand.u32 $0x1, s0;
	s0 =	rddreg [dreg:$0x1]  }
0x5: {  	s5 =	sshll.u32 s1, $0x10;
	s6 =	sshll.u32 s4, $0xF;
	s4 =	ssub.s32 $0x2, s4  }
0x6: {  	[smem:$0x7FF] =	sst s2;
	s9 =	sor.u32 s6, s5;
	s31 =	sshrl.u32 s4, $0x1  }
0x7: {  	_ =	strace $0x8000004A;
	s5 =	sshrl.u32 s9, $0x3;
	s6 =	ssub.s32 s4, s31  }
0x8: {  	v0 =	vmov s9;
	s9 =	simm.s32 $0x10000;
	s5 =	sadd.s32 s5, s3;
	s6 =	smax.u32 s6, $0x1  }
0x9: {  	v1 =	vimm.s32 $0x0;
	s3 =	sadd.s32 $0x3000, s5;
	s4 =	sadd.s32 $0x23000, s5;
	s5 =	sadd.s32 $0x52600, s5  }
.LBB2_1:
0xa: {  	s12 =	simm.s32 $0x40;
	s13 =	simm.s32 $0x0  }
.LBB2_2:
0xb: {  	p0 =	sne.s32 s12, $0x1FFC0;
	[tilespmem:s13+$0x10000] =	vst v1;
	s13 =	smov.u32 s12;
	s12 =	sadd.s32 $0x40, s12  }
.Ltmp0:
0xc: {  	(pc) =	sbr.rel @p0 .LBB2_2-.Ltmp0, $2  }
0xd: {  	_ =	sdelay $0x2  }
0xe: {  	s13 =	sshra.s32 s13, $0x2  }
0xf: {  	[tilespmem:s13+$0x10000] =	vst v1;
	s12 =	simm.s32 $0x0  }
0x10: {  	[tilespmem:s12], [sflag:$0x1] =	stream.linear.gather [hbm4b:s3+s12], $0x8000, $0x38;
	[tilespmem:$0x18000] =	vst v63  }
0x11: {  	_ = 	snop  }
0x12: {  	[tilespmem:s7], [sflag:$0x1] =	stream.linear.gather [hbm4b:s4+s12], $0x8000, $0x38;
	[tilespmem:$0x18000] =	vst v63  }
0x13: {  	_ =	swait.ge [sflag:s8], $0x8000  }
0x14: {  	[sflag:s8] =	ssyncset.done $0x0  }
0x15: {  	[sflag:s8] =	ssyncadd.s32 $0xFFFF8000  }
0x16: {  	_ =	swait.ge [sflag:s8], $0x8000  }
0x17: {  	[sflag:s8] =	ssyncset.done $0x0  }
0x18: {  	[sflag:s8] =	ssyncadd.s32 $0xFFFF8000  }
.LBB2_4:
0x19: {  	s13 =	sshra.s32 s12, $0x2  }
0x1a: {  	v2 =	vld [tilespmem:s13+$0x0];
	_ =	sdelay $0x4  }
0x1b: {  	v2 =	vsub.s32 v2, v0  }
0x1c: {  	vm0 =	vlt.u32 v2, $0x8000  }
0x1d: {  	v3 =	vld [tilespmem:s13+$0x8000];
	v2 =	vnsel vm0, $0x0, v2;
	_ =	sdelay $0x4  }
0x1e: {  	[tilespmem:v2+s9+$0x0] =	vst.idx.msk vm0, v3  }
0x1f: {  	v2 =	vld [tilespmem:s13+$0x10];
	_ =	sdelay $0x4  }
0x20: {  	v2 =	vsub.s32 v2, v0  }
0x21: {  	vm9 =	vlt.u32 v2, $0x8000  }
0x22: {  	v3 =	vld [tilespmem:s13+$0x8010];
	v2 =	vnsel vm9, $0x0, v2;
	_ =	sdelay $0x4  }
0x23: {  	[tilespmem:v2+s9+$0x0] =	vst.idx.msk vm9, v3  }
0x24: {  	v2 =	vld [tilespmem:s13+$0x20];
	_ =	sdelay $0x4  }
0x25: {  	v2 =	vsub.s32 v2, v0  }
0x26: {  	vm10 =	vlt.u32 v2, $0x8000  }
0x27: {  	v3 =	vld [tilespmem:s13+$0x8020];
	v2 =	vnsel vm10, $0x0, v2;
	_ =	sdelay $0x4  }
0x28: {  	[tilespmem:v2+s9+$0x0] =	vst.idx.msk vm10, v3  }
0x29: {  	v2 =	vld [tilespmem:s13+$0x30];
	_ =	sdelay $0x4  }
0x2a: {  	v2 =	vsub.s32 v2, v0  }
0x2b: {  	vm11 =	vlt.u32 v2, $0x8000  }
0x2c: {  	v3 =	vld [tilespmem:s13+$0x8030];
	v2 =	vnsel vm11, $0x0, v2;
	_ =	sdelay $0x4  }
0x2d: {  	[tilespmem:v2+s9+$0x0] =	vst.idx.msk vm11, v3  }
0x2e: {  	v2 =	vld [tilespmem:s13+$0x40];
	_ =	sdelay $0x4  }
0x2f: {  	v2 =	vsub.s32 v2, v0  }
0x30: {  	vm12 =	vlt.u32 v2, $0x8000  }
0x31: {  	v3 =	vld [tilespmem:s13+$0x8040];
	v2 =	vnsel vm12, $0x0, v2;
	_ =	sdelay $0x4  }
0x32: {  	[tilespmem:v2+s9+$0x0] =	vst.idx.msk vm12, v3  }
0x33: {  	v2 =	vld [tilespmem:s13+$0x50];
	_ =	sdelay $0x4  }
0x34: {  	v2 =	vsub.s32 v2, v0  }
0x35: {  	vm13 =	vlt.u32 v2, $0x8000  }
0x36: {  	v3 =	vld [tilespmem:s13+$0x8050];
	v2 =	vnsel vm13, $0x0, v2;
	_ =	sdelay $0x4  }
0x37: {  	[tilespmem:v2+s9+$0x0] =	vst.idx.msk vm13, v3  }
0x38: {  	v2 =	vld [tilespmem:s13+$0x60];
	_ =	sdelay $0x4  }
0x39: {  	v2 =	vsub.s32 v2, v0  }
0x3a: {  	vm14 =	vlt.u32 v2, $0x8000  }
0x3b: {  	v3 =	vld [tilespmem:s13+$0x8060];
	v2 =	vnsel vm14, $0x0, v2;
	_ =	sdelay $0x4  }
0x3c: {  	[tilespmem:v2+s9+$0x0] =	vst.idx.msk vm14, v3  }
0x3d: {  	v2 =	vld [tilespmem:s13+$0x70];
	_ =	sdelay $0x4  }
0x3e: {  	v2 =	vsub.s32 v2, v0  }
0x3f: {  	vm15 =	vlt.u32 v2, $0x8000  }
0x40: {  	p0 =	sne.s32 s12, $0x1FE00;
	v3 =	vld [tilespmem:s13+$0x8070];
	v2 =	vnsel vm15, $0x0, v2  }
.Ltmp1:
0x41: {  	_ = 	snop;
	(pc) =	sbr.rel @p0 .LBB2_4-.Ltmp1, $2  }
0x42: {  	_ =	sdelay $0x2  }
0x43: {  	s12 =	sadd.s32 $0x200, s12;
	[tilespmem:v2+s9+$0x0] =	vst.idx.msk vm15, v3  }
0x44: {  	s11 =	sadd.s32 $0x1, s11  }
0x45: {  	p0 =	sne.s32 s11, s6  }
.Ltmp2:
0x46: {  	_ = 	snop;
	(pc) =	sbr.rel @p0 .LBB2_1-.Ltmp2, $4  }
0x47: {  	[hbm4b:s5+s2] =	stream.linear.scatter [tilespmem:s9], [sflag:$0x2], $0x8000, $0x38;
	[tilespmem:$0x18000] =	vst v63  }
0x48: {  	_ =	swait.ge [sflag:s10], $0x8000  }
0x49: {  	[sflag:s10] =	ssyncset.done $0x0  }
0x4a: {  	[sflag:s10] =	ssyncadd.s32 $0xFFFF8000  }
0x4b: {  	_ =	sfence.sel $0x180000  }
0x4c: {  	[bflag:$0x0] =	sbarrier.arrive $0xFFFF  }
0x4d: {  	p0 =	sne.s32 s1, $0x0;
	_ =	strace $0x9000004A  }
0x4e: {  	s0 =	sadd.s32 @!p0 $0x100000, s0;
	[bflag:$0x2] =	sbarrier.arrive $0xFFFF  }
0x4f: {  	[sflag:s0] =	ssyncadd.tile.s32 @!p0 $0x1;
	_ =	shalt  }
.Lfunc_end2:
_tile_overlayer_lowered:
.L_overlay_start_2:
0x50: {  	(tag) =	ssettag $0x2  }
0x51: {  	s0 =	rddreg [dreg:$0x0];
	s2 =	stileid.u32  }
0x52: {  	s1 =	rddreg [dreg:$0x1];
	p0 =	sne.s32 s2, $0x0  }
0x53: {  	s3 =	rddreg [dreg:$0x2];
	[bflag:$0x3] =	sbarrier.arrive $0xFFFF;
	s2 =	simm.s32 @!p0 $0x1C02  }
0x54: {  	[timem:s3], [sflag:s2] =	dma.local @!p0 [hbm:s0], s1  }
0x55: {  	s0 =	simm.s32 @!p0 $0x2  }
0x56: {  	_ =	swait.ge @!p0 [sflag:s0], s1  }
0x57: {  	s1 =	ssub.s32 @!p0 $0x0, s1;
	[sflag:s0] =	ssyncset.done @!p0 $0x0  }
0x58: {  	[sflag:s0] =	ssyncadd.s32 @!p0 s1  }
0x59: {  	[bflag:$0x3] =	sbarrier.arrive $0xFFFF  }
0x5a: {  	_ =	shalt  }

</sc_bundles>
